<compile_context>
chip_gen: v7x
topology: tpu7x:2x2x1
jax: 0.10.2.dev20260603
libtpu: 0.0.44.dev20260713+nightly
codegen_flags: <defaults>
</compile_context>

<pallas_src>
import jax
import jax.numpy as jnp
from jax import lax
from jax.experimental import pallas as pl
from jax.experimental.pallas import tpu as pltpu
from jax.experimental.pallas import tpu_sc as plsc

P = 128
K = 8
L = 16
CHUNKS = P // L
BIG = 3.0e38
IDX_MASK = 0x7F
NINTH = 1.0 / 9.0


def _sc_body(d_hbm, out_hbm, in_v0, in_v1, out_v0, out_v1,
             isem0, isem1, osem0, osem1):
    num_cores = 2
    wid = lax.axis_index("s") * num_cores + lax.axis_index("c")

    lane = lax.iota(jnp.int32, L)
    m_lo = lane < K
    m_sel = lane <= K
    chunk_idx = [lane + L * c for c in range(CHUNKS)]
    zeros16 = jnp.zeros((L,), jnp.float32)
    ninth16 = jnp.full((L,), NINTH, jnp.float32)
    big16 = jnp.full((L,), BIG, jnp.float32)
    hi_mask = jnp.full((L,), ~IDX_MASK, jnp.int32)
    lo_mask = jnp.full((L,), IDX_MASK, jnp.int32)

    def merge(a, b_inv, out_inverted):
        if out_inverted:
            c = jnp.where(m_lo, ~a, b_inv)
        else:
            c = jnp.where(m_lo, a, ~b_inv)
        return lax.sort(c, dimension=0)

    def compute_block(in_v, off, out_v):
        for g in range(CHUNKS):
            diag = lane + L * g
            plsc.store_scatter(in_v, [off + diag, diag], big16)

        def row_body(r):
            i_splat = jnp.full((L,), r, jnp.int32)
            level = []
            for c in range(CHUNKS):
                bits = lax.bitcast_convert_type(in_v[off + r, pl.ds(c * L, L)], jnp.int32)
                key = (bits & hi_mask) | chunk_idx[c]
                level.append(lax.sort(key if c % 2 == 0 else ~key, dimension=0))
            while len(level) > 1:
                level = [
                    merge(level[i], level[i + 1], out_inverted=(i // 2) % 2 == 1 and len(level) > 2)
                    for i in range(0, len(level), 2)
                ]
            for c in range(CHUNKS):
                out_v[r, pl.ds(c * L, L)] = zeros16
            idx9 = jnp.where(lane == K, i_splat, level[0] & lo_mask)
            plsc.store_scatter(out_v, [i_splat, idx9], ninth16, mask=m_sel)

        plsc.parallel_loop(0, P, unroll=2)(row_body)

    in_bufs = [(in_v0, isem0), (in_v1, isem1)]
    out_bufs = [(out_v0, osem0), (out_v1, osem1)]

    def in_slice(ib):
        return pl.ds((wid * 16 + ib) * (2 * P), 2 * P)

    def out_slice(ob):
        return pl.ds((wid * 32 + ob) * P, P)

    pltpu.async_copy(d_hbm.at[in_slice(0)], in_v0, isem0)
    pltpu.async_copy(d_hbm.at[in_slice(1)], in_v1, isem1)

    def pair_body(g, _):
        for p, (in_b, isem) in enumerate(in_bufs):
            ib = 2 * g + p
            pltpu.make_async_copy(d_hbm.at[in_slice(0)], in_b, isem).wait()

            for m, (out_b, osem) in enumerate(out_bufs):
                ob = 2 * ib + m

                @pl.when(ob >= 2)
                def _():
                    pltpu.make_async_copy(out_b, out_hbm.at[out_slice(0)], osem).wait()

                compute_block(in_b, m * P, out_b)
                pltpu.async_copy(out_b, out_hbm.at[out_slice(ob)], osem)

            @pl.when(ib + 2 < 16)
            def _():
                pltpu.async_copy(d_hbm.at[in_slice(ib + 2)], in_b, isem)

        return ()

    lax.fori_loop(0, 8, pair_body, ())
    pltpu.make_async_copy(out_v0, out_hbm.at[out_slice(0)], osem0).wait()
    pltpu.make_async_copy(out_v1, out_hbm.at[out_slice(0)], osem1).wait()


@jax.jit
def _dyn_graph(d2):
    rows = d2.shape[0]
    mesh = plsc.VectorSubcoreMesh(core_axis_name="c", subcore_axis_name="s")
    return pl.kernel(
        _sc_body,
        out_type=jax.ShapeDtypeStruct((rows, P), jnp.float32),
        mesh=mesh,
        scratch_types=[
            pltpu.VMEM((2 * P, P), jnp.float32),
            pltpu.VMEM((2 * P, P), jnp.float32),
            pltpu.VMEM((P, P), jnp.float32),
            pltpu.VMEM((P, P), jnp.float32),
            pltpu.SemaphoreType.DMA,
            pltpu.SemaphoreType.DMA,
            pltpu.SemaphoreType.DMA,
            pltpu.SemaphoreType.DMA,
        ],
        compiler_params=pltpu.CompilerParams(needs_layout_passes=False),
    )(d2)


def kernel(distances):
    B, T, Pa, Pb = distances.shape
    d2 = distances.reshape(B * T * Pa, Pb)
    out = _dyn_graph(d2)
    return out.reshape(B, T, Pa, Pb)

# --- scband reference (transcript-rebuilt; emitter-appended) ---
"""Pipeline reference for scband-dynamic-graph-construction-27204322853262 (READ-ONLY COPY).

The authoritative reference and input builder live on the scoring server;
editing this copy changes nothing except your own understanding.
"""

import jax, jax.numpy as jnp
import numpy as np

K_NEIGHBORS = 8
SELF_LOOP = True


def setup_inputs(seed: int = 0) -> dict:
    key = jax.random.key(seed)
    B, T, P = 16, 64, 128
    distances = jax.random.uniform(key, (B, T, P, P), dtype=jnp.float32) * 10.0
    return {"distances": distances}


def _normalize_adjacency(adjacency):
    degree = jnp.sum(adjacency, axis=-1, keepdims=True)
    degree = jnp.clip(degree, 1e-08, None)
    degree_inv_sqrt = jnp.power(degree, -0.5)
    return degree_inv_sqrt * adjacency * jnp.swapaxes(degree_inv_sqrt, -2, -1)


def reference(distances):
    B, T, P, P_check = distances.shape
    assert P == P_check, 'Distance matrix must be square'
    k = min(K_NEIGHBORS, P - 1)
    eye = jnp.eye(P, dtype=distances.dtype)
    # mask out self-distances with a large constant, then take k smallest
    dist_masked = distances + eye[None, None, :, :] * 1e10
    _, indices = jax.lax.top_k(-dist_masked, k)  # [B, T, P, k] indices of k nearest neighbors
    # scatter 1.0 at neighbor positions (indices from top_k are distinct per row)
    adjacency = jnp.sum(jax.nn.one_hot(indices, P, dtype=distances.dtype), axis=-2)  # [B, T, P, P]
    if SELF_LOOP:
        adjacency = adjacency + eye[None, None, :, :]
    adjacency = _normalize_adjacency(adjacency)
    return adjacency

if __name__ == "__main__":
    import jax
    _d = setup_inputs()
    print(jax.jit(kernel)(*tuple(_d.values())))

</pallas_src>

<mosaic_0001>
#map = affine_map<(d0, d1) -> (0, 0)>
module attributes {stable_mosaic.version = 14 : i64} {
  func.func @_sc_body(%arg0: i32, %arg1: i32, %arg2: memref<131072x128xf32, #tpu.memory_space<hbm>>, %arg3: memref<131072x128xf32, #tpu.memory_space<hbm>>, %arg4: memref<256x128xf32, #tpu.memory_space<vmem>>, %arg5: memref<256x128xf32, #tpu.memory_space<vmem>>, %arg6: memref<128x128xf32, #tpu.memory_space<vmem>>, %arg7: memref<128x128xf32, #tpu.memory_space<vmem>>, %arg8: memref<!tpu.dma_semaphore, #tpu.memory_space<semaphore_mem>>, %arg9: memref<!tpu.dma_semaphore, #tpu.memory_space<semaphore_mem>>, %arg10: memref<!tpu.dma_semaphore, #tpu.memory_space<semaphore_mem>>, %arg11: memref<!tpu.dma_semaphore, #tpu.memory_space<semaphore_mem>>) attributes {dimension_semantics = [#tpu.dimension_semantics<core_parallel>, #tpu.dimension_semantics<subcore_parallel>], iteration_bounds = array<i64: 2, 16>, scalar_prefetch = 0 : i64, scratch_operands = 8 : i64, tpu.core_type = #tpu.core_type<sc_vector_subcore>, window_params = [{transform_indices = #map}, {transform_indices = #map}]} {
    %mul3A = arith.constant 2 : i32
    %mul3A_0 = arith.muli %arg1, %mul3A : i32
    %add3A = arith.addi %mul3A_0, %arg0 : i32
    %iota3A = tpu.iota {dimensions = array<i32: 0>} : vector<16xi32>
    %lt3A = arith.constant 8 : i32
    %lt3A_1 = vector.broadcast %lt3A : i32 to vector<16xi32>
    %lt3A_2 = arith.cmpi slt, %iota3A, %lt3A_1 : vector<16xi32>
    %le3A = arith.constant 8 : i32
    %le3A_3 = vector.broadcast %le3A : i32 to vector<16xi32>
    %le3A_4 = arith.cmpi sle, %iota3A, %le3A_3 : vector<16xi32>
    %add3A_5 = arith.constant 0 : i32
    %add3A_6 = vector.broadcast %add3A_5 : i32 to vector<16xi32>
    %add3A_7 = arith.addi %iota3A, %add3A_6 : vector<16xi32>
    %add3A_8 = arith.constant 16 : i32
    %add3A_9 = vector.broadcast %add3A_8 : i32 to vector<16xi32>
    %add3A_10 = arith.addi %iota3A, %add3A_9 : vector<16xi32>
    %add3A_11 = arith.constant 32 : i32
    %add3A_12 = vector.broadcast %add3A_11 : i32 to vector<16xi32>
    %add3A_13 = arith.addi %iota3A, %add3A_12 : vector<16xi32>
    %add3A_14 = arith.constant 48 : i32
    %add3A_15 = vector.broadcast %add3A_14 : i32 to vector<16xi32>
    %add3A_16 = arith.addi %iota3A, %add3A_15 : vector<16xi32>
    %add3A_17 = arith.constant 64 : i32
    %add3A_18 = vector.broadcast %add3A_17 : i32 to vector<16xi32>
    %add3A_19 = arith.addi %iota3A, %add3A_18 : vector<16xi32>
    %add3A_20 = arith.constant 80 : i32
    %add3A_21 = vector.broadcast %add3A_20 : i32 to vector<16xi32>
    %add3A_22 = arith.addi %iota3A, %add3A_21 : vector<16xi32>
    %add3A_23 = arith.constant 96 : i32
    %add3A_24 = vector.broadcast %add3A_23 : i32 to vector<16xi32>
    %add3A_25 = arith.addi %iota3A, %add3A_24 : vector<16xi32>
    %add3A_26 = arith.constant 112 : i32
    %add3A_27 = vector.broadcast %add3A_26 : i32 to vector<16xi32>
    %add3A_28 = arith.addi %iota3A, %add3A_27 : vector<16xi32>
    %broadcast_in_dim3A = arith.constant 0.000000e+00 : f32
    %broadcast_in_dim3A_29 = vector.broadcast %broadcast_in_dim3A : f32 to vector<16xf32>
    %broadcast_in_dim3A_30 = arith.constant 0.111111112 : f32
    %broadcast_in_dim3A_31 = vector.broadcast %broadcast_in_dim3A_30 : f32 to vector<16xf32>
    %broadcast_in_dim3A_32 = arith.constant 3.000000e+38 : f32
    %broadcast_in_dim3A_33 = vector.broadcast %broadcast_in_dim3A_32 : f32 to vector<16xf32>
    %broadcast_in_dim3A_34 = arith.constant -128 : i32
    %broadcast_in_dim3A_35 = vector.broadcast %broadcast_in_dim3A_34 : i32 to vector<16xi32>
    %broadcast_in_dim3A_36 = arith.constant 127 : i32
    %broadcast_in_dim3A_37 = vector.broadcast %broadcast_in_dim3A_36 : i32 to vector<16xi32>
    %mul3A_38 = arith.constant 16 : i32
    %mul3A_39 = arith.muli %add3A, %mul3A_38 : i32
    %add3A_40 = arith.constant 0 : i32
    %add3A_41 = arith.addi %mul3A_39, %add3A_40 : i32
    %mul3A_42 = arith.constant 256 : i32
    %mul3A_43 = arith.muli %add3A_41, %mul3A_42 : i32
    %dma_start3A = arith.constant 0 : i32
    %dma_start3A_44 = tpu.memref_slice %arg2[%mul3A_43, %dma_start3A] : memref<131072x128xf32, #tpu.memory_space<hbm>> -> memref<256x128xf32, #tpu.memory_space<hbm>>
    %dma_start3A_45 = arith.constant 0 : i32
    %dma_start3A_46 = tpu.memref_slice %arg2[%mul3A_43, %dma_start3A_45] : memref<131072x128xf32, #tpu.memory_space<hbm>> -> memref<256x128xf32, #tpu.memory_space<hbm>>
    tpu.enqueue_dma source(%dma_start3A_46 : memref<256x128xf32, #tpu.memory_space<hbm>>) target(%arg4 : memref<256x128xf32, #tpu.memory_space<vmem>>) target_semaphore(%arg8 : memref<!tpu.dma_semaphore, #tpu.memory_space<semaphore_mem>>)
    %mul3A_47 = arith.constant 16 : i32
    %mul3A_48 = arith.muli %add3A, %mul3A_47 : i32
    %add3A_49 = arith.constant 1 : i32
    %add3A_50 = arith.addi %mul3A_48, %add3A_49 : i32
    %mul3A_51 = arith.constant 256 : i32
    %mul3A_52 = arith.muli %add3A_50, %mul3A_51 : i32
    %dma_start3A_53 = arith.constant 0 : i32
    %dma_start3A_54 = tpu.memref_slice %arg2[%mul3A_52, %dma_start3A_53] : memref<131072x128xf32, #tpu.memory_space<hbm>> -> memref<256x128xf32, #tpu.memory_space<hbm>>
    %dma_start3A_55 = arith.constant 0 : i32
    %dma_start3A_56 = tpu.memref_slice %arg2[%mul3A_52, %dma_start3A_55] : memref<131072x128xf32, #tpu.memory_space<hbm>> -> memref<256x128xf32, #tpu.memory_space<hbm>>
    tpu.enqueue_dma source(%dma_start3A_56 : memref<256x128xf32, #tpu.memory_space<hbm>>) target(%arg5 : memref<256x128xf32, #tpu.memory_space<vmem>>) target_semaphore(%arg9 : memref<!tpu.dma_semaphore, #tpu.memory_space<semaphore_mem>>)
    %scan3A = arith.constant 0 : i32
    %scan3A_57 = arith.constant 8 : i32
    %scan3A_58 = arith.addi %scan3A, %scan3A_57 : i32
    %scan3A_59 = arith.constant 1 : i32
    scf.for %scan3A_80 = %scan3A to %scan3A_58 step %scan3A_59  : i32 {
      %mul3A_81 = arith.constant 2 : i32
      %mul3A_82 = arith.muli %mul3A_81, %scan3A_80 : i32
      %add3A_83 = arith.constant 0 : i32
      %add3A_84 = arith.addi %mul3A_82, %add3A_83 : i32
      %mul3A_85 = arith.constant 16 : i32
      %mul3A_86 = arith.muli %add3A, %mul3A_85 : i32
      %add3A_87 = arith.constant 0 : i32
      %add3A_88 = arith.addi %mul3A_86, %add3A_87 : i32
      %mul3A_89 = arith.constant 256 : i32
      %mul3A_90 = arith.muli %add3A_88, %mul3A_89 : i32
      %dma_wait3A_91 = arith.constant 0 : i32
      %dma_wait3A_92 = tpu.memref_slice %arg2[%mul3A_90, %dma_wait3A_91] : memref<131072x128xf32, #tpu.memory_space<hbm>> -> memref<256x128xf32, #tpu.memory_space<hbm>>
      %dma_wait3A_93 = arith.constant 0 : i32
      %dma_wait3A_94 = tpu.memref_slice %arg2[%mul3A_90, %dma_wait3A_93] : memref<131072x128xf32, #tpu.memory_space<hbm>> -> memref<256x128xf32, #tpu.memory_space<hbm>>
      tpu.wait_dma2 semaphore(%arg8 : memref<!tpu.dma_semaphore, #tpu.memory_space<semaphore_mem>>) src(%dma_wait3A_94 : memref<256x128xf32, #tpu.memory_space<hbm>>) dst(%arg4 : memref<256x128xf32, #tpu.memory_space<vmem>>)
      %mul3A_95 = arith.constant 2 : i32
      %mul3A_96 = arith.muli %mul3A_95, %add3A_84 : i32
      %add3A_97 = arith.constant 0 : i32
      %add3A_98 = arith.addi %mul3A_96, %add3A_97 : i32
      %ge3A = arith.constant 2 : i32
      %ge3A_99 = arith.cmpi sge, %add3A_98, %ge3A : i32
      %convert_element_type3A = arith.extui %ge3A_99 : i1 to i32
      %cond3A = arith.constant 0 : i32
      %cond3A_100 = arith.cmpi ne, %convert_element_type3A, %cond3A : i32
      scf.if %cond3A_100 {
        %mul3A_395 = arith.constant 32 : i32
        %mul3A_396 = arith.muli %add3A, %mul3A_395 : i32
        %add3A_397 = arith.constant 0 : i32
        %add3A_398 = arith.addi %mul3A_396, %add3A_397 : i32
        %mul3A_399 = arith.constant 128 : i32
        %mul3A_400 = arith.muli %add3A_398, %mul3A_399 : i32
        %dma_wait3A_401 = arith.constant 0 : i32
        %dma_wait3A_402 = tpu.memref_slice %arg3[%mul3A_400, %dma_wait3A_401] : memref<131072x128xf32, #tpu.memory_space<hbm>> -> memref<128x128xf32, #tpu.memory_space<hbm>>
        %dma_wait3A_403 = arith.constant 0 : i32
        %dma_wait3A_404 = tpu.memref_slice %arg3[%mul3A_400, %dma_wait3A_403] : memref<131072x128xf32, #tpu.memory_space<hbm>> -> memref<128x128xf32, #tpu.memory_space<hbm>>
        tpu.wait_dma2 semaphore(%arg10 : memref<!tpu.dma_semaphore, #tpu.memory_space<semaphore_mem>>) src(%arg6 : memref<128x128xf32, #tpu.memory_space<vmem>>) dst(%dma_wait3A_404 : memref<128x128xf32, #tpu.memory_space<hbm>>)
      } else {
      }
      %add3A_101 = arith.constant 0 : i32
      %add3A_102 = vector.broadcast %add3A_101 : i32 to vector<16xi32>
      %add3A_103 = arith.addi %iota3A, %add3A_102 : vector<16xi32>
      %add3A_104 = arith.constant 0 : i32
      %add3A_105 = vector.broadcast %add3A_104 : i32 to vector<16xi32>
      %add3A_106 = arith.addi %add3A_105, %add3A_103 : vector<16xi32>
      tpu.vector_store_idx %arg4[%add3A_106, %add3A_103], %broadcast_in_dim3A_33 : memref<256x128xf32, #tpu.memory_space<vmem>>[vector<16xi32>, vector<16xi32>], vector<16xf32>,
      %add3A_107 = arith.constant 16 : i32
      %add3A_108 = vector.broadcast %add3A_107 : i32 to vector<16xi32>
      %add3A_109 = arith.addi %iota3A, %add3A_108 : vector<16xi32>
      %add3A_110 = arith.constant 0 : i32
      %add3A_111 = vector.broadcast %add3A_110 : i32 to vector<16xi32>
      %add3A_112 = arith.addi %add3A_111, %add3A_109 : vector<16xi32>
      tpu.vector_store_idx %arg4[%add3A_112, %add3A_109], %broadcast_in_dim3A_33 : memref<256x128xf32, #tpu.memory_space<vmem>>[vector<16xi32>, vector<16xi32>], vector<16xf32>,
      %add3A_113 = arith.constant 32 : i32
      %add3A_114 = vector.broadcast %add3A_113 : i32 to vector<16xi32>
      %add3A_115 = arith.addi %iota3A, %add3A_114 : vector<16xi32>
      %add3A_116 = arith.constant 0 : i32
      %add3A_117 = vector.broadcast %add3A_116 : i32 to vector<16xi32>
      %add3A_118 = arith.addi %add3A_117, %add3A_115 : vector<16xi32>
      tpu.vector_store_idx %arg4[%add3A_118, %add3A_115], %broadcast_in_dim3A_33 : memref<256x128xf32, #tpu.memory_space<vmem>>[vector<16xi32>, vector<16xi32>], vector<16xf32>,
      %add3A_119 = arith.constant 48 : i32
      %add3A_120 = vector.broadcast %add3A_119 : i32 to vector<16xi32>
      %add3A_121 = arith.addi %iota3A, %add3A_120 : vector<16xi32>
      %add3A_122 = arith.constant 0 : i32
      %add3A_123 = vector.broadcast %add3A_122 : i32 to vector<16xi32>
      %add3A_124 = arith.addi %add3A_123, %add3A_121 : vector<16xi32>
      tpu.vector_store_idx %arg4[%add3A_124, %add3A_121], %broadcast_in_dim3A_33 : memref<256x128xf32, #tpu.memory_space<vmem>>[vector<16xi32>, vector<16xi32>], vector<16xf32>,
      %add3A_125 = arith.constant 64 : i32
      %add3A_126 = vector.broadcast %add3A_125 : i32 to vector<16xi32>
      %add3A_127 = arith.addi %iota3A, %add3A_126 : vector<16xi32>
      %add3A_128 = arith.constant 0 : i32
      %add3A_129 = vector.broadcast %add3A_128 : i32 to vector<16xi32>
      %add3A_130 = arith.addi %add3A_129, %add3A_127 : vector<16xi32>
      tpu.vector_store_idx %arg4[%add3A_130, %add3A_127], %broadcast_in_dim3A_33 : memref<256x128xf32, #tpu.memory_space<vmem>>[vector<16xi32>, vector<16xi32>], vector<16xf32>,
      %add3A_131 = arith.constant 80 : i32
      %add3A_132 = vector.broadcast %add3A_131 : i32 to vector<16xi32>
      %add3A_133 = arith.addi %iota3A, %add3A_132 : vector<16xi32>
      %add3A_134 = arith.constant 0 : i32
      %add3A_135 = vector.broadcast %add3A_134 : i32 to vector<16xi32>
      %add3A_136 = arith.addi %add3A_135, %add3A_133 : vector<16xi32>
      tpu.vector_store_idx %arg4[%add3A_136, %add3A_133], %broadcast_in_dim3A_33 : memref<256x128xf32, #tpu.memory_space<vmem>>[vector<16xi32>, vector<16xi32>], vector<16xf32>,
      %add3A_137 = arith.constant 96 : i32
      %add3A_138 = vector.broadcast %add3A_137 : i32 to vector<16xi32>
      %add3A_139 = arith.addi %iota3A, %add3A_138 : vector<16xi32>
      %add3A_140 = arith.constant 0 : i32
      %add3A_141 = vector.broadcast %add3A_140 : i32 to vector<16xi32>
      %add3A_142 = arith.addi %add3A_141, %add3A_139 : vector<16xi32>
      tpu.vector_store_idx %arg4[%add3A_142, %add3A_139], %broadcast_in_dim3A_33 : memref<256x128xf32, #tpu.memory_space<vmem>>[vector<16xi32>, vector<16xi32>], vector<16xf32>,
      %add3A_143 = arith.constant 112 : i32
      %add3A_144 = vector.broadcast %add3A_143 : i32 to vector<16xi32>
      %add3A_145 = arith.addi %iota3A, %add3A_144 : vector<16xi32>
      %add3A_146 = arith.constant 0 : i32
      %add3A_147 = vector.broadcast %add3A_146 : i32 to vector<16xi32>
      %add3A_148 = arith.addi %add3A_147, %add3A_145 : vector<16xi32>
      tpu.vector_store_idx %arg4[%add3A_148, %add3A_145], %broadcast_in_dim3A_33 : memref<256x128xf32, #tpu.memory_space<vmem>>[vector<16xi32>, vector<16xi32>], vector<16xf32>,
      %parallel_loop3A = arith.constant 0 : i32
      %parallel_loop3A_149 = arith.constant 128 : i32
      %parallel_loop3A_150 = arith.constant 1 : i32
      scf.for %parallel_loop3A_395 = %parallel_loop3A to %parallel_loop3A_149 step %parallel_loop3A_150  : i32 {
        %parallel_loop3A_396 = vector.broadcast %parallel_loop3A_395 : i32 to vector<16xi32>
        %parallel_loop3A_397 = arith.constant 0 : i32
        %parallel_loop3A_398 = arith.addi %parallel_loop3A_397, %parallel_loop3A_395 : i32
        %parallel_loop3A_399 = arith.index_cast %parallel_loop3A_398 : i32 to index
        %parallel_loop3A_400 = arith.constant 0 : index
        %parallel_loop3A_401 = tpu.vector_load %arg4[%parallel_loop3A_399, %parallel_loop3A_400] {strides = array<i32>} : memref<256x128xf32, #tpu.memory_space<vmem>>, vector<16xf32>,
        %parallel_loop3A_402 = tpu.bitcast %parallel_loop3A_401 : vector<16xf32> -> vector<16xi32>
        %parallel_loop3A_403 = arith.andi %parallel_loop3A_402, %broadcast_in_dim3A_35 : vector<16xi32>
        %parallel_loop3A_404 = arith.ori %parallel_loop3A_403, %add3A_7 : vector<16xi32>
        %parallel_loop3A_405 = arith.constant dense<true> : vector<16xi1>
        %parallel_loop3A_406, %parallel_loop3A_407, %parallel_loop3A_408 = tpu.sort %parallel_loop3A_404, %parallel_loop3A_404 masked %parallel_loop3A_405 : (vector<16xi32>, vector<16xi32>, vector<16xi1>) -> (vector<16xi1>, vector<16xi32>, vector<16xi32>)
        %parallel_loop3A_409 = arith.constant 0 : i32
        %parallel_loop3A_410 = arith.addi %parallel_loop3A_409, %parallel_loop3A_395 : i32
        %parallel_loop3A_411 = arith.index_cast %parallel_loop3A_410 : i32 to index
        %parallel_loop3A_412 = arith.constant 16 : index
        %parallel_loop3A_413 = tpu.vector_load %arg4[%parallel_loop3A_411, %parallel_loop3A_412] {strides = array<i32>} : memref<256x128xf32, #tpu.memory_space<vmem>>, vector<16xf32>,
        %parallel_loop3A_414 = tpu.bitcast %parallel_loop3A_413 : vector<16xf32> -> vector<16xi32>
        %parallel_loop3A_415 = arith.andi %parallel_loop3A_414, %broadcast_in_dim3A_35 : vector<16xi32>
        %parallel_loop3A_416 = arith.ori %parallel_loop3A_415, %add3A_10 : vector<16xi32>
        %parallel_loop3A_417 = arith.constant dense<-1> : vector<16xi32>
        %parallel_loop3A_418 = arith.xori %parallel_loop3A_416, %parallel_loop3A_417 : vector<16xi32>
        %parallel_loop3A_419 = arith.constant dense<true> : vector<16xi1>
        %parallel_loop3A_420, %parallel_loop3A_421, %parallel_loop3A_422 = tpu.sort %parallel_loop3A_418, %parallel_loop3A_418 masked %parallel_loop3A_419 : (vector<16xi32>, vector<16xi32>, vector<16xi1>) -> (vector<16xi1>, vector<16xi32>, vector<16xi32>)
        %parallel_loop3A_423 = arith.constant 0 : i32
        %parallel_loop3A_424 = arith.addi %parallel_loop3A_423, %parallel_loop3A_395 : i32
        %parallel_loop3A_425 = arith.index_cast %parallel_loop3A_424 : i32 to index
        %parallel_loop3A_426 = arith.constant 32 : index
        %parallel_loop3A_427 = tpu.vector_load %arg4[%parallel_loop3A_425, %parallel_loop3A_426] {strides = array<i32>} : memref<256x128xf32, #tpu.memory_space<vmem>>, vector<16xf32>,
        %parallel_loop3A_428 = tpu.bitcast %parallel_loop3A_427 : vector<16xf32> -> vector<16xi32>
        %parallel_loop3A_429 = arith.andi %parallel_loop3A_428, %broadcast_in_dim3A_35 : vector<16xi32>
        %parallel_loop3A_430 = arith.ori %parallel_loop3A_429, %add3A_13 : vector<16xi32>
        %parallel_loop3A_431 = arith.constant dense<true> : vector<16xi1>
        %parallel_loop3A_432, %parallel_loop3A_433, %parallel_loop3A_434 = tpu.sort %parallel_loop3A_430, %parallel_loop3A_430 masked %parallel_loop3A_431 : (vector<16xi32>, vector<16xi32>, vector<16xi1>) -> (vector<16xi1>, vector<16xi32>, vector<16xi32>)
        %parallel_loop3A_435 = arith.constant 0 : i32
        %parallel_loop3A_436 = arith.addi %parallel_loop3A_435, %parallel_loop3A_395 : i32
        %parallel_loop3A_437 = arith.index_cast %parallel_loop3A_436 : i32 to index
        %parallel_loop3A_438 = arith.constant 48 : index
        %parallel_loop3A_439 = tpu.vector_load %arg4[%parallel_loop3A_437, %parallel_loop3A_438] {strides = array<i32>} : memref<256x128xf32, #tpu.memory_space<vmem>>, vector<16xf32>,
        %parallel_loop3A_440 = tpu.bitcast %parallel_loop3A_439 : vector<16xf32> -> vector<16xi32>
        %parallel_loop3A_441 = arith.andi %parallel_loop3A_440, %broadcast_in_dim3A_35 : vector<16xi32>
        %parallel_loop3A_442 = arith.ori %parallel_loop3A_441, %add3A_16 : vector<16xi32>
        %parallel_loop3A_443 = arith.constant dense<-1> : vector<16xi32>
        %parallel_loop3A_444 = arith.xori %parallel_loop3A_442, %parallel_loop3A_443 : vector<16xi32>
        %parallel_loop3A_445 = arith.constant dense<true> : vector<16xi1>
        %parallel_loop3A_446, %parallel_loop3A_447, %parallel_loop3A_448 = tpu.sort %parallel_loop3A_444, %parallel_loop3A_444 masked %parallel_loop3A_445 : (vector<16xi32>, vector<16xi32>, vector<16xi1>) -> (vector<16xi1>, vector<16xi32>, vector<16xi32>)
        %parallel_loop3A_449 = arith.constant 0 : i32
        %parallel_loop3A_450 = arith.addi %parallel_loop3A_449, %parallel_loop3A_395 : i32
        %parallel_loop3A_451 = arith.index_cast %parallel_loop3A_450 : i32 to index
        %parallel_loop3A_452 = arith.constant 64 : index
        %parallel_loop3A_453 = tpu.vector_load %arg4[%parallel_loop3A_451, %parallel_loop3A_452] {strides = array<i32>} : memref<256x128xf32, #tpu.memory_space<vmem>>, vector<16xf32>,
        %parallel_loop3A_454 = tpu.bitcast %parallel_loop3A_453 : vector<16xf32> -> vector<16xi32>
        %parallel_loop3A_455 = arith.andi %parallel_loop3A_454, %broadcast_in_dim3A_35 : vector<16xi32>
        %parallel_loop3A_456 = arith.ori %parallel_loop3A_455, %add3A_19 : vector<16xi32>
        %parallel_loop3A_457 = arith.constant dense<true> : vector<16xi1>
        %parallel_loop3A_458, %parallel_loop3A_459, %parallel_loop3A_460 = tpu.sort %parallel_loop3A_456, %parallel_loop3A_456 masked %parallel_loop3A_457 : (vector<16xi32>, vector<16xi32>, vector<16xi1>) -> (vector<16xi1>, vector<16xi32>, vector<16xi32>)
        %parallel_loop3A_461 = arith.constant 0 : i32
        %parallel_loop3A_462 = arith.addi %parallel_loop3A_461, %parallel_loop3A_395 : i32
        %parallel_loop3A_463 = arith.index_cast %parallel_loop3A_462 : i32 to index
        %parallel_loop3A_464 = arith.constant 80 : index
        %parallel_loop3A_465 = tpu.vector_load %arg4[%parallel_loop3A_463, %parallel_loop3A_464] {strides = array<i32>} : memref<256x128xf32, #tpu.memory_space<vmem>>, vector<16xf32>,
        %parallel_loop3A_466 = tpu.bitcast %parallel_loop3A_465 : vector<16xf32> -> vector<16xi32>
        %parallel_loop3A_467 = arith.andi %parallel_loop3A_466, %broadcast_in_dim3A_35 : vector<16xi32>
        %parallel_loop3A_468 = arith.ori %parallel_loop3A_467, %add3A_22 : vector<16xi32>
        %parallel_loop3A_469 = arith.constant dense<-1> : vector<16xi32>
        %parallel_loop3A_470 = arith.xori %parallel_loop3A_468, %parallel_loop3A_469 : vector<16xi32>
        %parallel_loop3A_471 = arith.constant dense<true> : vector<16xi1>
        %parallel_loop3A_472, %parallel_loop3A_473, %parallel_loop3A_474 = tpu.sort %parallel_loop3A_470, %parallel_loop3A_470 masked %parallel_loop3A_471 : (vector<16xi32>, vector<16xi32>, vector<16xi1>) -> (vector<16xi1>, vector<16xi32>, vector<16xi32>)
        %parallel_loop3A_475 = arith.constant 0 : i32
        %parallel_loop3A_476 = arith.addi %parallel_loop3A_475, %parallel_loop3A_395 : i32
        %parallel_loop3A_477 = arith.index_cast %parallel_loop3A_476 : i32 to index
        %parallel_loop3A_478 = arith.constant 96 : index
        %parallel_loop3A_479 = tpu.vector_load %arg4[%parallel_loop3A_477, %parallel_loop3A_478] {strides = array<i32>} : memref<256x128xf32, #tpu.memory_space<vmem>>, vector<16xf32>,
        %parallel_loop3A_480 = tpu.bitcast %parallel_loop3A_479 : vector<16xf32> -> vector<16xi32>
        %parallel_loop3A_481 = arith.andi %parallel_loop3A_480, %broadcast_in_dim3A_35 : vector<16xi32>
        %parallel_loop3A_482 = arith.ori %parallel_loop3A_481, %add3A_25 : vector<16xi32>
        %parallel_loop3A_483 = arith.constant dense<true> : vector<16xi1>
        %parallel_loop3A_484, %parallel_loop3A_485, %parallel_loop3A_486 = tpu.sort %parallel_loop3A_482, %parallel_loop3A_482 masked %parallel_loop3A_483 : (vector<16xi32>, vector<16xi32>, vector<16xi1>) -> (vector<16xi1>, vector<16xi32>, vector<16xi32>)
        %parallel_loop3A_487 = arith.constant 0 : i32
        %parallel_loop3A_488 = arith.addi %parallel_loop3A_487, %parallel_loop3A_395 : i32
        %parallel_loop3A_489 = arith.index_cast %parallel_loop3A_488 : i32 to index
        %parallel_loop3A_490 = arith.constant 112 : index
        %parallel_loop3A_491 = tpu.vector_load %arg4[%parallel_loop3A_489, %parallel_loop3A_490] {strides = array<i32>} : memref<256x128xf32, #tpu.memory_space<vmem>>, vector<16xf32>,
        %parallel_loop3A_492 = tpu.bitcast %parallel_loop3A_491 : vector<16xf32> -> vector<16xi32>
        %parallel_loop3A_493 = arith.andi %parallel_loop3A_492, %broadcast_in_dim3A_35 : vector<16xi32>
        %parallel_loop3A_494 = arith.ori %parallel_loop3A_493, %add3A_28 : vector<16xi32>
        %parallel_loop3A_495 = arith.constant dense<-1> : vector<16xi32>
        %parallel_loop3A_496 = arith.xori %parallel_loop3A_494, %parallel_loop3A_495 : vector<16xi32>
        %parallel_loop3A_497 = arith.constant dense<true> : vector<16xi1>
        %parallel_loop3A_498, %parallel_loop3A_499, %parallel_loop3A_500 = tpu.sort %parallel_loop3A_496, %parallel_loop3A_496 masked %parallel_loop3A_497 : (vector<16xi32>, vector<16xi32>, vector<16xi1>) -> (vector<16xi1>, vector<16xi32>, vector<16xi32>)
        %parallel_loop3A_501 = arith.constant dense<-1> : vector<16xi32>
        %parallel_loop3A_502 = arith.xori %parallel_loop3A_421, %parallel_loop3A_501 : vector<16xi32>
        %parallel_loop3A_503 = arith.select %lt3A_2, %parallel_loop3A_407, %parallel_loop3A_502 : vector<16xi1>, vector<16xi32>
        %parallel_loop3A_504 = arith.constant dense<true> : vector<16xi1>
        %parallel_loop3A_505, %parallel_loop3A_506, %parallel_loop3A_507 = tpu.sort %parallel_loop3A_503, %parallel_loop3A_503 masked %parallel_loop3A_504 : (vector<16xi32>, vector<16xi32>, vector<16xi1>) -> (vector<16xi1>, vector<16xi32>, vector<16xi32>)
        %parallel_loop3A_508 = arith.constant dense<-1> : vector<16xi32>
        %parallel_loop3A_509 = arith.xori %parallel_loop3A_433, %parallel_loop3A_508 : vector<16xi32>
        %parallel_loop3A_510 = arith.select %lt3A_2, %parallel_loop3A_509, %parallel_loop3A_447 : vector<16xi1>, vector<16xi32>
        %parallel_loop3A_511 = arith.constant dense<true> : vector<16xi1>
        %parallel_loop3A_512, %parallel_loop3A_513, %parallel_loop3A_514 = tpu.sort %parallel_loop3A_510, %parallel_loop3A_510 masked %parallel_loop3A_511 : (vector<16xi32>, vector<16xi32>, vector<16xi1>) -> (vector<16xi1>, vector<16xi32>, vector<16xi32>)
        %parallel_loop3A_515 = arith.constant dense<-1> : vector<16xi32>
        %parallel_loop3A_516 = arith.xori %parallel_loop3A_473, %parallel_loop3A_515 : vector<16xi32>
        %parallel_loop3A_517 = arith.select %lt3A_2, %parallel_loop3A_459, %parallel_loop3A_516 : vector<16xi1>, vector<16xi32>
        %parallel_loop3A_518 = arith.constant dense<true> : vector<16xi1>
        %parallel_loop3A_519, %parallel_loop3A_520, %parallel_loop3A_521 = tpu.sort %parallel_loop3A_517, %parallel_loop3A_517 masked %parallel_loop3A_518 : (vector<16xi32>, vector<16xi32>, vector<16xi1>) -> (vector<16xi1>, vector<16xi32>, vector<16xi32>)
        %parallel_loop3A_522 = arith.constant dense<-1> : vector<16xi32>
        %parallel_loop3A_523 = arith.xori %parallel_loop3A_485, %parallel_loop3A_522 : vector<16xi32>
        %parallel_loop3A_524 = arith.select %lt3A_2, %parallel_loop3A_523, %parallel_loop3A_499 : vector<16xi1>, vector<16xi32>
        %parallel_loop3A_525 = arith.constant dense<true> : vector<16xi1>
        %parallel_loop3A_526, %parallel_loop3A_527, %parallel_loop3A_528 = tpu.sort %parallel_loop3A_524, %parallel_loop3A_524 masked %parallel_loop3A_525 : (vector<16xi32>, vector<16xi32>, vector<16xi1>) -> (vector<16xi1>, vector<16xi32>, vector<16xi32>)
        %parallel_loop3A_529 = arith.constant dense<-1> : vector<16xi32>
        %parallel_loop3A_530 = arith.xori %parallel_loop3A_513, %parallel_loop3A_529 : vector<16xi32>
        %parallel_loop3A_531 = arith.select %lt3A_2, %parallel_loop3A_506, %parallel_loop3A_530 : vector<16xi1>, vector<16xi32>
        %parallel_loop3A_532 = arith.constant dense<true> : vector<16xi1>
        %parallel_loop3A_533, %parallel_loop3A_534, %parallel_loop3A_535 = tpu.sort %parallel_loop3A_531, %parallel_loop3A_531 masked %parallel_loop3A_532 : (vector<16xi32>, vector<16xi32>, vector<16xi1>) -> (vector<16xi1>, vector<16xi32>, vector<16xi32>)
        %parallel_loop3A_536 = arith.constant dense<-1> : vector<16xi32>
        %parallel_loop3A_537 = arith.xori %parallel_loop3A_520, %parallel_loop3A_536 : vector<16xi32>
        %parallel_loop3A_538 = arith.select %lt3A_2, %parallel_loop3A_537, %parallel_loop3A_527 : vector<16xi1>, vector<16xi32>
        %parallel_loop3A_539 = arith.constant dense<true> : vector<16xi1>
        %parallel_loop3A_540, %parallel_loop3A_541, %parallel_loop3A_542 = tpu.sort %parallel_loop3A_538, %parallel_loop3A_538 masked %parallel_loop3A_539 : (vector<16xi32>, vector<16xi32>, vector<16xi1>) -> (vector<16xi1>, vector<16xi32>, vector<16xi32>)
        %parallel_loop3A_543 = arith.constant dense<-1> : vector<16xi32>
        %parallel_loop3A_544 = arith.xori %parallel_loop3A_541, %parallel_loop3A_543 : vector<16xi32>
        %parallel_loop3A_545 = arith.select %lt3A_2, %parallel_loop3A_534, %parallel_loop3A_544 : vector<16xi1>, vector<16xi32>
        %parallel_loop3A_546 = arith.constant dense<true> : vector<16xi1>
        %parallel_loop3A_547, %parallel_loop3A_548, %parallel_loop3A_549 = tpu.sort %parallel_loop3A_545, %parallel_loop3A_545 masked %parallel_loop3A_546 : (vector<16xi32>, vector<16xi32>, vector<16xi1>) -> (vector<16xi1>, vector<16xi32>, vector<16xi32>)
        %parallel_loop3A_550 = arith.index_cast %parallel_loop3A_395 : i32 to index
        %parallel_loop3A_551 = arith.constant 0 : index
        %parallel_loop3A_552 = tpu.vector_load %arg6[%parallel_loop3A_550, %parallel_loop3A_551] {strides = array<i32>} : memref<128x128xf32, #tpu.memory_space<vmem>>, vector<16xf32>,
        tpu.vector_store %arg6[%parallel_loop3A_550, %parallel_loop3A_551], %broadcast_in_dim3A_29 {strides = array<i32>} : memref<128x128xf32, #tpu.memory_space<vmem>>, vector<16xf32>,
        %parallel_loop3A_553 = arith.index_cast %parallel_loop3A_395 : i32 to index
        %parallel_loop3A_554 = arith.constant 16 : index
        %parallel_loop3A_555 = tpu.vector_load %arg6[%parallel_loop3A_553, %parallel_loop3A_554] {strides = array<i32>} : memref<128x128xf32, #tpu.memory_space<vmem>>, vector<16xf32>,
        tpu.vector_store %arg6[%parallel_loop3A_553, %parallel_loop3A_554], %broadcast_in_dim3A_29 {strides = array<i32>} : memref<128x128xf32, #tpu.memory_space<vmem>>, vector<16xf32>,
        %parallel_loop3A_556 = arith.index_cast %parallel_loop3A_395 : i32 to index
        %parallel_loop3A_557 = arith.constant 32 : index
        %parallel_loop3A_558 = tpu.vector_load %arg6[%parallel_loop3A_556, %parallel_loop3A_557] {strides = array<i32>} : memref<128x128xf32, #tpu.memory_space<vmem>>, vector<16xf32>,
        tpu.vector_store %arg6[%parallel_loop3A_556, %parallel_loop3A_557], %broadcast_in_dim3A_29 {strides = array<i32>} : memref<128x128xf32, #tpu.memory_space<vmem>>, vector<16xf32>,
        %parallel_loop3A_559 = arith.index_cast %parallel_loop3A_395 : i32 to index
        %parallel_loop3A_560 = arith.constant 48 : index
        %parallel_loop3A_561 = tpu.vector_load %arg6[%parallel_loop3A_559, %parallel_loop3A_560] {strides = array<i32>} : memref<128x128xf32, #tpu.memory_space<vmem>>, vector<16xf32>,
        tpu.vector_store %arg6[%parallel_loop3A_559, %parallel_loop3A_560], %broadcast_in_dim3A_29 {strides = array<i32>} : memref<128x128xf32, #tpu.memory_space<vmem>>, vector<16xf32>,
        %parallel_loop3A_562 = arith.index_cast %parallel_loop3A_395 : i32 to index
        %parallel_loop3A_563 = arith.constant 64 : index
        %parallel_loop3A_564 = tpu.vector_load %arg6[%parallel_loop3A_562, %parallel_loop3A_563] {strides = array<i32>} : memref<128x128xf32, #tpu.memory_space<vmem>>, vector<16xf32>,
        tpu.vector_store %arg6[%parallel_loop3A_562, %parallel_loop3A_563], %broadcast_in_dim3A_29 {strides = array<i32>} : memref<128x128xf32, #tpu.memory_space<vmem>>, vector<16xf32>,
        %parallel_loop3A_565 = arith.index_cast %parallel_loop3A_395 : i32 to index
        %parallel_loop3A_566 = arith.constant 80 : index
        %parallel_loop3A_567 = tpu.vector_load %arg6[%parallel_loop3A_565, %parallel_loop3A_566] {strides = array<i32>} : memref<128x128xf32, #tpu.memory_space<vmem>>, vector<16xf32>,
        tpu.vector_store %arg6[%parallel_loop3A_565, %parallel_loop3A_566], %broadcast_in_dim3A_29 {strides = array<i32>} : memref<128x128xf32, #tpu.memory_space<vmem>>, vector<16xf32>,
        %parallel_loop3A_568 = arith.index_cast %parallel_loop3A_395 : i32 to index
        %parallel_loop3A_569 = arith.constant 96 : index
        %parallel_loop3A_570 = tpu.vector_load %arg6[%parallel_loop3A_568, %parallel_loop3A_569] {strides = array<i32>} : memref<128x128xf32, #tpu.memory_space<vmem>>, vector<16xf32>,
        tpu.vector_store %arg6[%parallel_loop3A_568, %parallel_loop3A_569], %broadcast_in_dim3A_29 {strides = array<i32>} : memref<128x128xf32, #tpu.memory_space<vmem>>, vector<16xf32>,
        %parallel_loop3A_571 = arith.index_cast %parallel_loop3A_395 : i32 to index
        %parallel_loop3A_572 = arith.constant 112 : index
        %parallel_loop3A_573 = tpu.vector_load %arg6[%parallel_loop3A_571, %parallel_loop3A_572] {strides = array<i32>} : memref<128x128xf32, #tpu.memory_space<vmem>>, vector<16xf32>,
        tpu.vector_store %arg6[%parallel_loop3A_571, %parallel_loop3A_572], %broadcast_in_dim3A_29 {strides = array<i32>} : memref<128x128xf32, #tpu.memory_space<vmem>>, vector<16xf32>,
        %parallel_loop3A_574 = arith.constant 8 : i32
        %parallel_loop3A_575 = vector.broadcast %parallel_loop3A_574 : i32 to vector<16xi32>
        %parallel_loop3A_576 = arith.cmpi eq, %iota3A, %parallel_loop3A_575 : vector<16xi32>
        %parallel_loop3A_577 = arith.andi %parallel_loop3A_548, %broadcast_in_dim3A_37 : vector<16xi32>
        %parallel_loop3A_578 = arith.select %parallel_loop3A_576, %parallel_loop3A_396, %parallel_loop3A_577 : vector<16xi1>, vector<16xi32>
        tpu.vector_store_idx %arg6[%parallel_loop3A_396, %parallel_loop3A_578], %broadcast_in_dim3A_31 masked %le3A_4 : memref<128x128xf32, #tpu.memory_space<vmem>>[vector<16xi32>, vector<16xi32>], vector<16xf32>, vector<16xi1>
      } {sc.loop_unroll_factor = 2 : i64, sc.parallel_access}
      %mul3A_151 = arith.constant 32 : i32
      %mul3A_152 = arith.muli %add3A, %mul3A_151 : i32
      %add3A_153 = arith.addi %mul3A_152, %add3A_98 : i32
      %mul3A_154 = arith.constant 128 : i32
      %mul3A_155 = arith.muli %add3A_153, %mul3A_154 : i32
      %dma_start3A_156 = arith.constant 0 : i32
      %dma_start3A_157 = tpu.memref_slice %arg3[%mul3A_155, %dma_start3A_156] : memref<131072x128xf32, #tpu.memory_space<hbm>> -> memref<128x128xf32, #tpu.memory_space<hbm>>
      %dma_start3A_158 = arith.constant 0 : i32
      %dma_start3A_159 = tpu.memref_slice %arg3[%mul3A_155, %dma_start3A_158] : memref<131072x128xf32, #tpu.memory_space<hbm>> -> memref<128x128xf32, #tpu.memory_space<hbm>>
      tpu.enqueue_dma source(%arg6 : memref<128x128xf32, #tpu.memory_space<vmem>>) target(%dma_start3A_159 : memref<128x128xf32, #tpu.memory_space<hbm>>) target_semaphore(%arg10 : memref<!tpu.dma_semaphore, #tpu.memory_space<semaphore_mem>>)
      %mul3A_160 = arith.constant 2 : i32
      %mul3A_161 = arith.muli %mul3A_160, %add3A_84 : i32
      %add3A_162 = arith.constant 1 : i32
      %add3A_163 = arith.addi %mul3A_161, %add3A_162 : i32
      %ge3A_164 = arith.constant 2 : i32
      %ge3A_165 = arith.cmpi sge, %add3A_163, %ge3A_164 : i32
      %convert_element_type3A_166 = arith.extui %ge3A_165 : i1 to i32
      %cond3A_167 = arith.constant 0 : i32
      %cond3A_168 = arith.cmpi ne, %convert_element_type3A_166, %cond3A_167 : i32
      scf.if %cond3A_168 {
        %mul3A_395 = arith.constant 32 : i32
        %mul3A_396 = arith.muli %add3A, %mul3A_395 : i32
        %add3A_397 = arith.constant 0 : i32
        %add3A_398 = arith.addi %mul3A_396, %add3A_397 : i32
        %mul3A_399 = arith.constant 128 : i32
        %mul3A_400 = arith.muli %add3A_398, %mul3A_399 : i32
        %dma_wait3A_401 = arith.constant 0 : i32
        %dma_wait3A_402 = tpu.memref_slice %arg3[%mul3A_400, %dma_wait3A_401] : memref<131072x128xf32, #tpu.memory_space<hbm>> -> memref<128x128xf32, #tpu.memory_space<hbm>>
        %dma_wait3A_403 = arith.constant 0 : i32
        %dma_wait3A_404 = tpu.memref_slice %arg3[%mul3A_400, %dma_wait3A_403] : memref<131072x128xf32, #tpu.memory_space<hbm>> -> memref<128x128xf32, #tpu.memory_space<hbm>>
        tpu.wait_dma2 semaphore(%arg11 : memref<!tpu.dma_semaphore, #tpu.memory_space<semaphore_mem>>) src(%arg7 : memref<128x128xf32, #tpu.memory_space<vmem>>) dst(%dma_wait3A_404 : memref<128x128xf32, #tpu.memory_space<hbm>>)
      } else {
      }
      %add3A_169 = arith.constant 0 : i32
      %add3A_170 = vector.broadcast %add3A_169 : i32 to vector<16xi32>
      %add3A_171 = arith.addi %iota3A, %add3A_170 : vector<16xi32>
      %add3A_172 = arith.constant 128 : i32
      %add3A_173 = vector.broadcast %add3A_172 : i32 to vector<16xi32>
      %add3A_174 = arith.addi %add3A_173, %add3A_171 : vector<16xi32>
      tpu.vector_store_idx %arg4[%add3A_174, %add3A_171], %broadcast_in_dim3A_33 : memref<256x128xf32, #tpu.memory_space<vmem>>[vector<16xi32>, vector<16xi32>], vector<16xf32>,
      %add3A_175 = arith.constant 16 : i32
      %add3A_176 = vector.broadcast %add3A_175 : i32 to vector<16xi32>
      %add3A_177 = arith.addi %iota3A, %add3A_176 : vector<16xi32>
      %add3A_178 = arith.constant 128 : i32
      %add3A_179 = vector.broadcast %add3A_178 : i32 to vector<16xi32>
      %add3A_180 = arith.addi %add3A_179, %add3A_177 : vector<16xi32>
      tpu.vector_store_idx %arg4[%add3A_180, %add3A_177], %broadcast_in_dim3A_33 : memref<256x128xf32, #tpu.memory_space<vmem>>[vector<16xi32>, vector<16xi32>], vector<16xf32>,
      %add3A_181 = arith.constant 32 : i32
      %add3A_182 = vector.broadcast %add3A_181 : i32 to vector<16xi32>
      %add3A_183 = arith.addi %iota3A, %add3A_182 : vector<16xi32>
      %add3A_184 = arith.constant 128 : i32
      %add3A_185 = vector.broadcast %add3A_184 : i32 to vector<16xi32>
      %add3A_186 = arith.addi %add3A_185, %add3A_183 : vector<16xi32>
      tpu.vector_store_idx %arg4[%add3A_186, %add3A_183], %broadcast_in_dim3A_33 : memref<256x128xf32, #tpu.memory_space<vmem>>[vector<16xi32>, vector<16xi32>], vector<16xf32>,
      %add3A_187 = arith.constant 48 : i32
      %add3A_188 = vector.broadcast %add3A_187 : i32 to vector<16xi32>
      %add3A_189 = arith.addi %iota3A, %add3A_188 : vector<16xi32>
      %add3A_190 = arith.constant 128 : i32
      %add3A_191 = vector.broadcast %add3A_190 : i32 to vector<16xi32>
      %add3A_192 = arith.addi %add3A_191, %add3A_189 : vector<16xi32>
      tpu.vector_store_idx %arg4[%add3A_192, %add3A_189], %broadcast_in_dim3A_33 : memref<256x128xf32, #tpu.memory_space<vmem>>[vector<16xi32>, vector<16xi32>], vector<16xf32>,
      %add3A_193 = arith.constant 64 : i32
      %add3A_194 = vector.broadcast %add3A_193 : i32 to vector<16xi32>
      %add3A_195 = arith.addi %iota3A, %add3A_194 : vector<16xi32>
      %add3A_196 = arith.constant 128 : i32
      %add3A_197 = vector.broadcast %add3A_196 : i32 to vector<16xi32>
      %add3A_198 = arith.addi %add3A_197, %add3A_195 : vector<16xi32>
      tpu.vector_store_idx %arg4[%add3A_198, %add3A_195], %broadcast_in_dim3A_33 : memref<256x128xf32, #tpu.memory_space<vmem>>[vector<16xi32>, vector<16xi32>], vector<16xf32>,
      %add3A_199 = arith.constant 80 : i32
      %add3A_200 = vector.broadcast %add3A_199 : i32 to vector<16xi32>
      %add3A_201 = arith.addi %iota3A, %add3A_200 : vector<16xi32>
      %add3A_202 = arith.constant 128 : i32
      %add3A_203 = vector.broadcast %add3A_202 : i32 to vector<16xi32>
      %add3A_204 = arith.addi %add3A_203, %add3A_201 : vector<16xi32>
      tpu.vector_store_idx %arg4[%add3A_204, %add3A_201], %broadcast_in_dim3A_33 : memref<256x128xf32, #tpu.memory_space<vmem>>[vector<16xi32>, vector<16xi32>], vector<16xf32>,
      %add3A_205 = arith.constant 96 : i32
      %add3A_206 = vector.broadcast %add3A_205 : i32 to vector<16xi32>
      %add3A_207 = arith.addi %iota3A, %add3A_206 : vector<16xi32>
      %add3A_208 = arith.constant 128 : i32
      %add3A_209 = vector.broadcast %add3A_208 : i32 to vector<16xi32>
      %add3A_210 = arith.addi %add3A_209, %add3A_207 : vector<16xi32>
      tpu.vector_store_idx %arg4[%add3A_210, %add3A_207], %broadcast_in_dim3A_33 : memref<256x128xf32, #tpu.memory_space<vmem>>[vector<16xi32>, vector<16xi32>], vector<16xf32>,
      %add3A_211 = arith.constant 112 : i32
      %add3A_212 = vector.broadcast %add3A_211 : i32 to vector<16xi32>
      %add3A_213 = arith.addi %iota3A, %add3A_212 : vector<16xi32>
      %add3A_214 = arith.constant 128 : i32
      %add3A_215 = vector.broadcast %add3A_214 : i32 to vector<16xi32>
      %add3A_216 = arith.addi %add3A_215, %add3A_213 : vector<16xi32>
      tpu.vector_store_idx %arg4[%add3A_216, %add3A_213], %broadcast_in_dim3A_33 : memref<256x128xf32, #tpu.memory_space<vmem>>[vector<16xi32>, vector<16xi32>], vector<16xf32>,
      %parallel_loop3A_217 = arith.constant 0 : i32
      %parallel_loop3A_218 = arith.constant 128 : i32
      %parallel_loop3A_219 = arith.constant 1 : i32
      scf.for %parallel_loop3A_395 = %parallel_loop3A_217 to %parallel_loop3A_218 step %parallel_loop3A_219  : i32 {
        %parallel_loop3A_396 = vector.broadcast %parallel_loop3A_395 : i32 to vector<16xi32>
        %parallel_loop3A_397 = arith.constant 128 : i32
        %parallel_loop3A_398 = arith.addi %parallel_loop3A_397, %parallel_loop3A_395 : i32
        %parallel_loop3A_399 = arith.index_cast %parallel_loop3A_398 : i32 to index
        %parallel_loop3A_400 = arith.constant 0 : index
        %parallel_loop3A_401 = tpu.vector_load %arg4[%parallel_loop3A_399, %parallel_loop3A_400] {strides = array<i32>} : memref<256x128xf32, #tpu.memory_space<vmem>>, vector<16xf32>,
        %parallel_loop3A_402 = tpu.bitcast %parallel_loop3A_401 : vector<16xf32> -> vector<16xi32>
        %parallel_loop3A_403 = arith.andi %parallel_loop3A_402, %broadcast_in_dim3A_35 : vector<16xi32>
        %parallel_loop3A_404 = arith.ori %parallel_loop3A_403, %add3A_7 : vector<16xi32>
        %parallel_loop3A_405 = arith.constant dense<true> : vector<16xi1>
        %parallel_loop3A_406, %parallel_loop3A_407, %parallel_loop3A_408 = tpu.sort %parallel_loop3A_404, %parallel_loop3A_404 masked %parallel_loop3A_405 : (vector<16xi32>, vector<16xi32>, vector<16xi1>) -> (vector<16xi1>, vector<16xi32>, vector<16xi32>)
        %parallel_loop3A_409 = arith.constant 128 : i32
        %parallel_loop3A_410 = arith.addi %parallel_loop3A_409, %parallel_loop3A_395 : i32
        %parallel_loop3A_411 = arith.index_cast %parallel_loop3A_410 : i32 to index
        %parallel_loop3A_412 = arith.constant 16 : index
        %parallel_loop3A_413 = tpu.vector_load %arg4[%parallel_loop3A_411, %parallel_loop3A_412] {strides = array<i32>} : memref<256x128xf32, #tpu.memory_space<vmem>>, vector<16xf32>,
        %parallel_loop3A_414 = tpu.bitcast %parallel_loop3A_413 : vector<16xf32> -> vector<16xi32>
        %parallel_loop3A_415 = arith.andi %parallel_loop3A_414, %broadcast_in_dim3A_35 : vector<16xi32>
        %parallel_loop3A_416 = arith.ori %parallel_loop3A_415, %add3A_10 : vector<16xi32>
        %parallel_loop3A_417 = arith.constant dense<-1> : vector<16xi32>
        %parallel_loop3A_418 = arith.xori %parallel_loop3A_416, %parallel_loop3A_417 : vector<16xi32>
        %parallel_loop3A_419 = arith.constant dense<true> : vector<16xi1>
        %parallel_loop3A_420, %parallel_loop3A_421, %parallel_loop3A_422 = tpu.sort %parallel_loop3A_418, %parallel_loop3A_418 masked %parallel_loop3A_419 : (vector<16xi32>, vector<16xi32>, vector<16xi1>) -> (vector<16xi1>, vector<16xi32>, vector<16xi32>)
        %parallel_loop3A_423 = arith.constant 128 : i32
        %parallel_loop3A_424 = arith.addi %parallel_loop3A_423, %parallel_loop3A_395 : i32
        %parallel_loop3A_425 = arith.index_cast %parallel_loop3A_424 : i32 to index
        %parallel_loop3A_426 = arith.constant 32 : index
        %parallel_loop3A_427 = tpu.vector_load %arg4[%parallel_loop3A_425, %parallel_loop3A_426] {strides = array<i32>} : memref<256x128xf32, #tpu.memory_space<vmem>>, vector<16xf32>,
        %parallel_loop3A_428 = tpu.bitcast %parallel_loop3A_427 : vector<16xf32> -> vector<16xi32>
        %parallel_loop3A_429 = arith.andi %parallel_loop3A_428, %broadcast_in_dim3A_35 : vector<16xi32>
        %parallel_loop3A_430 = arith.ori %parallel_loop3A_429, %add3A_13 : vector<16xi32>
        %parallel_loop3A_431 = arith.constant dense<true> : vector<16xi1>
        %parallel_loop3A_432, %parallel_loop3A_433, %parallel_loop3A_434 = tpu.sort %parallel_loop3A_430, %parallel_loop3A_430 masked %parallel_loop3A_431 : (vector<16xi32>, vector<16xi32>, vector<16xi1>) -> (vector<16xi1>, vector<16xi32>, vector<16xi32>)
        %parallel_loop3A_435 = arith.constant 128 : i32
        %parallel_loop3A_436 = arith.addi %parallel_loop3A_435, %parallel_loop3A_395 : i32
        %parallel_loop3A_437 = arith.index_cast %parallel_loop3A_436 : i32 to index
        %parallel_loop3A_438 = arith.constant 48 : index
        %parallel_loop3A_439 = tpu.vector_load %arg4[%parallel_loop3A_437, %parallel_loop3A_438] {strides = array<i32>} : memref<256x128xf32, #tpu.memory_space<vmem>>, vector<16xf32>,
        %parallel_loop3A_440 = tpu.bitcast %parallel_loop3A_439 : vector<16xf32> -> vector<16xi32>
        %parallel_loop3A_441 = arith.andi %parallel_loop3A_440, %broadcast_in_dim3A_35 : vector<16xi32>
        %parallel_loop3A_442 = arith.ori %parallel_loop3A_441, %add3A_16 : vector<16xi32>
        %parallel_loop3A_443 = arith.constant dense<-1> : vector<16xi32>
        %parallel_loop3A_444 = arith.xori %parallel_loop3A_442, %parallel_loop3A_443 : vector<16xi32>
        %parallel_loop3A_445 = arith.constant dense<true> : vector<16xi1>
        %parallel_loop3A_446, %parallel_loop3A_447, %parallel_loop3A_448 = tpu.sort %parallel_loop3A_444, %parallel_loop3A_444 masked %parallel_loop3A_445 : (vector<16xi32>, vector<16xi32>, vector<16xi1>) -> (vector<16xi1>, vector<16xi32>, vector<16xi32>)
        %parallel_loop3A_449 = arith.constant 128 : i32
        %parallel_loop3A_450 = arith.addi %parallel_loop3A_449, %parallel_loop3A_395 : i32
        %parallel_loop3A_451 = arith.index_cast %parallel_loop3A_450 : i32 to index
        %parallel_loop3A_452 = arith.constant 64 : index
        %parallel_loop3A_453 = tpu.vector_load %arg4[%parallel_loop3A_451, %parallel_loop3A_452] {strides = array<i32>} : memref<256x128xf32, #tpu.memory_space<vmem>>, vector<16xf32>,
        %parallel_loop3A_454 = tpu.bitcast %parallel_loop3A_453 : vector<16xf32> -> vector<16xi32>
        %parallel_loop3A_455 = arith.andi %parallel_loop3A_454, %broadcast_in_dim3A_35 : vector<16xi32>
        %parallel_loop3A_456 = arith.ori %parallel_loop3A_455, %add3A_19 : vector<16xi32>
        %parallel_loop3A_457 = arith.constant dense<true> : vector<16xi1>
        %parallel_loop3A_458, %parallel_loop3A_459, %parallel_loop3A_460 = tpu.sort %parallel_loop3A_456, %parallel_loop3A_456 masked %parallel_loop3A_457 : (vector<16xi32>, vector<16xi32>, vector<16xi1>) -> (vector<16xi1>, vector<16xi32>, vector<16xi32>)
        %parallel_loop3A_461 = arith.constant 128 : i32
        %parallel_loop3A_462 = arith.addi %parallel_loop3A_461, %parallel_loop3A_395 : i32
        %parallel_loop3A_463 = arith.index_cast %parallel_loop3A_462 : i32 to index
        %parallel_loop3A_464 = arith.constant 80 : index
        %parallel_loop3A_465 = tpu.vector_load %arg4[%parallel_loop3A_463, %parallel_loop3A_464] {strides = array<i32>} : memref<256x128xf32, #tpu.memory_space<vmem>>, vector<16xf32>,
        %parallel_loop3A_466 = tpu.bitcast %parallel_loop3A_465 : vector<16xf32> -> vector<16xi32>
        %parallel_loop3A_467 = arith.andi %parallel_loop3A_466, %broadcast_in_dim3A_35 : vector<16xi32>
        %parallel_loop3A_468 = arith.ori %parallel_loop3A_467, %add3A_22 : vector<16xi32>
        %parallel_loop3A_469 = arith.constant dense<-1> : vector<16xi32>
        %parallel_loop3A_470 = arith.xori %parallel_loop3A_468, %parallel_loop3A_469 : vector<16xi32>
        %parallel_loop3A_471 = arith.constant dense<true> : vector<16xi1>
        %parallel_loop3A_472, %parallel_loop3A_473, %parallel_loop3A_474 = tpu.sort %parallel_loop3A_470, %parallel_loop3A_470 masked %parallel_loop3A_471 : (vector<16xi32>, vector<16xi32>, vector<16xi1>) -> (vector<16xi1>, vector<16xi32>, vector<16xi32>)
        %parallel_loop3A_475 = arith.constant 128 : i32
        %parallel_loop3A_476 = arith.addi %parallel_loop3A_475, %parallel_loop3A_395 : i32
        %parallel_loop3A_477 = arith.index_cast %parallel_loop3A_476 : i32 to index
        %parallel_loop3A_478 = arith.constant 96 : index
        %parallel_loop3A_479 = tpu.vector_load %arg4[%parallel_loop3A_477, %parallel_loop3A_478] {strides = array<i32>} : memref<256x128xf32, #tpu.memory_space<vmem>>, vector<16xf32>,
        %parallel_loop3A_480 = tpu.bitcast %parallel_loop3A_479 : vector<16xf32> -> vector<16xi32>
        %parallel_loop3A_481 = arith.andi %parallel_loop3A_480, %broadcast_in_dim3A_35 : vector<16xi32>
        %parallel_loop3A_482 = arith.ori %parallel_loop3A_481, %add3A_25 : vector<16xi32>
        %parallel_loop3A_483 = arith.constant dense<true> : vector<16xi1>
        %parallel_loop3A_484, %parallel_loop3A_485, %parallel_loop3A_486 = tpu.sort %parallel_loop3A_482, %parallel_loop3A_482 masked %parallel_loop3A_483 : (vector<16xi32>, vector<16xi32>, vector<16xi1>) -> (vector<16xi1>, vector<16xi32>, vector<16xi32>)
        %parallel_loop3A_487 = arith.constant 128 : i32
        %parallel_loop3A_488 = arith.addi %parallel_loop3A_487, %parallel_loop3A_395 : i32
        %parallel_loop3A_489 = arith.index_cast %parallel_loop3A_488 : i32 to index
        %parallel_loop3A_490 = arith.constant 112 : index
        %parallel_loop3A_491 = tpu.vector_load %arg4[%parallel_loop3A_489, %parallel_loop3A_490] {strides = array<i32>} : memref<256x128xf32, #tpu.memory_space<vmem>>, vector<16xf32>,
        %parallel_loop3A_492 = tpu.bitcast %parallel_loop3A_491 : vector<16xf32> -> vector<16xi32>
        %parallel_loop3A_493 = arith.andi %parallel_loop3A_492, %broadcast_in_dim3A_35 : vector<16xi32>
        %parallel_loop3A_494 = arith.ori %parallel_loop3A_493, %add3A_28 : vector<16xi32>
        %parallel_loop3A_495 = arith.constant dense<-1> : vector<16xi32>
        %parallel_loop3A_496 = arith.xori %parallel_loop3A_494, %parallel_loop3A_495 : vector<16xi32>
        %parallel_loop3A_497 = arith.constant dense<true> : vector<16xi1>
        %parallel_loop3A_498, %parallel_loop3A_499, %parallel_loop3A_500 = tpu.sort %parallel_loop3A_496, %parallel_loop3A_496 masked %parallel_loop3A_497 : (vector<16xi32>, vector<16xi32>, vector<16xi1>) -> (vector<16xi1>, vector<16xi32>, vector<16xi32>)
        %parallel_loop3A_501 = arith.constant dense<-1> : vector<16xi32>
        %parallel_loop3A_502 = arith.xori %parallel_loop3A_421, %parallel_loop3A_501 : vector<16xi32>
        %parallel_loop3A_503 = arith.select %lt3A_2, %parallel_loop3A_407, %parallel_loop3A_502 : vector<16xi1>, vector<16xi32>
        %parallel_loop3A_504 = arith.constant dense<true> : vector<16xi1>
        %parallel_loop3A_505, %parallel_loop3A_506, %parallel_loop3A_507 = tpu.sort %parallel_loop3A_503, %parallel_loop3A_503 masked %parallel_loop3A_504 : (vector<16xi32>, vector<16xi32>, vector<16xi1>) -> (vector<16xi1>, vector<16xi32>, vector<16xi32>)
        %parallel_loop3A_508 = arith.constant dense<-1> : vector<16xi32>
        %parallel_loop3A_509 = arith.xori %parallel_loop3A_433, %parallel_loop3A_508 : vector<16xi32>
        %parallel_loop3A_510 = arith.select %lt3A_2, %parallel_loop3A_509, %parallel_loop3A_447 : vector<16xi1>, vector<16xi32>
        %parallel_loop3A_511 = arith.constant dense<true> : vector<16xi1>
        %parallel_loop3A_512, %parallel_loop3A_513, %parallel_loop3A_514 = tpu.sort %parallel_loop3A_510, %parallel_loop3A_510 masked %parallel_loop3A_511 : (vector<16xi32>, vector<16xi32>, vector<16xi1>) -> (vector<16xi1>, vector<16xi32>, vector<16xi32>)
        %parallel_loop3A_515 = arith.constant dense<-1> : vector<16xi32>
        %parallel_loop3A_516 = arith.xori %parallel_loop3A_473, %parallel_loop3A_515 : vector<16xi32>
        %parallel_loop3A_517 = arith.select %lt3A_2, %parallel_loop3A_459, %parallel_loop3A_516 : vector<16xi1>, vector<16xi32>
        %parallel_loop3A_518 = arith.constant dense<true> : vector<16xi1>
        %parallel_loop3A_519, %parallel_loop3A_520, %parallel_loop3A_521 = tpu.sort %parallel_loop3A_517, %parallel_loop3A_517 masked %parallel_loop3A_518 : (vector<16xi32>, vector<16xi32>, vector<16xi1>) -> (vector<16xi1>, vector<16xi32>, vector<16xi32>)
        %parallel_loop3A_522 = arith.constant dense<-1> : vector<16xi32>
        %parallel_loop3A_523 = arith.xori %parallel_loop3A_485, %parallel_loop3A_522 : vector<16xi32>
        %parallel_loop3A_524 = arith.select %lt3A_2, %parallel_loop3A_523, %parallel_loop3A_499 : vector<16xi1>, vector<16xi32>
        %parallel_loop3A_525 = arith.constant dense<true> : vector<16xi1>
        %parallel_loop3A_526, %parallel_loop3A_527, %parallel_loop3A_528 = tpu.sort %parallel_loop3A_524, %parallel_loop3A_524 masked %parallel_loop3A_525 : (vector<16xi32>, vector<16xi32>, vector<16xi1>) -> (vector<16xi1>, vector<16xi32>, vector<16xi32>)
        %parallel_loop3A_529 = arith.constant dense<-1> : vector<16xi32>
        %parallel_loop3A_530 = arith.xori %parallel_loop3A_513, %parallel_loop3A_529 : vector<16xi32>
        %parallel_loop3A_531 = arith.select %lt3A_2, %parallel_loop3A_506, %parallel_loop3A_530 : vector<16xi1>, vector<16xi32>
        %parallel_loop3A_532 = arith.constant dense<true> : vector<16xi1>
        %parallel_loop3A_533, %parallel_loop3A_534, %parallel_loop3A_535 = tpu.sort %parallel_loop3A_531, %parallel_loop3A_531 masked %parallel_loop3A_532 : (vector<16xi32>, vector<16xi32>, vector<16xi1>) -> (vector<16xi1>, vector<16xi32>, vector<16xi32>)
        %parallel_loop3A_536 = arith.constant dense<-1> : vector<16xi32>
        %parallel_loop3A_537 = arith.xori %parallel_loop3A_520, %parallel_loop3A_536 : vector<16xi32>
        %parallel_loop3A_538 = arith.select %lt3A_2, %parallel_loop3A_537, %parallel_loop3A_527 : vector<16xi1>, vector<16xi32>
        %parallel_loop3A_539 = arith.constant dense<true> : vector<16xi1>
        %parallel_loop3A_540, %parallel_loop3A_541, %parallel_loop3A_542 = tpu.sort %parallel_loop3A_538, %parallel_loop3A_538 masked %parallel_loop3A_539 : (vector<16xi32>, vector<16xi32>, vector<16xi1>) -> (vector<16xi1>, vector<16xi32>, vector<16xi32>)
        %parallel_loop3A_543 = arith.constant dense<-1> : vector<16xi32>
        %parallel_loop3A_544 = arith.xori %parallel_loop3A_541, %parallel_loop3A_543 : vector<16xi32>
        %parallel_loop3A_545 = arith.select %lt3A_2, %parallel_loop3A_534, %parallel_loop3A_544 : vector<16xi1>, vector<16xi32>
        %parallel_loop3A_546 = arith.constant dense<true> : vector<16xi1>
        %parallel_loop3A_547, %parallel_loop3A_548, %parallel_loop3A_549 = tpu.sort %parallel_loop3A_545, %parallel_loop3A_545 masked %parallel_loop3A_546 : (vector<16xi32>, vector<16xi32>, vector<16xi1>) -> (vector<16xi1>, vector<16xi32>, vector<16xi32>)
        %parallel_loop3A_550 = arith.index_cast %parallel_loop3A_395 : i32 to index
        %parallel_loop3A_551 = arith.constant 0 : index
        %parallel_loop3A_552 = tpu.vector_load %arg7[%parallel_loop3A_550, %parallel_loop3A_551] {strides = array<i32>} : memref<128x128xf32, #tpu.memory_space<vmem>>, vector<16xf32>,
        tpu.vector_store %arg7[%parallel_loop3A_550, %parallel_loop3A_551], %broadcast_in_dim3A_29 {strides = array<i32>} : memref<128x128xf32, #tpu.memory_space<vmem>>, vector<16xf32>,
        %parallel_loop3A_553 = arith.index_cast %parallel_loop3A_395 : i32 to index
        %parallel_loop3A_554 = arith.constant 16 : index
        %parallel_loop3A_555 = tpu.vector_load %arg7[%parallel_loop3A_553, %parallel_loop3A_554] {strides = array<i32>} : memref<128x128xf32, #tpu.memory_space<vmem>>, vector<16xf32>,
        tpu.vector_store %arg7[%parallel_loop3A_553, %parallel_loop3A_554], %broadcast_in_dim3A_29 {strides = array<i32>} : memref<128x128xf32, #tpu.memory_space<vmem>>, vector<16xf32>,
        %parallel_loop3A_556 = arith.index_cast %parallel_loop3A_395 : i32 to index
        %parallel_loop3A_557 = arith.constant 32 : index
        %parallel_loop3A_558 = tpu.vector_load %arg7[%parallel_loop3A_556, %parallel_loop3A_557] {strides = array<i32>} : memref<128x128xf32, #tpu.memory_space<vmem>>, vector<16xf32>,
        tpu.vector_store %arg7[%parallel_loop3A_556, %parallel_loop3A_557], %broadcast_in_dim3A_29 {strides = array<i32>} : memref<128x128xf32, #tpu.memory_space<vmem>>, vector<16xf32>,
        %parallel_loop3A_559 = arith.index_cast %parallel_loop3A_395 : i32 to index
        %parallel_loop3A_560 = arith.constant 48 : index
        %parallel_loop3A_561 = tpu.vector_load %arg7[%parallel_loop3A_559, %parallel_loop3A_560] {strides = array<i32>} : memref<128x128xf32, #tpu.memory_space<vmem>>, vector<16xf32>,
        tpu.vector_store %arg7[%parallel_loop3A_559, %parallel_loop3A_560], %broadcast_in_dim3A_29 {strides = array<i32>} : memref<128x128xf32, #tpu.memory_space<vmem>>, vector<16xf32>,
        %parallel_loop3A_562 = arith.index_cast %parallel_loop3A_395 : i32 to index
        %parallel_loop3A_563 = arith.constant 64 : index
        %parallel_loop3A_564 = tpu.vector_load %arg7[%parallel_loop3A_562, %parallel_loop3A_563] {strides = array<i32>} : memref<128x128xf32, #tpu.memory_space<vmem>>, vector<16xf32>,
        tpu.vector_store %arg7[%parallel_loop3A_562, %parallel_loop3A_563], %broadcast_in_dim3A_29 {strides = array<i32>} : memref<128x128xf32, #tpu.memory_space<vmem>>, vector<16xf32>,
        %parallel_loop3A_565 = arith.index_cast %parallel_loop3A_395 : i32 to index
        %parallel_loop3A_566 = arith.constant 80 : index
        %parallel_loop3A_567 = tpu.vector_load %arg7[%parallel_loop3A_565, %parallel_loop3A_566] {strides = array<i32>} : memref<128x128xf32, #tpu.memory_space<vmem>>, vector<16xf32>,
        tpu.vector_store %arg7[%parallel_loop3A_565, %parallel_loop3A_566], %broadcast_in_dim3A_29 {strides = array<i32>} : memref<128x128xf32, #tpu.memory_space<vmem>>, vector<16xf32>,
        %parallel_loop3A_568 = arith.index_cast %parallel_loop3A_395 : i32 to index
        %parallel_loop3A_569 = arith.constant 96 : index
        %parallel_loop3A_570 = tpu.vector_load %arg7[%parallel_loop3A_568, %parallel_loop3A_569] {strides = array<i32>} : memref<128x128xf32, #tpu.memory_space<vmem>>, vector<16xf32>,
        tpu.vector_store %arg7[%parallel_loop3A_568, %parallel_loop3A_569], %broadcast_in_dim3A_29 {strides = array<i32>} : memref<128x128xf32, #tpu.memory_space<vmem>>, vector<16xf32>,
        %parallel_loop3A_571 = arith.index_cast %parallel_loop3A_395 : i32 to index
        %parallel_loop3A_572 = arith.constant 112 : index
        %parallel_loop3A_573 = tpu.vector_load %arg7[%parallel_loop3A_571, %parallel_loop3A_572] {strides = array<i32>} : memref<128x128xf32, #tpu.memory_space<vmem>>, vector<16xf32>,
        tpu.vector_store %arg7[%parallel_loop3A_571, %parallel_loop3A_572], %broadcast_in_dim3A_29 {strides = array<i32>} : memref<128x128xf32, #tpu.memory_space<vmem>>, vector<16xf32>,
        %parallel_loop3A_574 = arith.constant 8 : i32
        %parallel_loop3A_575 = vector.broadcast %parallel_loop3A_574 : i32 to vector<16xi32>
        %parallel_loop3A_576 = arith.cmpi eq, %iota3A, %parallel_loop3A_575 : vector<16xi32>
        %parallel_loop3A_577 = arith.andi %parallel_loop3A_548, %broadcast_in_dim3A_37 : vector<16xi32>
        %parallel_loop3A_578 = arith.select %parallel_loop3A_576, %parallel_loop3A_396, %parallel_loop3A_577 : vector<16xi1>, vector<16xi32>
        tpu.vector_store_idx %arg7[%parallel_loop3A_396, %parallel_loop3A_578], %broadcast_in_dim3A_31 masked %le3A_4 : memref<128x128xf32, #tpu.memory_space<vmem>>[vector<16xi32>, vector<16xi32>], vector<16xf32>, vector<16xi1>
      } {sc.loop_unroll_factor = 2 : i64, sc.parallel_access}
      %mul3A_220 = arith.constant 32 : i32
      %mul3A_221 = arith.muli %add3A, %mul3A_220 : i32
      %add3A_222 = arith.addi %mul3A_221, %add3A_163 : i32
      %mul3A_223 = arith.constant 128 : i32
      %mul3A_224 = arith.muli %add3A_222, %mul3A_223 : i32
      %dma_start3A_225 = arith.constant 0 : i32
      %dma_start3A_226 = tpu.memref_slice %arg3[%mul3A_224, %dma_start3A_225] : memref<131072x128xf32, #tpu.memory_space<hbm>> -> memref<128x128xf32, #tpu.memory_space<hbm>>
      %dma_start3A_227 = arith.constant 0 : i32
      %dma_start3A_228 = tpu.memref_slice %arg3[%mul3A_224, %dma_start3A_227] : memref<131072x128xf32, #tpu.memory_space<hbm>> -> memref<128x128xf32, #tpu.memory_space<hbm>>
      tpu.enqueue_dma source(%arg7 : memref<128x128xf32, #tpu.memory_space<vmem>>) target(%dma_start3A_228 : memref<128x128xf32, #tpu.memory_space<hbm>>) target_semaphore(%arg11 : memref<!tpu.dma_semaphore, #tpu.memory_space<semaphore_mem>>)
      %add3A_229 = arith.constant 2 : i32
      %add3A_230 = arith.addi %add3A_84, %add3A_229 : i32
      %lt3A_231 = arith.constant 16 : i32
      %lt3A_232 = arith.cmpi slt, %add3A_230, %lt3A_231 : i32
      %convert_element_type3A_233 = arith.extui %lt3A_232 : i1 to i32
      %cond3A_234 = arith.constant 0 : i32
      %cond3A_235 = arith.cmpi ne, %convert_element_type3A_233, %cond3A_234 : i32
      scf.if %cond3A_235 {
        %add3A_395 = arith.constant 2 : i32
        %add3A_396 = arith.addi %add3A_84, %add3A_395 : i32
        %mul3A_397 = arith.constant 16 : i32
        %mul3A_398 = arith.muli %add3A, %mul3A_397 : i32
        %add3A_399 = arith.addi %mul3A_398, %add3A_396 : i32
        %mul3A_400 = arith.constant 256 : i32
        %mul3A_401 = arith.muli %add3A_399, %mul3A_400 : i32
        %dma_start3A_402 = arith.constant 0 : i32
        %dma_start3A_403 = tpu.memref_slice %arg2[%mul3A_401, %dma_start3A_402] : memref<131072x128xf32, #tpu.memory_space<hbm>> -> memref<256x128xf32, #tpu.memory_space<hbm>>
        %dma_start3A_404 = arith.constant 0 : i32
        %dma_start3A_405 = tpu.memref_slice %arg2[%mul3A_401, %dma_start3A_404] : memref<131072x128xf32, #tpu.memory_space<hbm>> -> memref<256x128xf32, #tpu.memory_space<hbm>>
        tpu.enqueue_dma source(%dma_start3A_405 : memref<256x128xf32, #tpu.memory_space<hbm>>) target(%arg4 : memref<256x128xf32, #tpu.memory_space<vmem>>) target_semaphore(%arg8 : memref<!tpu.dma_semaphore, #tpu.memory_space<semaphore_mem>>)
      } else {
      }
      %mul3A_236 = arith.constant 2 : i32
      %mul3A_237 = arith.muli %mul3A_236, %scan3A_80 : i32
      %add3A_238 = arith.constant 1 : i32
      %add3A_239 = arith.addi %mul3A_237, %add3A_238 : i32
      %mul3A_240 = arith.constant 16 : i32
      %mul3A_241 = arith.muli %add3A, %mul3A_240 : i32
      %add3A_242 = arith.constant 0 : i32
      %add3A_243 = arith.addi %mul3A_241, %add3A_242 : i32
      %mul3A_244 = arith.constant 256 : i32
      %mul3A_245 = arith.muli %add3A_243, %mul3A_244 : i32
      %dma_wait3A_246 = arith.constant 0 : i32
      %dma_wait3A_247 = tpu.memref_slice %arg2[%mul3A_245, %dma_wait3A_246] : memref<131072x128xf32, #tpu.memory_space<hbm>> -> memref<256x128xf32, #tpu.memory_space<hbm>>
      %dma_wait3A_248 = arith.constant 0 : i32
      %dma_wait3A_249 = tpu.memref_slice %arg2[%mul3A_245, %dma_wait3A_248] : memref<131072x128xf32, #tpu.memory_space<hbm>> -> memref<256x128xf32, #tpu.memory_space<hbm>>
      tpu.wait_dma2 semaphore(%arg9 : memref<!tpu.dma_semaphore, #tpu.memory_space<semaphore_mem>>) src(%dma_wait3A_249 : memref<256x128xf32, #tpu.memory_space<hbm>>) dst(%arg5 : memref<256x128xf32, #tpu.memory_space<vmem>>)
      %mul3A_250 = arith.constant 2 : i32
      %mul3A_251 = arith.muli %mul3A_250, %add3A_239 : i32
      %add3A_252 = arith.constant 0 : i32
      %add3A_253 = arith.addi %mul3A_251, %add3A_252 : i32
      %ge3A_254 = arith.constant 2 : i32
      %ge3A_255 = arith.cmpi sge, %add3A_253, %ge3A_254 : i32
      %convert_element_type3A_256 = arith.extui %ge3A_255 : i1 to i32
      %cond3A_257 = arith.constant 0 : i32
      %cond3A_258 = arith.cmpi ne, %convert_element_type3A_256, %cond3A_257 : i32
      scf.if %cond3A_258 {
        %mul3A_395 = arith.constant 32 : i32
        %mul3A_396 = arith.muli %add3A, %mul3A_395 : i32
        %add3A_397 = arith.constant 0 : i32
        %add3A_398 = arith.addi %mul3A_396, %add3A_397 : i32
        %mul3A_399 = arith.constant 128 : i32
        %mul3A_400 = arith.muli %add3A_398, %mul3A_399 : i32
        %dma_wait3A_401 = arith.constant 0 : i32
        %dma_wait3A_402 = tpu.memref_slice %arg3[%mul3A_400, %dma_wait3A_401] : memref<131072x128xf32, #tpu.memory_space<hbm>> -> memref<128x128xf32, #tpu.memory_space<hbm>>
        %dma_wait3A_403 = arith.constant 0 : i32
        %dma_wait3A_404 = tpu.memref_slice %arg3[%mul3A_400, %dma_wait3A_403] : memref<131072x128xf32, #tpu.memory_space<hbm>> -> memref<128x128xf32, #tpu.memory_space<hbm>>
        tpu.wait_dma2 semaphore(%arg10 : memref<!tpu.dma_semaphore, #tpu.memory_space<semaphore_mem>>) src(%arg6 : memref<128x128xf32, #tpu.memory_space<vmem>>) dst(%dma_wait3A_404 : memref<128x128xf32, #tpu.memory_space<hbm>>)
      } else {
      }
      %add3A_259 = arith.constant 0 : i32
      %add3A_260 = vector.broadcast %add3A_259 : i32 to vector<16xi32>
      %add3A_261 = arith.addi %iota3A, %add3A_260 : vector<16xi32>
      %add3A_262 = arith.constant 0 : i32
      %add3A_263 = vector.broadcast %add3A_262 : i32 to vector<16xi32>
      %add3A_264 = arith.addi %add3A_263, %add3A_261 : vector<16xi32>
      tpu.vector_store_idx %arg5[%add3A_264, %add3A_261], %broadcast_in_dim3A_33 : memref<256x128xf32, #tpu.memory_space<vmem>>[vector<16xi32>, vector<16xi32>], vector<16xf32>,
      %add3A_265 = arith.constant 16 : i32
      %add3A_266 = vector.broadcast %add3A_265 : i32 to vector<16xi32>
      %add3A_267 = arith.addi %iota3A, %add3A_266 : vector<16xi32>
      %add3A_268 = arith.constant 0 : i32
      %add3A_269 = vector.broadcast %add3A_268 : i32 to vector<16xi32>
      %add3A_270 = arith.addi %add3A_269, %add3A_267 : vector<16xi32>
      tpu.vector_store_idx %arg5[%add3A_270, %add3A_267], %broadcast_in_dim3A_33 : memref<256x128xf32, #tpu.memory_space<vmem>>[vector<16xi32>, vector<16xi32>], vector<16xf32>,
      %add3A_271 = arith.constant 32 : i32
      %add3A_272 = vector.broadcast %add3A_271 : i32 to vector<16xi32>
      %add3A_273 = arith.addi %iota3A, %add3A_272 : vector<16xi32>
      %add3A_274 = arith.constant 0 : i32
      %add3A_275 = vector.broadcast %add3A_274 : i32 to vector<16xi32>
      %add3A_276 = arith.addi %add3A_275, %add3A_273 : vector<16xi32>
      tpu.vector_store_idx %arg5[%add3A_276, %add3A_273], %broadcast_in_dim3A_33 : memref<256x128xf32, #tpu.memory_space<vmem>>[vector<16xi32>, vector<16xi32>], vector<16xf32>,
      %add3A_277 = arith.constant 48 : i32
      %add3A_278 = vector.broadcast %add3A_277 : i32 to vector<16xi32>
      %add3A_279 = arith.addi %iota3A, %add3A_278 : vector<16xi32>
      %add3A_280 = arith.constant 0 : i32
      %add3A_281 = vector.broadcast %add3A_280 : i32 to vector<16xi32>
      %add3A_282 = arith.addi %add3A_281, %add3A_279 : vector<16xi32>
      tpu.vector_store_idx %arg5[%add3A_282, %add3A_279], %broadcast_in_dim3A_33 : memref<256x128xf32, #tpu.memory_space<vmem>>[vector<16xi32>, vector<16xi32>], vector<16xf32>,
      %add3A_283 = arith.constant 64 : i32
      %add3A_284 = vector.broadcast %add3A_283 : i32 to vector<16xi32>
      %add3A_285 = arith.addi %iota3A, %add3A_284 : vector<16xi32>
      %add3A_286 = arith.constant 0 : i32
      %add3A_287 = vector.broadcast %add3A_286 : i32 to vector<16xi32>
      %add3A_288 = arith.addi %add3A_287, %add3A_285 : vector<16xi32>
      tpu.vector_store_idx %arg5[%add3A_288, %add3A_285], %broadcast_in_dim3A_33 : memref<256x128xf32, #tpu.memory_space<vmem>>[vector<16xi32>, vector<16xi32>], vector<16xf32>,
      %add3A_289 = arith.constant 80 : i32
      %add3A_290 = vector.broadcast %add3A_289 : i32 to vector<16xi32>
      %add3A_291 = arith.addi %iota3A, %add3A_290 : vector<16xi32>
      %add3A_292 = arith.constant 0 : i32
      %add3A_293 = vector.broadcast %add3A_292 : i32 to vector<16xi32>
      %add3A_294 = arith.addi %add3A_293, %add3A_291 : vector<16xi32>
      tpu.vector_store_idx %arg5[%add3A_294, %add3A_291], %broadcast_in_dim3A_33 : memref<256x128xf32, #tpu.memory_space<vmem>>[vector<16xi32>, vector<16xi32>], vector<16xf32>,
      %add3A_295 = arith.constant 96 : i32
      %add3A_296 = vector.broadcast %add3A_295 : i32 to vector<16xi32>
      %add3A_297 = arith.addi %iota3A, %add3A_296 : vector<16xi32>
      %add3A_298 = arith.constant 0 : i32
      %add3A_299 = vector.broadcast %add3A_298 : i32 to vector<16xi32>
      %add3A_300 = arith.addi %add3A_299, %add3A_297 : vector<16xi32>
      tpu.vector_store_idx %arg5[%add3A_300, %add3A_297], %broadcast_in_dim3A_33 : memref<256x128xf32, #tpu.memory_space<vmem>>[vector<16xi32>, vector<16xi32>], vector<16xf32>,
      %add3A_301 = arith.constant 112 : i32
      %add3A_302 = vector.broadcast %add3A_301 : i32 to vector<16xi32>
      %add3A_303 = arith.addi %iota3A, %add3A_302 : vector<16xi32>
      %add3A_304 = arith.constant 0 : i32
      %add3A_305 = vector.broadcast %add3A_304 : i32 to vector<16xi32>
      %add3A_306 = arith.addi %add3A_305, %add3A_303 : vector<16xi32>
      tpu.vector_store_idx %arg5[%add3A_306, %add3A_303], %broadcast_in_dim3A_33 : memref<256x128xf32, #tpu.memory_space<vmem>>[vector<16xi32>, vector<16xi32>], vector<16xf32>,
      %parallel_loop3A_307 = arith.constant 0 : i32
      %parallel_loop3A_308 = arith.constant 128 : i32
      %parallel_loop3A_309 = arith.constant 1 : i32
      scf.for %parallel_loop3A_395 = %parallel_loop3A_307 to %parallel_loop3A_308 step %parallel_loop3A_309  : i32 {
        %parallel_loop3A_396 = vector.broadcast %parallel_loop3A_395 : i32 to vector<16xi32>
        %parallel_loop3A_397 = arith.constant 0 : i32
        %parallel_loop3A_398 = arith.addi %parallel_loop3A_397, %parallel_loop3A_395 : i32
        %parallel_loop3A_399 = arith.index_cast %parallel_loop3A_398 : i32 to index
        %parallel_loop3A_400 = arith.constant 0 : index
        %parallel_loop3A_401 = tpu.vector_load %arg5[%parallel_loop3A_399, %parallel_loop3A_400] {strides = array<i32>} : memref<256x128xf32, #tpu.memory_space<vmem>>, vector<16xf32>,
        %parallel_loop3A_402 = tpu.bitcast %parallel_loop3A_401 : vector<16xf32> -> vector<16xi32>
        %parallel_loop3A_403 = arith.andi %parallel_loop3A_402, %broadcast_in_dim3A_35 : vector<16xi32>
        %parallel_loop3A_404 = arith.ori %parallel_loop3A_403, %add3A_7 : vector<16xi32>
        %parallel_loop3A_405 = arith.constant dense<true> : vector<16xi1>
        %parallel_loop3A_406, %parallel_loop3A_407, %parallel_loop3A_408 = tpu.sort %parallel_loop3A_404, %parallel_loop3A_404 masked %parallel_loop3A_405 : (vector<16xi32>, vector<16xi32>, vector<16xi1>) -> (vector<16xi1>, vector<16xi32>, vector<16xi32>)
        %parallel_loop3A_409 = arith.constant 0 : i32
        %parallel_loop3A_410 = arith.addi %parallel_loop3A_409, %parallel_loop3A_395 : i32
        %parallel_loop3A_411 = arith.index_cast %parallel_loop3A_410 : i32 to index
        %parallel_loop3A_412 = arith.constant 16 : index
        %parallel_loop3A_413 = tpu.vector_load %arg5[%parallel_loop3A_411, %parallel_loop3A_412] {strides = array<i32>} : memref<256x128xf32, #tpu.memory_space<vmem>>, vector<16xf32>,
        %parallel_loop3A_414 = tpu.bitcast %parallel_loop3A_413 : vector<16xf32> -> vector<16xi32>
        %parallel_loop3A_415 = arith.andi %parallel_loop3A_414, %broadcast_in_dim3A_35 : vector<16xi32>
        %parallel_loop3A_416 = arith.ori %parallel_loop3A_415, %add3A_10 : vector<16xi32>
        %parallel_loop3A_417 = arith.constant dense<-1> : vector<16xi32>
        %parallel_loop3A_418 = arith.xori %parallel_loop3A_416, %parallel_loop3A_417 : vector<16xi32>
        %parallel_loop3A_419 = arith.constant dense<true> : vector<16xi1>
        %parallel_loop3A_420, %parallel_loop3A_421, %parallel_loop3A_422 = tpu.sort %parallel_loop3A_418, %parallel_loop3A_418 masked %parallel_loop3A_419 : (vector<16xi32>, vector<16xi32>, vector<16xi1>) -> (vector<16xi1>, vector<16xi32>, vector<16xi32>)
        %parallel_loop3A_423 = arith.constant 0 : i32
        %parallel_loop3A_424 = arith.addi %parallel_loop3A_423, %parallel_loop3A_395 : i32
        %parallel_loop3A_425 = arith.index_cast %parallel_loop3A_424 : i32 to index
        %parallel_loop3A_426 = arith.constant 32 : index
        %parallel_loop3A_427 = tpu.vector_load %arg5[%parallel_loop3A_425, %parallel_loop3A_426] {strides = array<i32>} : memref<256x128xf32, #tpu.memory_space<vmem>>, vector<16xf32>,
        %parallel_loop3A_428 = tpu.bitcast %parallel_loop3A_427 : vector<16xf32> -> vector<16xi32>
        %parallel_loop3A_429 = arith.andi %parallel_loop3A_428, %broadcast_in_dim3A_35 : vector<16xi32>
        %parallel_loop3A_430 = arith.ori %parallel_loop3A_429, %add3A_13 : vector<16xi32>
        %parallel_loop3A_431 = arith.constant dense<true> : vector<16xi1>
        %parallel_loop3A_432, %parallel_loop3A_433, %parallel_loop3A_434 = tpu.sort %parallel_loop3A_430, %parallel_loop3A_430 masked %parallel_loop3A_431 : (vector<16xi32>, vector<16xi32>, vector<16xi1>) -> (vector<16xi1>, vector<16xi32>, vector<16xi32>)
        %parallel_loop3A_435 = arith.constant 0 : i32
        %parallel_loop3A_436 = arith.addi %parallel_loop3A_435, %parallel_loop3A_395 : i32
        %parallel_loop3A_437 = arith.index_cast %parallel_loop3A_436 : i32 to index
        %parallel_loop3A_438 = arith.constant 48 : index
        %parallel_loop3A_439 = tpu.vector_load %arg5[%parallel_loop3A_437, %parallel_loop3A_438] {strides = array<i32>} : memref<256x128xf32, #tpu.memory_space<vmem>>, vector<16xf32>,
        %parallel_loop3A_440 = tpu.bitcast %parallel_loop3A_439 : vector<16xf32> -> vector<16xi32>
        %parallel_loop3A_441 = arith.andi %parallel_loop3A_440, %broadcast_in_dim3A_35 : vector<16xi32>
        %parallel_loop3A_442 = arith.ori %parallel_loop3A_441, %add3A_16 : vector<16xi32>
        %parallel_loop3A_443 = arith.constant dense<-1> : vector<16xi32>
        %parallel_loop3A_444 = arith.xori %parallel_loop3A_442, %parallel_loop3A_443 : vector<16xi32>
        %parallel_loop3A_445 = arith.constant dense<true> : vector<16xi1>
        %parallel_loop3A_446, %parallel_loop3A_447, %parallel_loop3A_448 = tpu.sort %parallel_loop3A_444, %parallel_loop3A_444 masked %parallel_loop3A_445 : (vector<16xi32>, vector<16xi32>, vector<16xi1>) -> (vector<16xi1>, vector<16xi32>, vector<16xi32>)
        %parallel_loop3A_449 = arith.constant 0 : i32
        %parallel_loop3A_450 = arith.addi %parallel_loop3A_449, %parallel_loop3A_395 : i32
        %parallel_loop3A_451 = arith.index_cast %parallel_loop3A_450 : i32 to index
        %parallel_loop3A_452 = arith.constant 64 : index
        %parallel_loop3A_453 = tpu.vector_load %arg5[%parallel_loop3A_451, %parallel_loop3A_452] {strides = array<i32>} : memref<256x128xf32, #tpu.memory_space<vmem>>, vector<16xf32>,
        %parallel_loop3A_454 = tpu.bitcast %parallel_loop3A_453 : vector<16xf32> -> vector<16xi32>
        %parallel_loop3A_455 = arith.andi %parallel_loop3A_454, %broadcast_in_dim3A_35 : vector<16xi32>
        %parallel_loop3A_456 = arith.ori %parallel_loop3A_455, %add3A_19 : vector<16xi32>
        %parallel_loop3A_457 = arith.constant dense<true> : vector<16xi1>
        %parallel_loop3A_458, %parallel_loop3A_459, %parallel_loop3A_460 = tpu.sort %parallel_loop3A_456, %parallel_loop3A_456 masked %parallel_loop3A_457 : (vector<16xi32>, vector<16xi32>, vector<16xi1>) -> (vector<16xi1>, vector<16xi32>, vector<16xi32>)
        %parallel_loop3A_461 = arith.constant 0 : i32
        %parallel_loop3A_462 = arith.addi %parallel_loop3A_461, %parallel_loop3A_395 : i32
        %parallel_loop3A_463 = arith.index_cast %parallel_loop3A_462 : i32 to index
        %parallel_loop3A_464 = arith.constant 80 : index
        %parallel_loop3A_465 = tpu.vector_load %arg5[%parallel_loop3A_463, %parallel_loop3A_464] {strides = array<i32>} : memref<256x128xf32, #tpu.memory_space<vmem>>, vector<16xf32>,
        %parallel_loop3A_466 = tpu.bitcast %parallel_loop3A_465 : vector<16xf32> -> vector<16xi32>
        %parallel_loop3A_467 = arith.andi %parallel_loop3A_466, %broadcast_in_dim3A_35 : vector<16xi32>
        %parallel_loop3A_468 = arith.ori %parallel_loop3A_467, %add3A_22 : vector<16xi32>
        %parallel_loop3A_469 = arith.constant dense<-1> : vector<16xi32>
        %parallel_loop3A_470 = arith.xori %parallel_loop3A_468, %parallel_loop3A_469 : vector<16xi32>
        %parallel_loop3A_471 = arith.constant dense<true> : vector<16xi1>
        %parallel_loop3A_472, %parallel_loop3A_473, %parallel_loop3A_474 = tpu.sort %parallel_loop3A_470, %parallel_loop3A_470 masked %parallel_loop3A_471 : (vector<16xi32>, vector<16xi32>, vector<16xi1>) -> (vector<16xi1>, vector<16xi32>, vector<16xi32>)
        %parallel_loop3A_475 = arith.constant 0 : i32
        %parallel_loop3A_476 = arith.addi %parallel_loop3A_475, %parallel_loop3A_395 : i32
        %parallel_loop3A_477 = arith.index_cast %parallel_loop3A_476 : i32 to index
        %parallel_loop3A_478 = arith.constant 96 : index
        %parallel_loop3A_479 = tpu.vector_load %arg5[%parallel_loop3A_477, %parallel_loop3A_478] {strides = array<i32>} : memref<256x128xf32, #tpu.memory_space<vmem>>, vector<16xf32>,
        %parallel_loop3A_480 = tpu.bitcast %parallel_loop3A_479 : vector<16xf32> -> vector<16xi32>
        %parallel_loop3A_481 = arith.andi %parallel_loop3A_480, %broadcast_in_dim3A_35 : vector<16xi32>
        %parallel_loop3A_482 = arith.ori %parallel_loop3A_481, %add3A_25 : vector<16xi32>
        %parallel_loop3A_483 = arith.constant dense<true> : vector<16xi1>
        %parallel_loop3A_484, %parallel_loop3A_485, %parallel_loop3A_486 = tpu.sort %parallel_loop3A_482, %parallel_loop3A_482 masked %parallel_loop3A_483 : (vector<16xi32>, vector<16xi32>, vector<16xi1>) -> (vector<16xi1>, vector<16xi32>, vector<16xi32>)
        %parallel_loop3A_487 = arith.constant 0 : i32
        %parallel_loop3A_488 = arith.addi %parallel_loop3A_487, %parallel_loop3A_395 : i32
        %parallel_loop3A_489 = arith.index_cast %parallel_loop3A_488 : i32 to index
        %parallel_loop3A_490 = arith.constant 112 : index
        %parallel_loop3A_491 = tpu.vector_load %arg5[%parallel_loop3A_489, %parallel_loop3A_490] {strides = array<i32>} : memref<256x128xf32, #tpu.memory_space<vmem>>, vector<16xf32>,
        %parallel_loop3A_492 = tpu.bitcast %parallel_loop3A_491 : vector<16xf32> -> vector<16xi32>
        %parallel_loop3A_493 = arith.andi %parallel_loop3A_492, %broadcast_in_dim3A_35 : vector<16xi32>
        %parallel_loop3A_494 = arith.ori %parallel_loop3A_493, %add3A_28 : vector<16xi32>
        %parallel_loop3A_495 = arith.constant dense<-1> : vector<16xi32>
        %parallel_loop3A_496 = arith.xori %parallel_loop3A_494, %parallel_loop3A_495 : vector<16xi32>
        %parallel_loop3A_497 = arith.constant dense<true> : vector<16xi1>
        %parallel_loop3A_498, %parallel_loop3A_499, %parallel_loop3A_500 = tpu.sort %parallel_loop3A_496, %parallel_loop3A_496 masked %parallel_loop3A_497 : (vector<16xi32>, vector<16xi32>, vector<16xi1>) -> (vector<16xi1>, vector<16xi32>, vector<16xi32>)
        %parallel_loop3A_501 = arith.constant dense<-1> : vector<16xi32>
        %parallel_loop3A_502 = arith.xori %parallel_loop3A_421, %parallel_loop3A_501 : vector<16xi32>
        %parallel_loop3A_503 = arith.select %lt3A_2, %parallel_loop3A_407, %parallel_loop3A_502 : vector<16xi1>, vector<16xi32>
        %parallel_loop3A_504 = arith.constant dense<true> : vector<16xi1>
        %parallel_loop3A_505, %parallel_loop3A_506, %parallel_loop3A_507 = tpu.sort %parallel_loop3A_503, %parallel_loop3A_503 masked %parallel_loop3A_504 : (vector<16xi32>, vector<16xi32>, vector<16xi1>) -> (vector<16xi1>, vector<16xi32>, vector<16xi32>)
        %parallel_loop3A_508 = arith.constant dense<-1> : vector<16xi32>
        %parallel_loop3A_509 = arith.xori %parallel_loop3A_433, %parallel_loop3A_508 : vector<16xi32>
        %parallel_loop3A_510 = arith.select %lt3A_2, %parallel_loop3A_509, %parallel_loop3A_447 : vector<16xi1>, vector<16xi32>
        %parallel_loop3A_511 = arith.constant dense<true> : vector<16xi1>
        %parallel_loop3A_512, %parallel_loop3A_513, %parallel_loop3A_514 = tpu.sort %parallel_loop3A_510, %parallel_loop3A_510 masked %parallel_loop3A_511 : (vector<16xi32>, vector<16xi32>, vector<16xi1>) -> (vector<16xi1>, vector<16xi32>, vector<16xi32>)
        %parallel_loop3A_515 = arith.constant dense<-1> : vector<16xi32>
        %parallel_loop3A_516 = arith.xori %parallel_loop3A_473, %parallel_loop3A_515 : vector<16xi32>
        %parallel_loop3A_517 = arith.select %lt3A_2, %parallel_loop3A_459, %parallel_loop3A_516 : vector<16xi1>, vector<16xi32>
        %parallel_loop3A_518 = arith.constant dense<true> : vector<16xi1>
        %parallel_loop3A_519, %parallel_loop3A_520, %parallel_loop3A_521 = tpu.sort %parallel_loop3A_517, %parallel_loop3A_517 masked %parallel_loop3A_518 : (vector<16xi32>, vector<16xi32>, vector<16xi1>) -> (vector<16xi1>, vector<16xi32>, vector<16xi32>)
        %parallel_loop3A_522 = arith.constant dense<-1> : vector<16xi32>
        %parallel_loop3A_523 = arith.xori %parallel_loop3A_485, %parallel_loop3A_522 : vector<16xi32>
        %parallel_loop3A_524 = arith.select %lt3A_2, %parallel_loop3A_523, %parallel_loop3A_499 : vector<16xi1>, vector<16xi32>
        %parallel_loop3A_525 = arith.constant dense<true> : vector<16xi1>
        %parallel_loop3A_526, %parallel_loop3A_527, %parallel_loop3A_528 = tpu.sort %parallel_loop3A_524, %parallel_loop3A_524 masked %parallel_loop3A_525 : (vector<16xi32>, vector<16xi32>, vector<16xi1>) -> (vector<16xi1>, vector<16xi32>, vector<16xi32>)
        %parallel_loop3A_529 = arith.constant dense<-1> : vector<16xi32>
        %parallel_loop3A_530 = arith.xori %parallel_loop3A_513, %parallel_loop3A_529 : vector<16xi32>
        %parallel_loop3A_531 = arith.select %lt3A_2, %parallel_loop3A_506, %parallel_loop3A_530 : vector<16xi1>, vector<16xi32>
        %parallel_loop3A_532 = arith.constant dense<true> : vector<16xi1>
        %parallel_loop3A_533, %parallel_loop3A_534, %parallel_loop3A_535 = tpu.sort %parallel_loop3A_531, %parallel_loop3A_531 masked %parallel_loop3A_532 : (vector<16xi32>, vector<16xi32>, vector<16xi1>) -> (vector<16xi1>, vector<16xi32>, vector<16xi32>)
        %parallel_loop3A_536 = arith.constant dense<-1> : vector<16xi32>
        %parallel_loop3A_537 = arith.xori %parallel_loop3A_520, %parallel_loop3A_536 : vector<16xi32>
        %parallel_loop3A_538 = arith.select %lt3A_2, %parallel_loop3A_537, %parallel_loop3A_527 : vector<16xi1>, vector<16xi32>
        %parallel_loop3A_539 = arith.constant dense<true> : vector<16xi1>
        %parallel_loop3A_540, %parallel_loop3A_541, %parallel_loop3A_542 = tpu.sort %parallel_loop3A_538, %parallel_loop3A_538 masked %parallel_loop3A_539 : (vector<16xi32>, vector<16xi32>, vector<16xi1>) -> (vector<16xi1>, vector<16xi32>, vector<16xi32>)
        %parallel_loop3A_543 = arith.constant dense<-1> : vector<16xi32>
        %parallel_loop3A_544 = arith.xori %parallel_loop3A_541, %parallel_loop3A_543 : vector<16xi32>
        %parallel_loop3A_545 = arith.select %lt3A_2, %parallel_loop3A_534, %parallel_loop3A_544 : vector<16xi1>, vector<16xi32>
        %parallel_loop3A_546 = arith.constant dense<true> : vector<16xi1>
        %parallel_loop3A_547, %parallel_loop3A_548, %parallel_loop3A_549 = tpu.sort %parallel_loop3A_545, %parallel_loop3A_545 masked %parallel_loop3A_546 : (vector<16xi32>, vector<16xi32>, vector<16xi1>) -> (vector<16xi1>, vector<16xi32>, vector<16xi32>)
        %parallel_loop3A_550 = arith.index_cast %parallel_loop3A_395 : i32 to index
        %parallel_loop3A_551 = arith.constant 0 : index
        %parallel_loop3A_552 = tpu.vector_load %arg6[%parallel_loop3A_550, %parallel_loop3A_551] {strides = array<i32>} : memref<128x128xf32, #tpu.memory_space<vmem>>, vector<16xf32>,
        tpu.vector_store %arg6[%parallel_loop3A_550, %parallel_loop3A_551], %broadcast_in_dim3A_29 {strides = array<i32>} : memref<128x128xf32, #tpu.memory_space<vmem>>, vector<16xf32>,
        %parallel_loop3A_553 = arith.index_cast %parallel_loop3A_395 : i32 to index
        %parallel_loop3A_554 = arith.constant 16 : index
        %parallel_loop3A_555 = tpu.vector_load %arg6[%parallel_loop3A_553, %parallel_loop3A_554] {strides = array<i32>} : memref<128x128xf32, #tpu.memory_space<vmem>>, vector<16xf32>,
        tpu.vector_store %arg6[%parallel_loop3A_553, %parallel_loop3A_554], %broadcast_in_dim3A_29 {strides = array<i32>} : memref<128x128xf32, #tpu.memory_space<vmem>>, vector<16xf32>,
        %parallel_loop3A_556 = arith.index_cast %parallel_loop3A_395 : i32 to index
        %parallel_loop3A_557 = arith.constant 32 : index
        %parallel_loop3A_558 = tpu.vector_load %arg6[%parallel_loop3A_556, %parallel_loop3A_557] {strides = array<i32>} : memref<128x128xf32, #tpu.memory_space<vmem>>, vector<16xf32>,
        tpu.vector_store %arg6[%parallel_loop3A_556, %parallel_loop3A_557], %broadcast_in_dim3A_29 {strides = array<i32>} : memref<128x128xf32, #tpu.memory_space<vmem>>, vector<16xf32>,
        %parallel_loop3A_559 = arith.index_cast %parallel_loop3A_395 : i32 to index
        %parallel_loop3A_560 = arith.constant 48 : index
        %parallel_loop3A_561 = tpu.vector_load %arg6[%parallel_loop3A_559, %parallel_loop3A_560] {strides = array<i32>} : memref<128x128xf32, #tpu.memory_space<vmem>>, vector<16xf32>,
        tpu.vector_store %arg6[%parallel_loop3A_559, %parallel_loop3A_560], %broadcast_in_dim3A_29 {strides = array<i32>} : memref<128x128xf32, #tpu.memory_space<vmem>>, vector<16xf32>,
        %parallel_loop3A_562 = arith.index_cast %parallel_loop3A_395 : i32 to index
        %parallel_loop3A_563 = arith.constant 64 : index
        %parallel_loop3A_564 = tpu.vector_load %arg6[%parallel_loop3A_562, %parallel_loop3A_563] {strides = array<i32>} : memref<128x128xf32, #tpu.memory_space<vmem>>, vector<16xf32>,
        tpu.vector_store %arg6[%parallel_loop3A_562, %parallel_loop3A_563], %broadcast_in_dim3A_29 {strides = array<i32>} : memref<128x128xf32, #tpu.memory_space<vmem>>, vector<16xf32>,
        %parallel_loop3A_565 = arith.index_cast %parallel_loop3A_395 : i32 to index
        %parallel_loop3A_566 = arith.constant 80 : index
        %parallel_loop3A_567 = tpu.vector_load %arg6[%parallel_loop3A_565, %parallel_loop3A_566] {strides = array<i32>} : memref<128x128xf32, #tpu.memory_space<vmem>>, vector<16xf32>,
        tpu.vector_store %arg6[%parallel_loop3A_565, %parallel_loop3A_566], %broadcast_in_dim3A_29 {strides = array<i32>} : memref<128x128xf32, #tpu.memory_space<vmem>>, vector<16xf32>,
        %parallel_loop3A_568 = arith.index_cast %parallel_loop3A_395 : i32 to index
        %parallel_loop3A_569 = arith.constant 96 : index
        %parallel_loop3A_570 = tpu.vector_load %arg6[%parallel_loop3A_568, %parallel_loop3A_569] {strides = array<i32>} : memref<128x128xf32, #tpu.memory_space<vmem>>, vector<16xf32>,
        tpu.vector_store %arg6[%parallel_loop3A_568, %parallel_loop3A_569], %broadcast_in_dim3A_29 {strides = array<i32>} : memref<128x128xf32, #tpu.memory_space<vmem>>, vector<16xf32>,
        %parallel_loop3A_571 = arith.index_cast %parallel_loop3A_395 : i32 to index
        %parallel_loop3A_572 = arith.constant 112 : index
        %parallel_loop3A_573 = tpu.vector_load %arg6[%parallel_loop3A_571, %parallel_loop3A_572] {strides = array<i32>} : memref<128x128xf32, #tpu.memory_space<vmem>>, vector<16xf32>,
        tpu.vector_store %arg6[%parallel_loop3A_571, %parallel_loop3A_572], %broadcast_in_dim3A_29 {strides = array<i32>} : memref<128x128xf32, #tpu.memory_space<vmem>>, vector<16xf32>,
        %parallel_loop3A_574 = arith.constant 8 : i32
        %parallel_loop3A_575 = vector.broadcast %parallel_loop3A_574 : i32 to vector<16xi32>
        %parallel_loop3A_576 = arith.cmpi eq, %iota3A, %parallel_loop3A_575 : vector<16xi32>
        %parallel_loop3A_577 = arith.andi %parallel_loop3A_548, %broadcast_in_dim3A_37 : vector<16xi32>
        %parallel_loop3A_578 = arith.select %parallel_loop3A_576, %parallel_loop3A_396, %parallel_loop3A_577 : vector<16xi1>, vector<16xi32>
        tpu.vector_store_idx %arg6[%parallel_loop3A_396, %parallel_loop3A_578], %broadcast_in_dim3A_31 masked %le3A_4 : memref<128x128xf32, #tpu.memory_space<vmem>>[vector<16xi32>, vector<16xi32>], vector<16xf32>, vector<16xi1>
      } {sc.loop_unroll_factor = 2 : i64, sc.parallel_access}
      %mul3A_310 = arith.constant 32 : i32
      %mul3A_311 = arith.muli %add3A, %mul3A_310 : i32
      %add3A_312 = arith.addi %mul3A_311, %add3A_253 : i32
      %mul3A_313 = arith.constant 128 : i32
      %mul3A_314 = arith.muli %add3A_312, %mul3A_313 : i32
      %dma_start3A_315 = arith.constant 0 : i32
      %dma_start3A_316 = tpu.memref_slice %arg3[%mul3A_314, %dma_start3A_315] : memref<131072x128xf32, #tpu.memory_space<hbm>> -> memref<128x128xf32, #tpu.memory_space<hbm>>
      %dma_start3A_317 = arith.constant 0 : i32
      %dma_start3A_318 = tpu.memref_slice %arg3[%mul3A_314, %dma_start3A_317] : memref<131072x128xf32, #tpu.memory_space<hbm>> -> memref<128x128xf32, #tpu.memory_space<hbm>>
      tpu.enqueue_dma source(%arg6 : memref<128x128xf32, #tpu.memory_space<vmem>>) target(%dma_start3A_318 : memref<128x128xf32, #tpu.memory_space<hbm>>) target_semaphore(%arg10 : memref<!tpu.dma_semaphore, #tpu.memory_space<semaphore_mem>>)
      %mul3A_319 = arith.constant 2 : i32
      %mul3A_320 = arith.muli %mul3A_319, %add3A_239 : i32
      %add3A_321 = arith.constant 1 : i32
      %add3A_322 = arith.addi %mul3A_320, %add3A_321 : i32
      %ge3A_323 = arith.constant 2 : i32
      %ge3A_324 = arith.cmpi sge, %add3A_322, %ge3A_323 : i32
      %convert_element_type3A_325 = arith.extui %ge3A_324 : i1 to i32
      %cond3A_326 = arith.constant 0 : i32
      %cond3A_327 = arith.cmpi ne, %convert_element_type3A_325, %cond3A_326 : i32
      scf.if %cond3A_327 {
        %mul3A_395 = arith.constant 32 : i32
        %mul3A_396 = arith.muli %add3A, %mul3A_395 : i32
        %add3A_397 = arith.constant 0 : i32
        %add3A_398 = arith.addi %mul3A_396, %add3A_397 : i32
        %mul3A_399 = arith.constant 128 : i32
        %mul3A_400 = arith.muli %add3A_398, %mul3A_399 : i32
        %dma_wait3A_401 = arith.constant 0 : i32
        %dma_wait3A_402 = tpu.memref_slice %arg3[%mul3A_400, %dma_wait3A_401] : memref<131072x128xf32, #tpu.memory_space<hbm>> -> memref<128x128xf32, #tpu.memory_space<hbm>>
        %dma_wait3A_403 = arith.constant 0 : i32
        %dma_wait3A_404 = tpu.memref_slice %arg3[%mul3A_400, %dma_wait3A_403] : memref<131072x128xf32, #tpu.memory_space<hbm>> -> memref<128x128xf32, #tpu.memory_space<hbm>>
        tpu.wait_dma2 semaphore(%arg11 : memref<!tpu.dma_semaphore, #tpu.memory_space<semaphore_mem>>) src(%arg7 : memref<128x128xf32, #tpu.memory_space<vmem>>) dst(%dma_wait3A_404 : memref<128x128xf32, #tpu.memory_space<hbm>>)
      } else {
      }
      %add3A_328 = arith.constant 0 : i32
      %add3A_329 = vector.broadcast %add3A_328 : i32 to vector<16xi32>
      %add3A_330 = arith.addi %iota3A, %add3A_329 : vector<16xi32>
      %add3A_331 = arith.constant 128 : i32
      %add3A_332 = vector.broadcast %add3A_331 : i32 to vector<16xi32>
      %add3A_333 = arith.addi %add3A_332, %add3A_330 : vector<16xi32>
      tpu.vector_store_idx %arg5[%add3A_333, %add3A_330], %broadcast_in_dim3A_33 : memref<256x128xf32, #tpu.memory_space<vmem>>[vector<16xi32>, vector<16xi32>], vector<16xf32>,
      %add3A_334 = arith.constant 16 : i32
      %add3A_335 = vector.broadcast %add3A_334 : i32 to vector<16xi32>
      %add3A_336 = arith.addi %iota3A, %add3A_335 : vector<16xi32>
      %add3A_337 = arith.constant 128 : i32
      %add3A_338 = vector.broadcast %add3A_337 : i32 to vector<16xi32>
      %add3A_339 = arith.addi %add3A_338, %add3A_336 : vector<16xi32>
      tpu.vector_store_idx %arg5[%add3A_339, %add3A_336], %broadcast_in_dim3A_33 : memref<256x128xf32, #tpu.memory_space<vmem>>[vector<16xi32>, vector<16xi32>], vector<16xf32>,
      %add3A_340 = arith.constant 32 : i32
      %add3A_341 = vector.broadcast %add3A_340 : i32 to vector<16xi32>
      %add3A_342 = arith.addi %iota3A, %add3A_341 : vector<16xi32>
      %add3A_343 = arith.constant 128 : i32
      %add3A_344 = vector.broadcast %add3A_343 : i32 to vector<16xi32>
      %add3A_345 = arith.addi %add3A_344, %add3A_342 : vector<16xi32>
      tpu.vector_store_idx %arg5[%add3A_345, %add3A_342], %broadcast_in_dim3A_33 : memref<256x128xf32, #tpu.memory_space<vmem>>[vector<16xi32>, vector<16xi32>], vector<16xf32>,
      %add3A_346 = arith.constant 48 : i32
      %add3A_347 = vector.broadcast %add3A_346 : i32 to vector<16xi32>
      %add3A_348 = arith.addi %iota3A, %add3A_347 : vector<16xi32>
      %add3A_349 = arith.constant 128 : i32
      %add3A_350 = vector.broadcast %add3A_349 : i32 to vector<16xi32>
      %add3A_351 = arith.addi %add3A_350, %add3A_348 : vector<16xi32>
      tpu.vector_store_idx %arg5[%add3A_351, %add3A_348], %broadcast_in_dim3A_33 : memref<256x128xf32, #tpu.memory_space<vmem>>[vector<16xi32>, vector<16xi32>], vector<16xf32>,
      %add3A_352 = arith.constant 64 : i32
      %add3A_353 = vector.broadcast %add3A_352 : i32 to vector<16xi32>
      %add3A_354 = arith.addi %iota3A, %add3A_353 : vector<16xi32>
      %add3A_355 = arith.constant 128 : i32
      %add3A_356 = vector.broadcast %add3A_355 : i32 to vector<16xi32>
      %add3A_357 = arith.addi %add3A_356, %add3A_354 : vector<16xi32>
      tpu.vector_store_idx %arg5[%add3A_357, %add3A_354], %broadcast_in_dim3A_33 : memref<256x128xf32, #tpu.memory_space<vmem>>[vector<16xi32>, vector<16xi32>], vector<16xf32>,
      %add3A_358 = arith.constant 80 : i32
      %add3A_359 = vector.broadcast %add3A_358 : i32 to vector<16xi32>
      %add3A_360 = arith.addi %iota3A, %add3A_359 : vector<16xi32>
      %add3A_361 = arith.constant 128 : i32
      %add3A_362 = vector.broadcast %add3A_361 : i32 to vector<16xi32>
      %add3A_363 = arith.addi %add3A_362, %add3A_360 : vector<16xi32>
      tpu.vector_store_idx %arg5[%add3A_363, %add3A_360], %broadcast_in_dim3A_33 : memref<256x128xf32, #tpu.memory_space<vmem>>[vector<16xi32>, vector<16xi32>], vector<16xf32>,
      %add3A_364 = arith.constant 96 : i32
      %add3A_365 = vector.broadcast %add3A_364 : i32 to vector<16xi32>
      %add3A_366 = arith.addi %iota3A, %add3A_365 : vector<16xi32>
      %add3A_367 = arith.constant 128 : i32
      %add3A_368 = vector.broadcast %add3A_367 : i32 to vector<16xi32>
      %add3A_369 = arith.addi %add3A_368, %add3A_366 : vector<16xi32>
      tpu.vector_store_idx %arg5[%add3A_369, %add3A_366], %broadcast_in_dim3A_33 : memref<256x128xf32, #tpu.memory_space<vmem>>[vector<16xi32>, vector<16xi32>], vector<16xf32>,
      %add3A_370 = arith.constant 112 : i32
      %add3A_371 = vector.broadcast %add3A_370 : i32 to vector<16xi32>
      %add3A_372 = arith.addi %iota3A, %add3A_371 : vector<16xi32>
      %add3A_373 = arith.constant 128 : i32
      %add3A_374 = vector.broadcast %add3A_373 : i32 to vector<16xi32>
      %add3A_375 = arith.addi %add3A_374, %add3A_372 : vector<16xi32>
      tpu.vector_store_idx %arg5[%add3A_375, %add3A_372], %broadcast_in_dim3A_33 : memref<256x128xf32, #tpu.memory_space<vmem>>[vector<16xi32>, vector<16xi32>], vector<16xf32>,
      %parallel_loop3A_376 = arith.constant 0 : i32
      %parallel_loop3A_377 = arith.constant 128 : i32
      %parallel_loop3A_378 = arith.constant 1 : i32
      scf.for %parallel_loop3A_395 = %parallel_loop3A_376 to %parallel_loop3A_377 step %parallel_loop3A_378  : i32 {
        %parallel_loop3A_396 = vector.broadcast %parallel_loop3A_395 : i32 to vector<16xi32>
        %parallel_loop3A_397 = arith.constant 128 : i32
        %parallel_loop3A_398 = arith.addi %parallel_loop3A_397, %parallel_loop3A_395 : i32
        %parallel_loop3A_399 = arith.index_cast %parallel_loop3A_398 : i32 to index
        %parallel_loop3A_400 = arith.constant 0 : index
        %parallel_loop3A_401 = tpu.vector_load %arg5[%parallel_loop3A_399, %parallel_loop3A_400] {strides = array<i32>} : memref<256x128xf32, #tpu.memory_space<vmem>>, vector<16xf32>,
        %parallel_loop3A_402 = tpu.bitcast %parallel_loop3A_401 : vector<16xf32> -> vector<16xi32>
        %parallel_loop3A_403 = arith.andi %parallel_loop3A_402, %broadcast_in_dim3A_35 : vector<16xi32>
        %parallel_loop3A_404 = arith.ori %parallel_loop3A_403, %add3A_7 : vector<16xi32>
        %parallel_loop3A_405 = arith.constant dense<true> : vector<16xi1>
        %parallel_loop3A_406, %parallel_loop3A_407, %parallel_loop3A_408 = tpu.sort %parallel_loop3A_404, %parallel_loop3A_404 masked %parallel_loop3A_405 : (vector<16xi32>, vector<16xi32>, vector<16xi1>) -> (vector<16xi1>, vector<16xi32>, vector<16xi32>)
        %parallel_loop3A_409 = arith.constant 128 : i32
        %parallel_loop3A_410 = arith.addi %parallel_loop3A_409, %parallel_loop3A_395 : i32
        %parallel_loop3A_411 = arith.index_cast %parallel_loop3A_410 : i32 to index
        %parallel_loop3A_412 = arith.constant 16 : index
        %parallel_loop3A_413 = tpu.vector_load %arg5[%parallel_loop3A_411, %parallel_loop3A_412] {strides = array<i32>} : memref<256x128xf32, #tpu.memory_space<vmem>>, vector<16xf32>,
        %parallel_loop3A_414 = tpu.bitcast %parallel_loop3A_413 : vector<16xf32> -> vector<16xi32>
        %parallel_loop3A_415 = arith.andi %parallel_loop3A_414, %broadcast_in_dim3A_35 : vector<16xi32>
        %parallel_loop3A_416 = arith.ori %parallel_loop3A_415, %add3A_10 : vector<16xi32>
        %parallel_loop3A_417 = arith.constant dense<-1> : vector<16xi32>
        %parallel_loop3A_418 = arith.xori %parallel_loop3A_416, %parallel_loop3A_417 : vector<16xi32>
        %parallel_loop3A_419 = arith.constant dense<true> : vector<16xi1>
        %parallel_loop3A_420, %parallel_loop3A_421, %parallel_loop3A_422 = tpu.sort %parallel_loop3A_418, %parallel_loop3A_418 masked %parallel_loop3A_419 : (vector<16xi32>, vector<16xi32>, vector<16xi1>) -> (vector<16xi1>, vector<16xi32>, vector<16xi32>)
        %parallel_loop3A_423 = arith.constant 128 : i32
        %parallel_loop3A_424 = arith.addi %parallel_loop3A_423, %parallel_loop3A_395 : i32
        %parallel_loop3A_425 = arith.index_cast %parallel_loop3A_424 : i32 to index
        %parallel_loop3A_426 = arith.constant 32 : index
        %parallel_loop3A_427 = tpu.vector_load %arg5[%parallel_loop3A_425, %parallel_loop3A_426] {strides = array<i32>} : memref<256x128xf32, #tpu.memory_space<vmem>>, vector<16xf32>,
        %parallel_loop3A_428 = tpu.bitcast %parallel_loop3A_427 : vector<16xf32> -> vector<16xi32>
        %parallel_loop3A_429 = arith.andi %parallel_loop3A_428, %broadcast_in_dim3A_35 : vector<16xi32>
        %parallel_loop3A_430 = arith.ori %parallel_loop3A_429, %add3A_13 : vector<16xi32>
        %parallel_loop3A_431 = arith.constant dense<true> : vector<16xi1>
        %parallel_loop3A_432, %parallel_loop3A_433, %parallel_loop3A_434 = tpu.sort %parallel_loop3A_430, %parallel_loop3A_430 masked %parallel_loop3A_431 : (vector<16xi32>, vector<16xi32>, vector<16xi1>) -> (vector<16xi1>, vector<16xi32>, vector<16xi32>)
        %parallel_loop3A_435 = arith.constant 128 : i32
        %parallel_loop3A_436 = arith.addi %parallel_loop3A_435, %parallel_loop3A_395 : i32
        %parallel_loop3A_437 = arith.index_cast %parallel_loop3A_436 : i32 to index
        %parallel_loop3A_438 = arith.constant 48 : index
        %parallel_loop3A_439 = tpu.vector_load %arg5[%parallel_loop3A_437, %parallel_loop3A_438] {strides = array<i32>} : memref<256x128xf32, #tpu.memory_space<vmem>>, vector<16xf32>,
        %parallel_loop3A_440 = tpu.bitcast %parallel_loop3A_439 : vector<16xf32> -> vector<16xi32>
        %parallel_loop3A_441 = arith.andi %parallel_loop3A_440, %broadcast_in_dim3A_35 : vector<16xi32>
        %parallel_loop3A_442 = arith.ori %parallel_loop3A_441, %add3A_16 : vector<16xi32>
        %parallel_loop3A_443 = arith.constant dense<-1> : vector<16xi32>
        %parallel_loop3A_444 = arith.xori %parallel_loop3A_442, %parallel_loop3A_443 : vector<16xi32>
        %parallel_loop3A_445 = arith.constant dense<true> : vector<16xi1>
        %parallel_loop3A_446, %parallel_loop3A_447, %parallel_loop3A_448 = tpu.sort %parallel_loop3A_444, %parallel_loop3A_444 masked %parallel_loop3A_445 : (vector<16xi32>, vector<16xi32>, vector<16xi1>) -> (vector<16xi1>, vector<16xi32>, vector<16xi32>)
        %parallel_loop3A_449 = arith.constant 128 : i32
        %parallel_loop3A_450 = arith.addi %parallel_loop3A_449, %parallel_loop3A_395 : i32
        %parallel_loop3A_451 = arith.index_cast %parallel_loop3A_450 : i32 to index
        %parallel_loop3A_452 = arith.constant 64 : index
        %parallel_loop3A_453 = tpu.vector_load %arg5[%parallel_loop3A_451, %parallel_loop3A_452] {strides = array<i32>} : memref<256x128xf32, #tpu.memory_space<vmem>>, vector<16xf32>,
        %parallel_loop3A_454 = tpu.bitcast %parallel_loop3A_453 : vector<16xf32> -> vector<16xi32>
        %parallel_loop3A_455 = arith.andi %parallel_loop3A_454, %broadcast_in_dim3A_35 : vector<16xi32>
        %parallel_loop3A_456 = arith.ori %parallel_loop3A_455, %add3A_19 : vector<16xi32>
        %parallel_loop3A_457 = arith.constant dense<true> : vector<16xi1>
        %parallel_loop3A_458, %parallel_loop3A_459, %parallel_loop3A_460 = tpu.sort %parallel_loop3A_456, %parallel_loop3A_456 masked %parallel_loop3A_457 : (vector<16xi32>, vector<16xi32>, vector<16xi1>) -> (vector<16xi1>, vector<16xi32>, vector<16xi32>)
        %parallel_loop3A_461 = arith.constant 128 : i32
        %parallel_loop3A_462 = arith.addi %parallel_loop3A_461, %parallel_loop3A_395 : i32
        %parallel_loop3A_463 = arith.index_cast %parallel_loop3A_462 : i32 to index
        %parallel_loop3A_464 = arith.constant 80 : index
        %parallel_loop3A_465 = tpu.vector_load %arg5[%parallel_loop3A_463, %parallel_loop3A_464] {strides = array<i32>} : memref<256x128xf32, #tpu.memory_space<vmem>>, vector<16xf32>,
        %parallel_loop3A_466 = tpu.bitcast %parallel_loop3A_465 : vector<16xf32> -> vector<16xi32>
        %parallel_loop3A_467 = arith.andi %parallel_loop3A_466, %broadcast_in_dim3A_35 : vector<16xi32>
        %parallel_loop3A_468 = arith.ori %parallel_loop3A_467, %add3A_22 : vector<16xi32>
        %parallel_loop3A_469 = arith.constant dense<-1> : vector<16xi32>
        %parallel_loop3A_470 = arith.xori %parallel_loop3A_468, %parallel_loop3A_469 : vector<16xi32>
        %parallel_loop3A_471 = arith.constant dense<true> : vector<16xi1>
        %parallel_loop3A_472, %parallel_loop3A_473, %parallel_loop3A_474 = tpu.sort %parallel_loop3A_470, %parallel_loop3A_470 masked %parallel_loop3A_471 : (vector<16xi32>, vector<16xi32>, vector<16xi1>) -> (vector<16xi1>, vector<16xi32>, vector<16xi32>)
        %parallel_loop3A_475 = arith.constant 128 : i32
        %parallel_loop3A_476 = arith.addi %parallel_loop3A_475, %parallel_loop3A_395 : i32
        %parallel_loop3A_477 = arith.index_cast %parallel_loop3A_476 : i32 to index
        %parallel_loop3A_478 = arith.constant 96 : index
        %parallel_loop3A_479 = tpu.vector_load %arg5[%parallel_loop3A_477, %parallel_loop3A_478] {strides = array<i32>} : memref<256x128xf32, #tpu.memory_space<vmem>>, vector<16xf32>,
        %parallel_loop3A_480 = tpu.bitcast %parallel_loop3A_479 : vector<16xf32> -> vector<16xi32>
        %parallel_loop3A_481 = arith.andi %parallel_loop3A_480, %broadcast_in_dim3A_35 : vector<16xi32>
        %parallel_loop3A_482 = arith.ori %parallel_loop3A_481, %add3A_25 : vector<16xi32>
        %parallel_loop3A_483 = arith.constant dense<true> : vector<16xi1>
        %parallel_loop3A_484, %parallel_loop3A_485, %parallel_loop3A_486 = tpu.sort %parallel_loop3A_482, %parallel_loop3A_482 masked %parallel_loop3A_483 : (vector<16xi32>, vector<16xi32>, vector<16xi1>) -> (vector<16xi1>, vector<16xi32>, vector<16xi32>)
        %parallel_loop3A_487 = arith.constant 128 : i32
        %parallel_loop3A_488 = arith.addi %parallel_loop3A_487, %parallel_loop3A_395 : i32
        %parallel_loop3A_489 = arith.index_cast %parallel_loop3A_488 : i32 to index
        %parallel_loop3A_490 = arith.constant 112 : index
        %parallel_loop3A_491 = tpu.vector_load %arg5[%parallel_loop3A_489, %parallel_loop3A_490] {strides = array<i32>} : memref<256x128xf32, #tpu.memory_space<vmem>>, vector<16xf32>,
        %parallel_loop3A_492 = tpu.bitcast %parallel_loop3A_491 : vector<16xf32> -> vector<16xi32>
        %parallel_loop3A_493 = arith.andi %parallel_loop3A_492, %broadcast_in_dim3A_35 : vector<16xi32>
        %parallel_loop3A_494 = arith.ori %parallel_loop3A_493, %add3A_28 : vector<16xi32>
        %parallel_loop3A_495 = arith.constant dense<-1> : vector<16xi32>
        %parallel_loop3A_496 = arith.xori %parallel_loop3A_494, %parallel_loop3A_495 : vector<16xi32>
        %parallel_loop3A_497 = arith.constant dense<true> : vector<16xi1>
        %parallel_loop3A_498, %parallel_loop3A_499, %parallel_loop3A_500 = tpu.sort %parallel_loop3A_496, %parallel_loop3A_496 masked %parallel_loop3A_497 : (vector<16xi32>, vector<16xi32>, vector<16xi1>) -> (vector<16xi1>, vector<16xi32>, vector<16xi32>)
        %parallel_loop3A_501 = arith.constant dense<-1> : vector<16xi32>
        %parallel_loop3A_502 = arith.xori %parallel_loop3A_421, %parallel_loop3A_501 : vector<16xi32>
        %parallel_loop3A_503 = arith.select %lt3A_2, %parallel_loop3A_407, %parallel_loop3A_502 : vector<16xi1>, vector<16xi32>
        %parallel_loop3A_504 = arith.constant dense<true> : vector<16xi1>
        %parallel_loop3A_505, %parallel_loop3A_506, %parallel_loop3A_507 = tpu.sort %parallel_loop3A_503, %parallel_loop3A_503 masked %parallel_loop3A_504 : (vector<16xi32>, vector<16xi32>, vector<16xi1>) -> (vector<16xi1>, vector<16xi32>, vector<16xi32>)
        %parallel_loop3A_508 = arith.constant dense<-1> : vector<16xi32>
        %parallel_loop3A_509 = arith.xori %parallel_loop3A_433, %parallel_loop3A_508 : vector<16xi32>
        %parallel_loop3A_510 = arith.select %lt3A_2, %parallel_loop3A_509, %parallel_loop3A_447 : vector<16xi1>, vector<16xi32>
        %parallel_loop3A_511 = arith.constant dense<true> : vector<16xi1>
        %parallel_loop3A_512, %parallel_loop3A_513, %parallel_loop3A_514 = tpu.sort %parallel_loop3A_510, %parallel_loop3A_510 masked %parallel_loop3A_511 : (vector<16xi32>, vector<16xi32>, vector<16xi1>) -> (vector<16xi1>, vector<16xi32>, vector<16xi32>)
        %parallel_loop3A_515 = arith.constant dense<-1> : vector<16xi32>
        %parallel_loop3A_516 = arith.xori %parallel_loop3A_473, %parallel_loop3A_515 : vector<16xi32>
        %parallel_loop3A_517 = arith.select %lt3A_2, %parallel_loop3A_459, %parallel_loop3A_516 : vector<16xi1>, vector<16xi32>
        %parallel_loop3A_518 = arith.constant dense<true> : vector<16xi1>
        %parallel_loop3A_519, %parallel_loop3A_520, %parallel_loop3A_521 = tpu.sort %parallel_loop3A_517, %parallel_loop3A_517 masked %parallel_loop3A_518 : (vector<16xi32>, vector<16xi32>, vector<16xi1>) -> (vector<16xi1>, vector<16xi32>, vector<16xi32>)
        %parallel_loop3A_522 = arith.constant dense<-1> : vector<16xi32>
        %parallel_loop3A_523 = arith.xori %parallel_loop3A_485, %parallel_loop3A_522 : vector<16xi32>
        %parallel_loop3A_524 = arith.select %lt3A_2, %parallel_loop3A_523, %parallel_loop3A_499 : vector<16xi1>, vector<16xi32>
        %parallel_loop3A_525 = arith.constant dense<true> : vector<16xi1>
        %parallel_loop3A_526, %parallel_loop3A_527, %parallel_loop3A_528 = tpu.sort %parallel_loop3A_524, %parallel_loop3A_524 masked %parallel_loop3A_525 : (vector<16xi32>, vector<16xi32>, vector<16xi1>) -> (vector<16xi1>, vector<16xi32>, vector<16xi32>)
        %parallel_loop3A_529 = arith.constant dense<-1> : vector<16xi32>
        %parallel_loop3A_530 = arith.xori %parallel_loop3A_513, %parallel_loop3A_529 : vector<16xi32>
        %parallel_loop3A_531 = arith.select %lt3A_2, %parallel_loop3A_506, %parallel_loop3A_530 : vector<16xi1>, vector<16xi32>
        %parallel_loop3A_532 = arith.constant dense<true> : vector<16xi1>
        %parallel_loop3A_533, %parallel_loop3A_534, %parallel_loop3A_535 = tpu.sort %parallel_loop3A_531, %parallel_loop3A_531 masked %parallel_loop3A_532 : (vector<16xi32>, vector<16xi32>, vector<16xi1>) -> (vector<16xi1>, vector<16xi32>, vector<16xi32>)
        %parallel_loop3A_536 = arith.constant dense<-1> : vector<16xi32>
        %parallel_loop3A_537 = arith.xori %parallel_loop3A_520, %parallel_loop3A_536 : vector<16xi32>
        %parallel_loop3A_538 = arith.select %lt3A_2, %parallel_loop3A_537, %parallel_loop3A_527 : vector<16xi1>, vector<16xi32>
        %parallel_loop3A_539 = arith.constant dense<true> : vector<16xi1>
        %parallel_loop3A_540, %parallel_loop3A_541, %parallel_loop3A_542 = tpu.sort %parallel_loop3A_538, %parallel_loop3A_538 masked %parallel_loop3A_539 : (vector<16xi32>, vector<16xi32>, vector<16xi1>) -> (vector<16xi1>, vector<16xi32>, vector<16xi32>)
        %parallel_loop3A_543 = arith.constant dense<-1> : vector<16xi32>
        %parallel_loop3A_544 = arith.xori %parallel_loop3A_541, %parallel_loop3A_543 : vector<16xi32>
        %parallel_loop3A_545 = arith.select %lt3A_2, %parallel_loop3A_534, %parallel_loop3A_544 : vector<16xi1>, vector<16xi32>
        %parallel_loop3A_546 = arith.constant dense<true> : vector<16xi1>
        %parallel_loop3A_547, %parallel_loop3A_548, %parallel_loop3A_549 = tpu.sort %parallel_loop3A_545, %parallel_loop3A_545 masked %parallel_loop3A_546 : (vector<16xi32>, vector<16xi32>, vector<16xi1>) -> (vector<16xi1>, vector<16xi32>, vector<16xi32>)
        %parallel_loop3A_550 = arith.index_cast %parallel_loop3A_395 : i32 to index
        %parallel_loop3A_551 = arith.constant 0 : index
        %parallel_loop3A_552 = tpu.vector_load %arg7[%parallel_loop3A_550, %parallel_loop3A_551] {strides = array<i32>} : memref<128x128xf32, #tpu.memory_space<vmem>>, vector<16xf32>,
        tpu.vector_store %arg7[%parallel_loop3A_550, %parallel_loop3A_551], %broadcast_in_dim3A_29 {strides = array<i32>} : memref<128x128xf32, #tpu.memory_space<vmem>>, vector<16xf32>,
        %parallel_loop3A_553 = arith.index_cast %parallel_loop3A_395 : i32 to index
        %parallel_loop3A_554 = arith.constant 16 : index
        %parallel_loop3A_555 = tpu.vector_load %arg7[%parallel_loop3A_553, %parallel_loop3A_554] {strides = array<i32>} : memref<128x128xf32, #tpu.memory_space<vmem>>, vector<16xf32>,
        tpu.vector_store %arg7[%parallel_loop3A_553, %parallel_loop3A_554], %broadcast_in_dim3A_29 {strides = array<i32>} : memref<128x128xf32, #tpu.memory_space<vmem>>, vector<16xf32>,
        %parallel_loop3A_556 = arith.index_cast %parallel_loop3A_395 : i32 to index
        %parallel_loop3A_557 = arith.constant 32 : index
        %parallel_loop3A_558 = tpu.vector_load %arg7[%parallel_loop3A_556, %parallel_loop3A_557] {strides = array<i32>} : memref<128x128xf32, #tpu.memory_space<vmem>>, vector<16xf32>,
        tpu.vector_store %arg7[%parallel_loop3A_556, %parallel_loop3A_557], %broadcast_in_dim3A_29 {strides = array<i32>} : memref<128x128xf32, #tpu.memory_space<vmem>>, vector<16xf32>,
        %parallel_loop3A_559 = arith.index_cast %parallel_loop3A_395 : i32 to index
        %parallel_loop3A_560 = arith.constant 48 : index
        %parallel_loop3A_561 = tpu.vector_load %arg7[%parallel_loop3A_559, %parallel_loop3A_560] {strides = array<i32>} : memref<128x128xf32, #tpu.memory_space<vmem>>, vector<16xf32>,
        tpu.vector_store %arg7[%parallel_loop3A_559, %parallel_loop3A_560], %broadcast_in_dim3A_29 {strides = array<i32>} : memref<128x128xf32, #tpu.memory_space<vmem>>, vector<16xf32>,
        %parallel_loop3A_562 = arith.index_cast %parallel_loop3A_395 : i32 to index
        %parallel_loop3A_563 = arith.constant 64 : index
        %parallel_loop3A_564 = tpu.vector_load %arg7[%parallel_loop3A_562, %parallel_loop3A_563] {strides = array<i32>} : memref<128x128xf32, #tpu.memory_space<vmem>>, vector<16xf32>,
        tpu.vector_store %arg7[%parallel_loop3A_562, %parallel_loop3A_563], %broadcast_in_dim3A_29 {strides = array<i32>} : memref<128x128xf32, #tpu.memory_space<vmem>>, vector<16xf32>,
        %parallel_loop3A_565 = arith.index_cast %parallel_loop3A_395 : i32 to index
        %parallel_loop3A_566 = arith.constant 80 : index
        %parallel_loop3A_567 = tpu.vector_load %arg7[%parallel_loop3A_565, %parallel_loop3A_566] {strides = array<i32>} : memref<128x128xf32, #tpu.memory_space<vmem>>, vector<16xf32>,
        tpu.vector_store %arg7[%parallel_loop3A_565, %parallel_loop3A_566], %broadcast_in_dim3A_29 {strides = array<i32>} : memref<128x128xf32, #tpu.memory_space<vmem>>, vector<16xf32>,
        %parallel_loop3A_568 = arith.index_cast %parallel_loop3A_395 : i32 to index
        %parallel_loop3A_569 = arith.constant 96 : index
        %parallel_loop3A_570 = tpu.vector_load %arg7[%parallel_loop3A_568, %parallel_loop3A_569] {strides = array<i32>} : memref<128x128xf32, #tpu.memory_space<vmem>>, vector<16xf32>,
        tpu.vector_store %arg7[%parallel_loop3A_568, %parallel_loop3A_569], %broadcast_in_dim3A_29 {strides = array<i32>} : memref<128x128xf32, #tpu.memory_space<vmem>>, vector<16xf32>,
        %parallel_loop3A_571 = arith.index_cast %parallel_loop3A_395 : i32 to index
        %parallel_loop3A_572 = arith.constant 112 : index
        %parallel_loop3A_573 = tpu.vector_load %arg7[%parallel_loop3A_571, %parallel_loop3A_572] {strides = array<i32>} : memref<128x128xf32, #tpu.memory_space<vmem>>, vector<16xf32>,
        tpu.vector_store %arg7[%parallel_loop3A_571, %parallel_loop3A_572], %broadcast_in_dim3A_29 {strides = array<i32>} : memref<128x128xf32, #tpu.memory_space<vmem>>, vector<16xf32>,
        %parallel_loop3A_574 = arith.constant 8 : i32
        %parallel_loop3A_575 = vector.broadcast %parallel_loop3A_574 : i32 to vector<16xi32>
        %parallel_loop3A_576 = arith.cmpi eq, %iota3A, %parallel_loop3A_575 : vector<16xi32>
        %parallel_loop3A_577 = arith.andi %parallel_loop3A_548, %broadcast_in_dim3A_37 : vector<16xi32>
        %parallel_loop3A_578 = arith.select %parallel_loop3A_576, %parallel_loop3A_396, %parallel_loop3A_577 : vector<16xi1>, vector<16xi32>
        tpu.vector_store_idx %arg7[%parallel_loop3A_396, %parallel_loop3A_578], %broadcast_in_dim3A_31 masked %le3A_4 : memref<128x128xf32, #tpu.memory_space<vmem>>[vector<16xi32>, vector<16xi32>], vector<16xf32>, vector<16xi1>
      } {sc.loop_unroll_factor = 2 : i64, sc.parallel_access}
      %mul3A_379 = arith.constant 32 : i32
      %mul3A_380 = arith.muli %add3A, %mul3A_379 : i32
      %add3A_381 = arith.addi %mul3A_380, %add3A_322 : i32
      %mul3A_382 = arith.constant 128 : i32
      %mul3A_383 = arith.muli %add3A_381, %mul3A_382 : i32
      %dma_start3A_384 = arith.constant 0 : i32
      %dma_start3A_385 = tpu.memref_slice %arg3[%mul3A_383, %dma_start3A_384] : memref<131072x128xf32, #tpu.memory_space<hbm>> -> memref<128x128xf32, #tpu.memory_space<hbm>>
      %dma_start3A_386 = arith.constant 0 : i32
      %dma_start3A_387 = tpu.memref_slice %arg3[%mul3A_383, %dma_start3A_386] : memref<131072x128xf32, #tpu.memory_space<hbm>> -> memref<128x128xf32, #tpu.memory_space<hbm>>
      tpu.enqueue_dma source(%arg7 : memref<128x128xf32, #tpu.memory_space<vmem>>) target(%dma_start3A_387 : memref<128x128xf32, #tpu.memory_space<hbm>>) target_semaphore(%arg11 : memref<!tpu.dma_semaphore, #tpu.memory_space<semaphore_mem>>)
      %add3A_388 = arith.constant 2 : i32
      %add3A_389 = arith.addi %add3A_239, %add3A_388 : i32
      %lt3A_390 = arith.constant 16 : i32
      %lt3A_391 = arith.cmpi slt, %add3A_389, %lt3A_390 : i32
      %convert_element_type3A_392 = arith.extui %lt3A_391 : i1 to i32
      %cond3A_393 = arith.constant 0 : i32
      %cond3A_394 = arith.cmpi ne, %convert_element_type3A_392, %cond3A_393 : i32
      scf.if %cond3A_394 {
        %add3A_395 = arith.constant 2 : i32
        %add3A_396 = arith.addi %add3A_239, %add3A_395 : i32
        %mul3A_397 = arith.constant 16 : i32
        %mul3A_398 = arith.muli %add3A, %mul3A_397 : i32
        %add3A_399 = arith.addi %mul3A_398, %add3A_396 : i32
        %mul3A_400 = arith.constant 256 : i32
        %mul3A_401 = arith.muli %add3A_399, %mul3A_400 : i32
        %dma_start3A_402 = arith.constant 0 : i32
        %dma_start3A_403 = tpu.memref_slice %arg2[%mul3A_401, %dma_start3A_402] : memref<131072x128xf32, #tpu.memory_space<hbm>> -> memref<256x128xf32, #tpu.memory_space<hbm>>
        %dma_start3A_404 = arith.constant 0 : i32
        %dma_start3A_405 = tpu.memref_slice %arg2[%mul3A_401, %dma_start3A_404] : memref<131072x128xf32, #tpu.memory_space<hbm>> -> memref<256x128xf32, #tpu.memory_space<hbm>>
        tpu.enqueue_dma source(%dma_start3A_405 : memref<256x128xf32, #tpu.memory_space<hbm>>) target(%arg5 : memref<256x128xf32, #tpu.memory_space<vmem>>) target_semaphore(%arg9 : memref<!tpu.dma_semaphore, #tpu.memory_space<semaphore_mem>>)
      } else {
      }
    }
    %scan3A_60 = arith.constant 8 : i32
    %mul3A_61 = arith.constant 32 : i32
    %mul3A_62 = arith.muli %add3A, %mul3A_61 : i32
    %add3A_63 = arith.constant 0 : i32
    %add3A_64 = arith.addi %mul3A_62, %add3A_63 : i32
    %mul3A_65 = arith.constant 128 : i32
    %mul3A_66 = arith.muli %add3A_64, %mul3A_65 : i32
    %dma_wait3A = arith.constant 0 : i32
    %dma_wait3A_67 = tpu.memref_slice %arg3[%mul3A_66, %dma_wait3A] : memref<131072x128xf32, #tpu.memory_space<hbm>> -> memref<128x128xf32, #tpu.memory_space<hbm>>
    %dma_wait3A_68 = arith.constant 0 : i32
    %dma_wait3A_69 = tpu.memref_slice %arg3[%mul3A_66, %dma_wait3A_68] : memref<131072x128xf32, #tpu.memory_space<hbm>> -> memref<128x128xf32, #tpu.memory_space<hbm>>
    tpu.wait_dma2 semaphore(%arg10 : memref<!tpu.dma_semaphore, #tpu.memory_space<semaphore_mem>>) src(%arg6 : memref<128x128xf32, #tpu.memory_space<vmem>>) dst(%dma_wait3A_69 : memref<128x128xf32, #tpu.memory_space<hbm>>)
    %mul3A_70 = arith.constant 32 : i32
    %mul3A_71 = arith.muli %add3A, %mul3A_70 : i32
    %add3A_72 = arith.constant 0 : i32
    %add3A_73 = arith.addi %mul3A_71, %add3A_72 : i32
    %mul3A_74 = arith.constant 128 : i32
    %mul3A_75 = arith.muli %add3A_73, %mul3A_74 : i32
    %dma_wait3A_76 = arith.constant 0 : i32
    %dma_wait3A_77 = tpu.memref_slice %arg3[%mul3A_75, %dma_wait3A_76] : memref<131072x128xf32, #tpu.memory_space<hbm>> -> memref<128x128xf32, #tpu.memory_space<hbm>>
    %dma_wait3A_78 = arith.constant 0 : i32
    %dma_wait3A_79 = tpu.memref_slice %arg3[%mul3A_75, %dma_wait3A_78] : memref<131072x128xf32, #tpu.memory_space<hbm>> -> memref<128x128xf32, #tpu.memory_space<hbm>>
    tpu.wait_dma2 semaphore(%arg11 : memref<!tpu.dma_semaphore, #tpu.memory_space<semaphore_mem>>) src(%arg7 : memref<128x128xf32, #tpu.memory_space<vmem>>) dst(%dma_wait3A_79 : memref<128x128xf32, #tpu.memory_space<hbm>>)
    return
  }
}

</mosaic_0001>

<sc_bundles>
// kernel: _dyn_graph.3.cloned.1.call-start
scs
__scs_entry_jumppad:
0x0: {  	(pc) =	sbr.rel $0x88, $3  }
0x1: {  	(tag) =	ssettag $0x0;
	lr =	simm.s32 $0x1  }
0x2: {  	[smem:$0x3FA0] =	sst lr;
	_ =	strace $0xD0000000  }
0x3: {  	_ = 	snop  }
0x4: {  	_ = 	snop  }
0x5: {  	_ = 	snop  }
0x6: {  	_ = 	snop  }
0x7: {  	_ = 	snop  }
__scs_overlays_trampoline_lowered:
0x8: {  	[smem:$0x3FAF] =	sst s0  }
0x9: {  	[smem:$0x3FB0] =	sst s1  }
0xa: {  	[smem:$0x3FB1] =	sst s2  }
0xb: {  	[smem:$0x3FB2] =	sst s3  }
0xc: {  	[smem:$0x3FB3] =	sst s4  }
0xd: {  	[smem:$0x3FB4] =	sst s5  }
0xe: {  	[smem:$0x3FB5] =	sst s6  }
0xf: {  	[smem:$0x3FB6] =	sst s7  }
0x10: {  	[smem:$0x3FB7] =	sst s8  }
0x11: {  	[smem:$0x3FB8] =	sst s9;
	s0 =	simm.s32 @!p0 $0x0  }
0x12: {  	s1 =	sld [smem:$0x3F9E];
	s0 =	simm.s32 @p0 $0x1  }
0x13: {  	[smem:$0x3FB9] =	sst s0;
	s0 =	simm.s32 @!p1 $0x0  }
0x14: {  	s2 =	sld [smem:$0x3F9D];
	s0 =	simm.s32 @p1 $0x1  }
0x15: {  	[smem:$0x3FBA] =	sst s0;
	s0 =	simm.s32 @!p2 $0x0  }
0x16: {  	s3 =	sld [smem:$0x3FDB];
	s0 =	simm.s32 @p2 $0x1  }
0x17: {  	s4 =	simm.s32 $0x1BF5;
	[smem:$0x3FBC] =	sst s0  }
0x18: {  	s0 =	sld [smem:$0x3F9F];
	_ =	swait.ge [sflag:s4], $0x0  }
0x19: {  	s7 =	sld [smem:$0x3FA0]  }
0x1a: {  	s8 =	sadd.s32 $0xFFFFE003, lr  }
0x1b: {  	s9 =	sadd.s32 $0xFFFFFEF7, lr;
	s5 =	simm.s32 $0xFFFFFFFF;
	p2 =	slt.u32 s8, $0xFFFFF086  }
0x1c: {  	p1 =	slt.u32 s9, $0xF7A;
	s5 =	simm.s32 @!p2 $0x0  }
0x1d: {  	s5 =	simm.s32 @p1 $0x1;
	p0 =	seq.s32 s7, s2  }
0x1e: {  	s7 =	smul.u32 @!p0 $0xF7A, s2;
	p2 =	seq.s32 @!p0 s5, $0x0  }
0x1f: {  	s9 =	smul.u32 $0xF7A, s1;
	s8 =	simm.s32 @!p0 $0x1BF5;
	p2 =	por !p2, p0  }
0x20: {  	[sflag:s8] =	ssyncset.s32 @!p0 $0xFFFFF086;
	s6 =	sadd.s32 @!p0 s3, s7;
	s7 =	simm.s32 @!p0 $0x108  }
0x21: {  	s3 =	sadd.s32 s3, s9;
	s6 =	sadd.s32 @!p0 $0x88, s6;
	s7 =	simm.s32 @p2 $0x1082  }
0x22: {  	[simem:s7], [sflag:s8] =	dma.local @!p0 [hbm:s6], $0xF7A  }
0x23: {  	s9 =	sor.u32 $0xD0000000, s2;
	s6 =	simm.s32 $0x108;
	_ =	swait.ge @!p0 [sflag:s8], $0x0  }
0x24: {  	s3 =	sadd.s32 $0x88, s3;
	s6 =	simm.s32 @!p1 $0x1082;
	[sflag:s4] =	ssyncset.s32 $0xFFFFF086  }
0x25: {  	[simem:s6], [sflag:s4] =	dma.local [hbm:s3], $0xF7A  }
0x26: {  	[smem:$0x3FA0] =	sst s1;
	(tag) =	ssettag s2;
	_ =	strace s9  }
0x27: {  	s1 =	sld [smem:$0x3FB0]  }
0x28: {  	s2 =	sld [smem:$0x3FB1]  }
0x29: {  	s4 =	sld [smem:$0x3FB3]  }
0x2a: {  	p0 =	seq.s32 s5, $0x0;
	s5 =	sld [smem:$0x3FB4]  }
0x2b: {  	s6 =	sld [smem:$0x3FB5]  }
0x2c: {  	s7 =	sld [smem:$0x3FB6]  }
0x2d: {  	s3 =	simm.s32 $0x108;
	s8 =	sld [smem:$0x3FB7]  }
0x2e: {  	s3 =	simm.s32 @!p0 $0x1082;
	s9 =	sld [smem:$0x3FB8]  }
0x2f: {  	lr =	sadd.s32 s0, s3;
	s0 =	sld [smem:$0x3FAF]  }
0x30: {  	s3 =	sld [smem:$0x3FB2]  }
0x31: {  	[smem:$0x3FBB] =	sst s10  }
0x32: {  	s10 =	sld [smem:$0x3FB9];
	_ =	sdelay $0x3  }
0x33: {  	p0 =	seq.s32 s10, $0x1;
	s10 =	sld [smem:$0x3FBB];
	_ =	sdelay $0x3  }
0x34: {  	[smem:$0x3FBB] =	sst s10  }
0x35: {  	s10 =	sld [smem:$0x3FBA];
	_ =	sdelay $0x3  }
0x36: {  	p1 =	seq.s32 s10, $0x1;
	s10 =	sld [smem:$0x3FBB];
	_ =	sdelay $0x3  }
0x37: {  	[smem:$0x3FBB] =	sst s10  }
0x38: {  	s10 =	sld [smem:$0x3FBC]  }
0x39: {  	_ = 	snop;
	(pc) =	sbr.ind lr, $3  }
0x3a: {  	_ = 	snop  }
0x3b: {  	_ = 	snop  }
0x3c: {  	p2 =	seq.s32 s10, $0x1;
	s10 =	sld [smem:$0x3FBB]  }
0x3d: {  	_ =	shalt  }
0x3e: {  	_ =	shalt  }
0x3f: {  	_ =	shalt  }
0x40: {  	_ =	shalt  }
0x41: {  	_ =	shalt  }
0x42: {  	_ =	shalt  }
0x43: {  	_ =	shalt  }
0x44: {  	_ =	shalt  }
0x45: {  	_ =	shalt  }
0x46: {  	_ =	shalt  }
0x47: {  	_ =	shalt  }
0x48: {  	_ =	shalt  }
0x49: {  	_ =	shalt  }
0x4a: {  	_ =	shalt  }
0x4b: {  	_ =	shalt  }
0x4c: {  	_ =	shalt  }
0x4d: {  	_ =	shalt  }
0x4e: {  	_ =	shalt  }
0x4f: {  	_ =	shalt  }
0x50: {  	_ =	shalt  }
0x51: {  	_ =	shalt  }
0x52: {  	_ =	shalt  }
0x53: {  	_ =	shalt  }
0x54: {  	_ =	shalt  }
0x55: {  	_ =	shalt  }
0x56: {  	_ =	shalt  }
0x57: {  	_ =	shalt  }
0x58: {  	_ =	shalt  }
0x59: {  	_ =	shalt  }
0x5a: {  	_ =	shalt  }
0x5b: {  	_ =	shalt  }
0x5c: {  	_ =	shalt  }
0x5d: {  	_ =	shalt  }
0x5e: {  	_ =	shalt  }
0x5f: {  	_ =	shalt  }
0x60: {  	_ =	shalt  }
0x61: {  	_ =	shalt  }
0x62: {  	_ =	shalt  }
0x63: {  	_ =	shalt  }
0x64: {  	_ =	shalt  }
0x65: {  	_ =	shalt  }
0x66: {  	_ =	shalt  }
0x67: {  	_ =	shalt  }
0x68: {  	_ =	shalt  }
0x69: {  	_ =	shalt  }
0x6a: {  	_ =	shalt  }
0x6b: {  	_ =	shalt  }
0x6c: {  	_ =	shalt  }
0x6d: {  	_ =	shalt  }
0x6e: {  	_ =	shalt  }
0x6f: {  	_ =	shalt  }
0x70: {  	_ =	shalt  }
0x71: {  	_ =	shalt  }
0x72: {  	_ =	shalt  }
0x73: {  	_ =	shalt  }
0x74: {  	_ =	shalt  }
0x75: {  	_ =	shalt  }
0x76: {  	_ =	shalt  }
0x77: {  	_ =	shalt  }
0x78: {  	_ =	shalt  }
0x79: {  	_ =	shalt  }
0x7a: {  	_ =	shalt  }
0x7b: {  	_ =	shalt  }
0x7c: {  	_ =	shalt  }
0x7d: {  	_ =	shalt  }
0x7e: {  	_ =	shalt  }
0x7f: {  	_ =	shalt  }
0x80: {  	_ =	shalt  }
0x81: {  	_ =	shalt  }
0x82: {  	_ =	shalt  }
0x83: {  	_ =	shalt  }
0x84: {  	_ =	shalt  }
0x85: {  	_ =	shalt  }
0x86: {  	_ =	shalt  }
0x87: {  	_ =	shalt  }
.Lfunc_end0:
.L_simem_size_0:
called_computation_lowered:
.L_overlay_start_0:
0x88: {  	s2 =	sld [smem:$0x3FD9]  }
0x89: {  	s3 =	sld [smem:$0x3FFE];
	_ =	sdelay $0x1  }
0x8a: {  	s1 =	srdreg.scid  }
0x8b: {  	s0 =	sand.u32 $0x1, s1  }
0x8c: {  	s18 =	sshll.u32 s0, $0xA;
	s2 =	sadd.s32 s3, s2  }
0x8d: {  	s2 =	sadd.s32 s2, s18  }
0x8e: {  	[smem:$0x3FC7] =	sst s2  }
0x8f: {  	_ = 	snop  }
0x90: {  	s2 =	sld [smem:$0x3FC9]  }
0x91: {  	s19 =	sld [smem:$0x3FD0];
	(tm) =	ssettm $0x1  }
0x92: {  	s4 =	sld [smem:$0x3FFB];
	_ =	sdelay $0x3  }
0x93: {  	_ =	strace s4  }
0x94: {  	s4 =	sld [smem:$0x3FFC];
	_ =	sdelay $0x3  }
0x95: {  	_ =	strace s4  }
0x96: {  	s4 =	sld [smem:$0x3FFD];
	_ =	sdelay $0x3  }
0x97: {  	_ =	strace s4  }
0x98: {  	_ =	strace $0x8FFFFFFF  }
0x99: {  	s20 =	sld [smem:$0x3FDB];
	_ =	sdelay $0x1  }
0x9a: {  	s5 =	simm.s32 $_scs_section_size  }
0x9b: {  	s6 =	simm.s32 $_size__tile_overlayer_lowered;
	s7 =	simm.s32 $_tile_overlayer_lowered  }
0x9c: {  	s23 =	simm.s32 $0x1BFF;
	s22 =	sshll.u32 s7, $0x1;
	s4 =	sadd.s32 s5, s20  }
0x9d: {  	s8 =	simm.s32 $0x0;
	s21 =	sshll.u32 s6, $0x1;
	s6 =	sadd.s32 s22, s4  }
0x9e: {  	[timem:s8], [sflag:s23] =	dma.local [hbm:s6], s21  }
0x9f: {  	_ =	swait.ge [sflag:s23], s21  }
0xa0: {  	s5 =	ssub.s32 $0x0, s21;
	[sflag:s23] =	ssyncset.done $0x0  }
0xa1: {  	[sflag:s23] =	ssyncadd.s32 s5;
	_ =	sdelay $0x1  }
0xa2: {  	s24 =	simm.s32 $0x1B8B  }
0xa3: {  	_ =	swait.ge [sflag:s24], $0x1  }
0xa4: {  	[sflag:s24] =	ssyncset.done $0x0  }
0xa5: {  	s25 =	simm.s32 $0x1B8E;
	[sflag:s24] =	ssyncadd.s32 $0xFFFFFFFF  }
0xa6: {  	s26 =	simm.s32 $execute0_lowered;
	[smem:$0x3FD2] =	sst s25  }
0xa7: {  	s5 =	sshll.u32 s26, $0x1;
	_ =	strace $0x80000046;
	[dreg:$0x1] =	wrdreg $0xFFFFFFFF  }
0xa8: {  	s28 =	simm.s32 $_size_execute0_lowered;
	s4 =	sadd.s32 s4, s5;
	[dreg:$0x0] =	wrdreg $0x0  }
0xa9: {  	s5 =	sshll.u32 s28, $0x1;
	[dreg:$0x2] =	wrdreg s4  }
0xaa: {  	[dreg:$0x3] =	wrdreg s5  }
0xab: {  	[dreg:$0x4] =	wrdreg $0xC0  }
0xac: {  	_ =	task [dreg:s8], $0x5FFFF  }
0xad: {  	[dreg:$0x1] =	wrdreg $0xFFFFFFFF  }
0xae: {  	[dreg:$0x0] =	wrdreg $0x60  }
0xaf: {  	[dreg:$0x2] =	wrdreg s2  }
0xb0: {  	[dreg:$0x3] =	wrdreg s19  }
0xb1: {  	[dreg:$0x4] =	wrdreg $0x9  }
0xb2: {  	_ =	task.clear_ibuf [dreg:s8], $0x5FFFF;
	_ =	strace $0x90000046  }
0xb3: {  	s29 =	simm.s32 $0x9;
	_ =	strace $0x80000048  }
0xb4: {  	_ =	swait.ge [sflag:s29], $0x1  }
0xb5: {  	[sflag:s29] =	ssyncadd.s32 $0xFFFFFFFF  }
0xb6: {  	_ =	strace $0x90000048  }
0xb7: {  	_ =	sfence  }
0xb8: {  	s30 =	sld [smem:$0x0];
	_ =	sdelay $0x2  }
0xb9: {  	s31 =	sshll.u32 s1, $0xD;
	s1 =	sshrl.u32 s1, $0x2  }
0xba: {  	s3 =	sand.u32 $0x4000, s31;
	s1 =	sadd.s32 s1, s30  }
0xbb: {  	s0 =	sor.u32 s3, s0;
	s1 =	sshll.u32 s1, $0x11  }
0xbc: {  	s0 =	sor.u32 s1, s0  }
0xbd: {  	s0 =	sadd.s32 $0x8F2B, s0  }
0xbe: {  	[sflag:s0] =	ssyncadd.remote.s32 $0x1  }
0xbf: {  	_ =	sfence.sel $0xFFFF  }
0xc0: {  	[dreg:$0x0] =	wrdreg $0xFFFFFFFF;
	(pc) =	sbr.abs _section_cstart, $3  }
0xc1: {  	[dreg:$0x1] =	wrdreg $0xFFFFFFFF  }
0xc2: {  	_ =	task.clear_ibuf [dreg:s8], $0x2FFFF;
	_ =	strace $0x9FFFFFFF  }
0xc3: {  	(tm) =	ssettm $0x7FFFFFFF  }
tec
execute0_lowered:
.L_overlay_start_1:
0x0: {  	(tag) =	ssettag $0x1  }
0x1: {  	s6 =	rddreg [dreg:$0x0];
	s0 =	srdreg.scid  }
0x2: {  	s1 =	stileid.u32;
	s3 =	rddreg [dreg:$0x1]  }
0x3: {  	s4 =	simm.s32 $0x0;
	s11 =	simm.s32 $0x8000;
	s13 =	simm.s32 $0x10000  }
0x4: {  	s14 =	simm.s32 $0x14000;
	s0 =	sand.u32 $0x1, s0;
	s1 =	sshll.u32 s1, $0x1  }
0x5: {  	v0 =	vlaneseq.u32;
	s15 =	simm.s32 $0x2;
	s16 =	simm.s32 $0x3;
	s1 =	sor.u32 s0, s1  }
0x6: {  	v2 =	vimm.f32 $3.000000010e+38;
	vm0 =	vmmov $0xff;
	v17 =	vimm.f32 $0.0e+00;
	[smem:$0x7FF] =	sst s4;
	s0 =	ssub.s32 $0x2, s0;
	s2 =	sshll.u32 s1, $0x10  }
0x7: {  	vm1 =	vcmask $0x2320;
	v18 =	vimm.f32 $1.111111120e-01;
	v1 =	vmul.u32 $0x81, v0;
	_ =	strace $0x80000047;
	s28 =	sshll.u32 s1, $0x4;
	s6 =	sadd.s32 s6, s2  }
.Ltmp0:
0x8: {  	v16 =	vmul.u32 $0xFFFFFFFF, v0;
	v11 =	vor.u32 $0x20, v0;
	v13 =	vor.u32 $0x40, v0;
	s30 =	sor.u32 $0x2, s28;
	[dreg:$0x3] =	wrdreg s6;
	(pc) =	sbr.rel .LBB2_1-.Ltmp0, $4  }
0x9: {  	v15 =	vor.u32 $0x60, v0;
	v4 =	vadd.s32 $0x810, v1;
	s5 =	sshrl.u32 s0, $0x1;
	v3 =	vadd.s32 $0x1830, v1;
	s31 =	sor.u32 $0x3, s28;
	[dreg:$0x5] =	wrdreg s30  }
0xa: {  	v5 =	vadd.s32 $0x1020, v1;
	v8 =	vadd.s32 $0x3060, v1;
	[tilespmem:$0x1FFD0] =	vst v3;
	s0 =	ssub.s32 s0, s5;
	v3 =	vadd.s32 $0x2040, v1;
	s29 =	sadd.s32 $0x1000, s6;
	[dreg:$0x6] =	wrdreg s31  }
0xb: {  	s17 =	simm.s32 $0x4;
	v9 =	vadd.s32 $0x3870, v1;
	v10 =	vadd.s32 $0xFFFFFFEF, v16;
	[tilespmem:$0x1FFE0] =	vst v3;
	v3 =	vadd.s32 $0x2850, v1;
	s0 =	smax.u32 s0, $0x1;
	[dreg:$0x4] =	wrdreg s29  }
0xc: {  	s7 =	sshll.u32 s1, $0x5;
	v12 =	vadd.s32 $0xFFFFFFCF, v16;
	v14 =	vadd.s32 $0xFFFFFFAF, v16;
	v16 =	vadd.s32 $0xFFFFFF8F, v16;
	s1 =	simm.s32 $0x0;
	[tilespmem:$0x1FFF0] =	vst v3;
	[dreg:$0x7] =	wrdreg s0  }
.LBB2_12:
0xd: {  	_ =	swait.ge [sflag:s16], $0x4000  }
0xe: {  	[sflag:s16] =	ssyncset.done $0x0  }
0xf: {  	[sflag:s16] =	ssyncadd.s32 $0xFFFFC000  }
0x10: {  	_ =	swait.ge [sflag:s17], $0x4000  }
0x11: {  	s1 =	rddreg [dreg:$0x8]  }
0x12: {  	s0 =	rddreg [dreg:$0x7];
	s1 =	sadd.s32 $0x1, s1  }
0x13: {  	p0 =	sne.s32 s1, s0  }
.Ltmp1:
0x14: {  	_ = 	snop;
	(pc) =	sbr.rel @!p0 .LBB2_13-.Ltmp1, $3  }
0x15: {  	_ =	sdelay $0x1  }
0x16: {  	[sflag:s17] =	ssyncset.done $0x0  }
0x17: {  	v4 =	vmov v6;
	v5 =	vmov v7;
	[sflag:s17] =	ssyncadd.s32 $0xFFFFC000  }
.LBB2_1:
0x18: {  	[dreg:$0x8] =	wrdreg s1  }
0x19: {  	s0 =	rddreg [dreg:$0x3]  }
0x1a: {  	[tilespmem:s4], [sflag:$0x1] =	stream.linear.gather [hbm4b:s0+s4], $0x8000, $0x38;
	[tilespmem:$0x18000] =	vst v63  }
0x1b: {  	s31 =	rddreg [dreg:$0x4];
	s19 =	simm.s32 $0x0  }
0x1c: {  	[tilespmem:s11], [sflag:$0x2] =	stream.linear.gather [hbm4b:s31+s4], $0x8000, $0x38;
	[tilespmem:$0x18000] =	vst v63  }
.LBB2_2:
0x1d: {  	s0 =	simm.s32 $0x1  }
0x1e: {  	_ =	swait.ge [sflag:s0], $0x8000  }
0x1f: {  	p0 =	seq.s32 s19, $0x0;
	[sflag:s0] =	ssyncset.done $0x0  }
0x20: {  	[sflag:s0] =	ssyncadd.s32 $0xFFFF8000;
	s0 =	simm.s32 @!p0 $0x3  }
0x21: {  	_ =	swait.ge @!p0 [sflag:s0], $0x4000  }
0x22: {  	v3 =	vld [tilespmem:$0x1FFD0];
	_ =	sdelay $0x2  }
0x23: {  	[sflag:s0] =	ssyncset.done @!p0 $0x0  }
0x24: {  	s25 =	simm.s32 $0x0;
	[sflag:s0] =	ssyncadd.s32 @!p0 $0xFFFFC000  }
0x25: {  	[tilespmem:v1+s25+$0x0] =	vst.idx.msk $0xffff, v2  }
0x26: {  	[tilespmem:v4+s25+$0x0] =	vst.idx.msk $0xffff, v2  }
0x27: {  	[tilespmem:v5+s25+$0x0] =	vst.idx.msk $0xffff, v2  }
0x28: {  	[tilespmem:v3+s25+$0x0] =	vst.idx.msk $0xffff, v2;
	v3 =	vld [tilespmem:$0x1FFE0];
	_ =	sdelay $0x7  }
0x29: {  	[tilespmem:v3+s25+$0x0] =	vst.idx.msk $0xffff, v2;
	v3 =	vld [tilespmem:$0x1FFF0];
	_ =	sdelay $0x7  }
0x2a: {  	[tilespmem:v3+s25+$0x0] =	vst.idx.msk $0xffff, v2  }
0x2b: {  	[tilespmem:v8+s25+$0x0] =	vst.idx.msk $0xffff, v2  }
0x2c: {  	s12 =	simm.s32 $0x80;
	[tilespmem:v9+s25+$0x0] =	vst.idx.msk $0xffff, v2  }
0x2d: {  	v19 =	vld [tilespmem:s12+$0xFFFFFF80]  }
0x2e: {  	v20 =	vld [tilespmem:s12+$0x50]  }
0x2f: {  	v21 =	vld [tilespmem:s12+$0xFFFFFFB0]  }
0x30: {  	v22 =	vld [tilespmem:s12+$0xFFFFFFD0]  }
0x31: {  	v23 =	vld [tilespmem:s12+$0xFFFFFF90]  }
0x32: {  	v24 =	vld [tilespmem:s12+$0x30];
	v19 =	vand.u32 $0xFFFFFF80, v19  }
0x33: {  	v25 =	vld [tilespmem:s12+$0xFFFFFFE0];
	v20 =	vand.u32 $0xFFFFFF80, v20;
	v19 =	vor.u32 v0, v19  }
0x34: {  	v26 =	vld [tilespmem:s12+$0xFFFFFFF0];
	v21 =	vand.u32 $0xFFFFFF80, v21;
	v20 =	vxor.u32 v14, v20;
	(xrf1) =	vsort.ascd.msk.u32 $0xffff, v19, v19  }
0x35: {  	v19 =	vxor.u32 v12, v21;
	v21 =	vand.u32 $0xFFFFFF80, v22;
	(xrf1) =	vsort.ascd.msk.u32 $0xffff, v20, v20;
	v20 =	vld [tilespmem:s12+$0x40]  }
0x36: {  	v23 =	vand.u32 $0xFFFFFF80, v23;
	v22 =	vld [tilespmem:s12+$0x0];
	v21 =	vxor.u32 v14, v21;
	(xrf1) =	vsort.ascd.msk.u32 $0xffff, v19, v19  }
0x37: {  	v24 =	vand.u32 $0xFFFFFF80, v24;
	v23 =	vxor.u32 v10, v23;
	v19 =	vld [tilespmem:s12+$0x10];
	(xrf1) =	vsort.ascd.msk.u32 $0xffff, v21, v21  }
0x38: {  	v25 =	vand.u32 $0xFFFFFF80, v25;
	v24 =	vxor.u32 v12, v24;
	v21 =	vld [tilespmem:s12+$0x60];
	(xrf1) =	vsort.ascd.msk.u32 $0xffff, v23, v23  }
0x39: {  	v26 =	vand.u32 $0xFFFFFF80, v26;
	v25 =	vor.u32 v15, v25;
	v23 =	vld [tilespmem:s12+$0xFFFFFFC0];
	(xrf1) =	vsort.ascd.msk.u32 $0xffff, v24, v24  }
0x3a: {  	v26 =	vxor.u32 v16, v26;
	v20 =	vand.u32 $0xFFFFFF80, v20;
	(xrf1) =	vsort.ascd.msk.u32 $0xffff, v25, v25;
	v25 =	vld [tilespmem:s12+$0x70]  }
0x3b: {  	v24 =	vld [tilespmem:s12+$0xFFFFFFA0];
	v22 =	vand.u32 $0xFFFFFF80, v22;
	v20 =	vor.u32 v13, v20;
	(xrf1) =	vsort.ascd.msk.u32 $0xffff, v26, v26  }
0x3c: {  	v22 =	vor.u32 v0, v22;
	v19 =	vand.u32 $0xFFFFFF80, v19;
	(xrf1) =	vsort.ascd.msk.u32 $0xffff, v20, v20  }
0x3d: {  	v19 =	vxor.u32 v10, v19;
	v20 =	vand.u32 $0xFFFFFF80, v21;
	(xrf1) =	vsort.ascd.msk.u32 $0xffff, v22, v22  }
0x3e: {  	v20 =	vor.u32 v15, v20;
	v21 =	vand.u32 $0xFFFFFF80, v23;
	(xrf1) =	vsort.ascd.msk.u32 $0xffff, v19, v19  }
0x3f: {  	s1 =	simm.s32 $0x180;
	v21 =	vor.u32 v13, v21;
	(xrf1) =	vsort.ascd.msk.u32 $0xffff, v20, v20;
	v20 =	vand.u32 $0xFFFFFF80, v25  }
0x40: {  	s18 =	simm.s32 $0x10080;
	v23 =	vld [tilespmem:s1+$0xFFFFFF80];
	v22 =	vand.u32 $0xFFFFFF80, v24;
	v20 =	vxor.u32 v16, v20  }
0x41: {  	[tilespmem:s18+$0xFFFFFF80] =	vst v17;
	v19 =	vld [tilespmem:s12+$0x20];
	v22 =	vor.u32 v11, v22;
	(xrf1) =	vsort.ascd.msk.u32 $0xffff, v21, v21  }
0x42: {  	[tilespmem:s18+$0xFFFFFF90] =	vst v17;
	(xrf1) =	vsort.ascd.msk.u32 $0xffff, v22, v22;
	v22 =	vld [tilespmem:s1+$0x50];
	v21, _, _ =	vpop (xrf1)  }
0x43: {  	[tilespmem:s18+$0xFFFFFFC0] =	vst v17;
	v24 =	vld [tilespmem:s1+$0xFFFFFFB0];
	(xrf1) =	vsort.ascd.msk.u32 $0xffff, v20, v20;
	v20, _, _ =	vpop (xrf1)  }
0x44: {  	v31 =	vld [tilespmem:s1+$0x30];
	[tilespmem:s18+$0xFFFFFFB0] =	vst v17;
	v25, _, _ =	vpop (xrf1)  }
0x45: {  	[tilespmem:s18+$0xFFFFFFF0] =	vst v17;
	v26 =	vld [tilespmem:s1+$0xFFFFFFD0];
	v29 =	vand.u32 $0xFFFFFF80, v23;
	v27, _, _ =	vpop (xrf1)  }
0x46: {  	v28 =	vld [tilespmem:s1+$0xFFFFFF90];
	[tilespmem:s18+$0xFFFFFFD0] =	vst v17;
	v19 =	vand.u32 $0xFFFFFF80, v19;
	v29 =	vor.u32 v0, v29;
	v30, _, _ =	vpop (xrf1)  }
0x47: {  	[tilespmem:s18+$0xFFFFFFE0] =	vst v17;
	v19 =	vor.u32 v11, v19;
	(xrf1) =	vsort.ascd.msk.u32 $0xffff, v29, v29;
	v22 =	vand.u32 $0xFFFFFF80, v22;
	v32, _, _ =	vpop (xrf1)  }
0x48: {  	[tilespmem:s18+$0xFFFFFFA0] =	vst v17;
	v24 =	vand.u32 $0xFFFFFF80, v24;
	v29 =	vld [tilespmem:s1+$0xFFFFFFE0];
	(xrf1) =	vsort.ascd.msk.u32 $0xffff, v19, v19;
	v22 =	vxor.u32 v14, v22;
	v34, _, _ =	vpop (xrf1)  }
0x49: {  	v33 =	vld [tilespmem:s1+$0xFFFFFFF0];
	[tilespmem:s18+$0x40] =	vst v17;
	v24 =	vxor.u32 v12, v24;
	v36, _, _ =	vpop (xrf1);
	(xrf1) =	vsort.ascd.msk.u32 $0xffff, v22, v22  }
0x4a: {  	v38 =	vld [tilespmem:s1+$0x40];
	[tilespmem:s18+$0x20] =	vst v17;
	v22 =	vand.u32 $0xFFFFFF80, v26;
	(xrf1) =	vsort.ascd.msk.u32 $0xffff, v24, v24;
	v24 =	vand.u32 $0xFFFFFF80, v31  }
0x4b: {  	v28 =	vand.u32 $0xFFFFFF80, v28;
	[tilespmem:s18+$0x30] =	vst v17;
	v37, _, _ =	vpop (xrf1);
	v22 =	vxor.u32 v14, v22  }
0x4c: {  	v28 =	vxor.u32 v10, v28;
	[tilespmem:s18+$0x10] =	vst v17;
	v31, _, _ =	vpop (xrf1);
	(xrf1) =	vsort.ascd.msk.u32 $0xffff, v22, v22  }
0x4d: {  	v30 =	vxor.u32 $0xFFFFFFFF, v30;
	v26 =	vld [tilespmem:s1+$0x0];
	v29 =	vand.u32 $0xFFFFFF80, v29;
	v22 =	vxor.u32 v12, v24;
	(xrf1) =	vsort.ascd.msk.u32 $0xffff, v28, v28;
	v24, _, _ =	vpop (xrf1)  }
0x4e: {  	v33 =	vand.u32 $0xFFFFFF80, v33;
	[tilespmem:s18+$0x50] =	vst v17;
	v29 =	vor.u32 v15, v29;
	v28 =	vld [tilespmem:s1+$0xFFFFFFA0];
	(xrf1) =	vsort.ascd.msk.u32 $0xffff, v22, v22;
	v39, _, _ =	vpop (xrf1)  }
0x4f: {  	v35 =	vld [tilespmem:s1+$0x10];
	v38 =	vand.u32 $0xFFFFFF80, v38;
	v33 =	vxor.u32 v16, v33;
	[tilespmem:s18+$0x60] =	vst v17;
	(xrf1) =	vsort.ascd.msk.u32 $0xffff, v29, v29;
	v40, _, _ =	vpop (xrf1)  }
0x50: {  	[tilespmem:s18+$0x70] =	vst v17;
	v20 =	vxor.u32 $0xFFFFFFFF, v20;
	v21 =	vsel vm0, v21, v30;
	v29 =	vld [tilespmem:s1+$0x60];
	(xrf1) =	vsort.ascd.msk.u32 $0xffff, v33, v33;
	v30, _, _ =	vpop (xrf1)  }
0x51: {  	s21 =	simm.s32 $0x10180;
	[tilespmem:s18+$0x0] =	vst v17;
	v20 =	vsel vm0, v37, v20;
	v51 =	vxor.u32 $0xFFFFFFFF, v39;
	(xrf1) =	vsort.ascd.msk.u32 $0xffff, v21, v21;
	v21 =	vld [tilespmem:s1+$0xFFFFFFC0];
	v50, _, _ =	vpop (xrf1)  }
0x52: {  	v52 =	vor.u32 v13, v38;
	[tilespmem:s21+$0xFFFFFF80] =	vst v17;
	(xrf1) =	vsort.ascd.msk.u32 $0xffff, v20, v20;
	v33 =	vsel vm0, v51, v50  }
0x53: {  	v26 =	vand.u32 $0xFFFFFF80, v26;
	[tilespmem:s21+$0xFFFFFF90] =	vst v17;
	v20 =	vand.u32 $0xFFFFFF80, v28;
	v28 =	vld [tilespmem:s1+$0x70];
	(xrf1) =	vsort.ascd.msk.u32 $0xffff, v33, v33  }
0x54: {  	s24 =	simm.s32 $0x280;
	v22 =	vand.u32 $0xFFFFFF80, v35;
	v26 =	vor.u32 v0, v26;
	[tilespmem:s21+$0xFFFFFFC0] =	vst v17;
	(xrf1) =	vsort.ascd.msk.u32 $0xffff, v52, v52  }
0x55: {  	v54 =	vld [tilespmem:s24+$0xFFFFFF80];
	v22 =	vxor.u32 v10, v22;
	[tilespmem:s21+$0xFFFFFFB0] =	vst v17;
	v29 =	vand.u32 $0xFFFFFF80, v29;
	(xrf1) =	vsort.ascd.msk.u32 $0xffff, v26, v26  }
0x56: {  	v49 =	vld [tilespmem:s1+$0x20];
	v26 =	vor.u32 v15, v29;
	v29 =	vxor.u32 $0xFFFFFFFF, v30;
	v30, _, _ =	vpop (xrf1);
	v21 =	vand.u32 $0xFFFFFF80, v21;
	(xrf1) =	vsort.ascd.msk.u32 $0xffff, v22, v22  }
0x57: {  	v24 =	vxor.u32 $0xFFFFFFFF, v24;
	[tilespmem:s21+$0xFFFFFFF0] =	vst v17;
	v55, _, _ =	vpop (xrf1);
	v25 =	vsel vm0, v29, v25;
	(xrf1) =	vsort.ascd.msk.u32 $0xffff, v26, v26  }
0x58: {  	v56 =	vld [tilespmem:s24+$0x50];
	[tilespmem:s21+$0xFFFFFFD0] =	vst v17;
	v29 =	vor.u32 v13, v21;
	v26 =	vand.u32 $0xFFFFFF80, v28;
	v28, _, _ =	vpop (xrf1);
	(xrf1) =	vsort.ascd.msk.u32 $0xffff, v25, v25  }
0x59: {  	v24 =	vsel vm0, v31, v24;
	[tilespmem:s21+$0xFFFFFFE0] =	vst v17;
	v21, _, _ =	vpop (xrf1);
	(xrf1) =	vsort.ascd.msk.u32 $0xffff, v29, v29  }
0x5a: {  	v35 =	vand.u32 $0xFFFFFF80, v54;
	[tilespmem:s21+$0xFFFFFFA0] =	vst v17;
	v20 =	vor.u32 v11, v20;
	v31, _, _ =	vpop (xrf1);
	(xrf1) =	vsort.ascd.msk.u32 $0xffff, v24, v24  }
0x5b: {  	v53 =	vand.u32 $0xFFFFFF80, v49;
	[tilespmem:s21+$0x40] =	vst v17;
	v25 =	vxor.u32 v16, v26;
	v29 =	vld [tilespmem:s24+$0xFFFFFFB0];
	v58, _, _ =	vpop (xrf1);
	(xrf1) =	vsort.ascd.msk.u32 $0xffff, v20, v20  }
0x5c: {  	v42 =	vld [tilespmem:s24+$0xFFFFFFE0];
	v27 =	vxor.u32 $0xFFFFFFFF, v27;
	[tilespmem:s21+$0x20] =	vst v17;
	v39, _, _ =	vpop (xrf1);
	v20 =	vor.u32 v0, v35;
	(xrf1) =	vsort.ascd.msk.u32 $0xffff, v25, v25  }
0x5d: {  	v49 =	vld [tilespmem:s24+$0xFFFFFFD0];
	v22 =	vor.u32 v11, v53;
	v25 =	vsel vm0, v40, v27;
	v27 =	vand.u32 $0xFFFFFF80, v56;
	v35, _, _ =	vpop (xrf1);
	(xrf1) =	vsort.ascd.msk.u32 $0xffff, v20, v20  }
0x5e: {  	v48 =	vld [tilespmem:s24+$0xFFFFFF90];
	[tilespmem:s21+$0x30] =	vst v17;
	v27 =	vxor.u32 v14, v27;
	v51, _, _ =	vpop (xrf1);
	(xrf1) =	vsort.ascd.msk.u32 $0xffff, v22, v22  }
0x5f: {  	v59 =	vld [tilespmem:s24+$0x30];
	[tilespmem:s21+$0x10] =	vst v17;
	v20 =	vxor.u32 $0xFFFFFFFF, v34;
	v41, _, _ =	vpop (xrf1);
	(xrf1) =	vsort.ascd.msk.u32 $0xffff, v27, v27  }
0x60: {  	v24 =	vxor.u32 $0xFFFFFFFF, v55;
	v22 =	vsel vm0, v20, v36;
	v27 =	vand.u32 $0xFFFFFF80, v29;
	v29, _, _ =	vpop (xrf1);
	(xrf1) =	vsort.ascd.msk.u32 $0xffff, v25, v25  }
0x61: {  	v42 =	vand.u32 $0xFFFFFF80, v42;
	[tilespmem:s21+$0x50] =	vst v17;
	v50 =	vld [tilespmem:s24+$0xFFFFFFF0];
	v24 =	vsel vm0, v24, v32;
	v43, _, _ =	vpop (xrf1);
	(xrf1) =	vsort.ascd.msk.u32 $0xffff, v22, v22  }
0x62: {  	v37 =	vand.u32 $0xFFFFFF80, v49;
	[tilespmem:s21+$0x60] =	vst v17;
	v27 =	vxor.u32 v12, v27;
	v60, _, _ =	vpop (xrf1);
	(xrf1) =	vsort.ascd.msk.u32 $0xffff, v24, v24  }
0x63: {  	v37 =	vxor.u32 v14, v37;
	[tilespmem:s21+$0x70] =	vst v17;
	v52 =	vld [tilespmem:s24+$0xFFFFFFC0];
	v32 =	vand.u32 $0xFFFFFF80, v48;
	v44, _, _ =	vpop (xrf1);
	(xrf1) =	vsort.ascd.msk.u32 $0xffff, v27, v27  }
0x64: {  	s26 =	simm.s32 $0x10280;
	[tilespmem:s21+$0x0] =	vst v17;
	v32 =	vxor.u32 v10, v32;
	v25 =	vld [tilespmem:s24+$0xFFFFFFA0];
	v27 =	vand.u32 $0xFFFFFF80, v59;
	v61, _, _ =	vpop (xrf1);
	(xrf1) =	vsort.ascd.msk.u32 $0xffff, v37, v37  }
0x65: {  	v42 =	vor.u32 v15, v42;
	[tilespmem:s26+$0xFFFFFF80] =	vst v17;
	v24 =	vld [tilespmem:s24+$0x20];
	v27 =	vxor.u32 v12, v27;
	v62, _, _ =	vpop (xrf1);
	(xrf1) =	vsort.ascd.msk.u32 $0xffff, v32, v32  }
0x66: {  	v63 =	vand.u32 $0xFFFFFF80, v50;
	v48 =	vld [tilespmem:s24+$0x40];
	v29 =	vxor.u32 $0xFFFFFFFF, v29;
	[tilespmem:s26+$0xFFFFFF90] =	vst v17;
	v45, _, _ =	vpop (xrf1);
	(xrf1) =	vsort.ascd.msk.u32 $0xffff, v27, v27  }
0x67: {  	v26 =	vld [tilespmem:s24+$0x0];
	[tilespmem:s26+$0xFFFFFFC0] =	vst v17;
	v29 =	vsel vm0, v29, v43;
	v32 =	vxor.u32 v16, v63;
	v46, _, _ =	vpop (xrf1);
	(xrf1) =	vsort.ascd.msk.u32 $0xffff, v42, v42  }
0x68: {  	v57 =	vld [tilespmem:s24+$0x10];
	v38 =	vxor.u32 $0xFFFFFFFF, v58;
	[tilespmem:s26+$0xFFFFFFB0] =	vst v17;
	v50, _, _ =	vpop (xrf1);
	(xrf1) =	vsort.ascd.msk.u32 $0xffff, v32, v32  }
0x69: {  	v28 =	vxor.u32 $0xFFFFFFFF, v28;
	v30 =	vsel vm0, v30, v38;
	[tilespmem:s26+$0xFFFFFFF0] =	vst v17;
	v53, _, _ =	vpop (xrf1);
	(xrf1) =	vsort.ascd.msk.u32 $0xffff, v29, v29  }
0x6a: {  	v28 =	vsel vm0, v60, v28;
	v27 =	vld [tilespmem:s24+$0x60];
	v54 =	vxor.u32 $0xFFFFFFFF, v62;
	v24 =	vand.u32 $0xFFFFFF80, v24;
	v29, _, _ =	vpop (xrf1);
	(xrf1) =	vsort.ascd.msk.u32 $0xffff, v30, v30  }
0x6b: {  	v30 =	vor.u32 v11, v24;
	v24 =	vand.u32 $0xFFFFFF80, v48;
	v29 =	vsel vm0, v54, v29;
	(xrf1) =	vsort.ascd.msk.u32 $0xffff, v28, v28  }
0x6c: {  	[tilespmem:s26+$0xFFFFFFD0] =	vst v17;
	v22 =	vand.u32 $0xFFFFFF80, v26;
	v34, _, _ =	vpop (xrf1);
	v24 =	vor.u32 v13, v24;
	(xrf1) =	vsort.ascd.msk.u32 $0xffff, v29, v29  }
0x6d: {  	v33 =	vand.u32 $0xFFFFFF80, v57;
	[tilespmem:s26+$0xFFFFFFE0] =	vst v17;
	v22 =	vor.u32 v0, v22;
	v28, _, _ =	vpop (xrf1);
	(xrf1) =	vsort.ascd.msk.u32 $0xffff, v24, v24  }
0x6e: {  	s29 =	simm.s32 $0x380;
	v49 =	vld [tilespmem:s24+$0x70];
	[tilespmem:s26+$0xFFFFFFA0] =	vst v17;
	v26 =	vxor.u32 v10, v33;
	v55, _, _ =	vpop (xrf1);
	(xrf1) =	vsort.ascd.msk.u32 $0xffff, v22, v22;
	v22 =	vxor.u32 $0xFFFFFFFF, v53  }
0x6f: {  	v58 =	vld [tilespmem:s29+$0xFFFFFF80];
	[tilespmem:s26+$0x40] =	vst v17;
	v27 =	vand.u32 $0xFFFFFF80, v27;
	v56, _, _ =	vpop (xrf1);
	v21 =	vsel vm0, v22, v21;
	v22 =	vxor.u32 $0xFFFFFFFF, v28  }
0x70: {  	v47 =	vld [tilespmem:s29+$0xFFFFFFA0];
	v25 =	vand.u32 $0xFFFFFF80, v25;
	[tilespmem:s26+$0x20] =	vst v17;
	v27 =	vor.u32 v15, v27;
	v57, _, _ =	vpop (xrf1);
	(xrf1) =	vsort.ascd.msk.u32 $0xffff, v26, v26  }
0x71: {  	v60 =	vld [tilespmem:s29+$0x0];
	v36 =	vxor.u32 $0xFFFFFFFF, v61;
	[tilespmem:s26+$0x30] =	vst v17;
	v24 =	vand.u32 $0xFFFFFF80, v52;
	v28, _, _ =	vpop (xrf1);
	(xrf1) =	vsort.ascd.msk.u32 $0xffff, v27, v27  }
0x72: {  	v24 =	vor.u32 v13, v24;
	v26 =	vxor.u32 $0xFFFFFFFF, v31;
	v31 =	vld [tilespmem:s29+$0x50];
	v27 =	vsel vm0, v22, v39;
	(xrf1) =	vsort.ascd.msk.u32 $0xffff, v21, v21;
	v22, _, _ =	vpop (xrf1)  }
0x73: {  	v61 =	vld [tilespmem:s29+$0xFFFFFFB0];
	v25 =	vor.u32 v11, v25;
	v59 =	vsel vm0, v44, v36;
	(xrf1) =	vsort.ascd.msk.u32 $0xffff, v24, v24;
	v24 =	vxor.u32 $0xFFFFFFFF, v45;
	v39, _, _ =	vpop (xrf1)  }
0x74: {  	v29 =	vand.u32 $0xFFFFFF80, v49;
	v52 =	vld [tilespmem:s29+$0xFFFFFFD0];
	(xrf1) =	vsort.ascd.msk.u32 $0xffff, v59, v59;
	v63 =	vsel vm0, v41, v24;
	v24 =	vand.u32 $0xFFFFFF80, v58;
	v62, _, _ =	vpop (xrf1)  }
0x75: {  	v29 =	vxor.u32 v16, v29;
	v33 =	vxor.u32 $0xFFFFFFFF, v55;
	v55 =	vld [tilespmem:s29+$0x20];
	(xrf1) =	vsort.ascd.msk.u32 $0xffff, v25, v25;
	v24 =	vor.u32 v0, v24;
	v45, _, _ =	vpop (xrf1)  }
0x76: {  	[tilespmem:s26+$0x10] =	vst v17;
	v32 =	vxor.u32 $0xFFFFFFFF, v56;
	v56 =	vld [tilespmem:s29+$0xFFFFFFE0];
	v21 =	vxor.u32 $0xFFFFFFFF, v35;
	(xrf1) =	vsort.ascd.msk.u32 $0xffff, v29, v29;
	v38, _, _ =	vpop (xrf1)  }
0x77: {  	v26 =	vsel vm0, v46, v26;
	v40 =	vsel vm0, v21, v51;
	v51 =	vld [tilespmem:s29+$0x10];
	v29 =	vand.u32 $0xFFFFFF80, v31;
	(xrf1) =	vsort.ascd.msk.u32 $0xffff, v24, v24;
	v46, _, _ =	vpop (xrf1)  }
0x78: {  	[tilespmem:s26+$0x50] =	vst v17;
	v58 =	vld [tilespmem:s29+$0x60];
	v29 =	vxor.u32 v14, v29;
	(xrf1) =	vsort.ascd.msk.u32 $0xffff, v30, v30;
	v24, _, _ =	vpop (xrf1)  }
0x79: {  	s20 =	simm.s32 $0x1;
	[tilespmem:s26+$0x60] =	vst v17;
	v32 =	vsel vm0, v32, v57;
	v25 =	vld [tilespmem:s29+$0xFFFFFF90];
	(xrf1) =	vsort.ascd.msk.u32 $0xffff, v29, v29;
	v42, _, _ =	vpop (xrf1)  }
0x7a: {  	v23 =	vmov s20;
	[tilespmem:s26+$0x70] =	vst v17;
	v29 =	vld [tilespmem:s29+$0xFFFFFFF0];
	(xrf1) =	vsort.ascd.msk.u32 $0xffff, v32, v32;
	v53, _, _ =	vpop (xrf1)  }
0x7b: {  	[tilespmem:s26+$0x0] =	vst v17;
	v36 =	vand.u32 $0xFFFFFF80, v60;
	v28 =	vxor.u32 $0xFFFFFFFF, v28;
	v31 =	vld [tilespmem:s29+$0x30];
	(xrf1) =	vsort.ascd.msk.u32 $0xffff, v26, v26;
	v48, _, _ =	vpop (xrf1)  }
0x7c: {  	s30 =	simm.s32 $0x10380;
	v57 =	vand.u32 $0xFFFFFF80, v47;
	v28 =	vsel vm0, v50, v28;
	v37 =	vand.u32 $0xFFFFFF80, v52;
	v59 =	vld [tilespmem:s29+$0x70];
	(xrf1) =	vsort.ascd.msk.u32 $0xffff, v40, v40;
	v49, _, _ =	vpop (xrf1)  }
0x7d: {  	v37 =	vxor.u32 v14, v37;
	v30 =	vand.u32 $0xFFFFFF80, v61;
	v61 =	vld [tilespmem:s29+$0x40];
	[tilespmem:s30+$0x40] =	vst v17;
	(xrf1) =	vsort.ascd.msk.u32 $0xffff, v63, v63;
	v47, _, _ =	vpop (xrf1)  }
0x7e: {  	v54 =	vand.u32 $0xFFFFFF80, v51;
	[tilespmem:s30+$0x20] =	vst v17;
	v30 =	vxor.u32 v12, v30;
	(xrf1) =	vsort.ascd.msk.u32 $0xffff, v27, v27;
	v50, _, _ =	vpop (xrf1)  }
0x7f: {  	[tilespmem:s30+$0x30] =	vst v17;
	v25 =	vand.u32 $0xFFFFFF80, v25;
	v29 =	vand.u32 $0xFFFFFF80, v29;
	(xrf1) =	vsort.ascd.msk.u32 $0xffff, v30, v30;
	v60, _, _ =	vpop (xrf1)  }
0x80: {  	[tilespmem:s30+$0x10] =	vst v17;
	v31 =	vand.u32 $0xFFFFFF80, v31;
	v25 =	vxor.u32 v10, v25;
	(xrf1) =	vsort.ascd.msk.u32 $0xffff, v37, v37;
	v51, _, _ =	vpop (xrf1)  }
0x81: {  	v32 =	vand.u32 $0xFFFFFF80, v56;
	v31 =	vxor.u32 v12, v31;
	v30 =	vand.u32 $0xFFFFFF80, v55;
	v63, _, _ =	vpop (xrf1);
	(xrf1) =	vsort.ascd.msk.u32 $0xffff, v25, v25  }
0x82: {  	s22 =	simm.s32 $0x3;
	s23 =	simm.s32 $0x5;
	[tilespmem:s30+$0x50] =	vst v17;
	v32 =	vor.u32 v15, v32;
	v25 =	vxor.u32 v16, v29;
	v29, _, _ =	vpop (xrf1);
	(xrf1) =	vsort.ascd.msk.u32 $0xffff, v31, v31  }
0x83: {  	v19 =	vmov s22;
	v20 =	vmov s23;
	[tilespmem:s30+$0x60] =	vst v17;
	v52, _, _ =	vpop (xrf1);
	(xrf1) =	vsort.ascd.msk.u32 $0xffff, v32, v32  }
0x84: {  	[tilespmem:s30+$0x70] =	vst v17;
	v43 =	vxor.u32 $0xFFFFFFFF, v53;
	v32 =	vor.u32 v11, v30;
	v30, _, _ =	vpop (xrf1);
	(xrf1) =	vsort.ascd.msk.u32 $0xffff, v28, v28  }
0x85: {  	v43 =	vsel vm0, v43, v48;
	v27 =	vxor.u32 $0xFFFFFFFF, v62;
	v44, _, _ =	vpop (xrf1);
	(xrf1) =	vsort.ascd.msk.u32 $0xffff, v25, v25;
	v25 =	vsel vm0, v49, v33  }
0x86: {  	[tilespmem:s30+$0x0] =	vst v17;
	v26 =	vxor.u32 v10, v54;
	v62 =	vld [tilespmem:s29+$0xFFFFFFC0];
	v27 =	vsel vm0, v34, v27;
	v54, _, _ =	vpop (xrf1);
	(xrf1) =	vsort.ascd.msk.u32 $0xffff, v43, v43  }
0x87: {  	v36 =	vor.u32 v0, v36;
	[tilespmem:s30+$0xFFFFFF80] =	vst v17;
	v55 =	vxor.u32 $0xFFFFFFFF, v60;
	v56, _, _ =	vpop (xrf1);
	(xrf1) =	vsort.ascd.msk.u32 $0xffff, v27, v27  }
0x88: {  	v41 =	vand.u32 $0xFFFFFF80, v61;
	[tilespmem:s30+$0xFFFFFF90] =	vst v17;
	v30 =	vsel vm0, v55, v30;
	(xrf1) =	vsort.ascd.msk.u32 $0xffff, v25, v25;
	v25, _, _ =	vpop (xrf1)  }
0x89: {  	v40 =	vor.u32 v11, v57;
	v41 =	vor.u32 v13, v41;
	[tilespmem:s30+$0xFFFFFFC0] =	vst v17;
	(xrf1) =	vsort.ascd.msk.u32 $0xffff, v30, v30;
	v57, _, _ =	vpop (xrf1)  }
0x8a: {  	s31 =	simm.s32 $0x480;
	v39 =	vxor.u32 $0xFFFFFFFF, v39;
	v35 =	vand.u32 $0xFFFFFF80, v58;
	[tilespmem:s30+$0xFFFFFFB0] =	vst v17;
	(xrf1) =	vsort.ascd.msk.u32 $0xffff, v41, v41;
	v58, _, _ =	vpop (xrf1)  }
0x8b: {  	s24 =	simm.s32 $0x7;
	v53 =	vand.u32 $0xFFFFFF80, v62;
	v34 =	vsel vm0, v63, v39;
	v62 =	vld [tilespmem:s31+$0x50];
	v30 =	vxor.u32 $0xFFFFFFFF, v51;
	(xrf1) =	vsort.ascd.msk.u32 $0xffff, v36, v36;
	v63, _, _ =	vpop (xrf1)  }
0x8c: {  	v21 =	vmov s24;
	[tilespmem:s30+$0xFFFFFFF0] =	vst v17;
	v27 =	vxor.u32 $0xFFFFFFFF, v52;
	(xrf1) =	vsort.ascd.msk.u32 $0xffff, v26, v26;
	v26, _, _ =	vpop (xrf1)  }
0x8d: {  	v35 =	vor.u32 v15, v35;
	[tilespmem:s30+$0xFFFFFFD0] =	vst v17;
	v60 =	vld [tilespmem:s31+$0xFFFFFFA0];
	v27 =	vsel vm0, v27, v22;
	v26 =	vxor.u32 $0xFFFFFFFF, v26  }
0x8e: {  	v31 =	vxor.u32 $0xFFFFFFFF, v50;
	v42 =	vsel vm0, v42, v30;
	v30, _, _ =	vpop (xrf1);
	(xrf1) =	vsort.ascd.msk.u32 $0xffff, v35, v35;
	v48 =	vsel vm0, v29, v26;
	v26 =	vld [tilespmem:s31+$0x10]  }
0x8f: {  	[tilespmem:s30+$0xFFFFFFE0] =	vst v17;
	v31 =	vsel vm0, v47, v31;
	v33 =	vor.u32 v13, v53;
	v52 =	vld [tilespmem:s31+$0xFFFFFF80];
	v47, _, _ =	vpop (xrf1);
	(xrf1) =	vsort.ascd.msk.u32 $0xffff, v27, v27  }
0x90: {  	v37 =	vxor.u32 $0xFFFFFFFF, v54;
	v54 =	vand.u32 $0xFFFFFF80, v62;
	v62 =	vld [tilespmem:s31+$0xFFFFFFF0];
	v25 =	vxor.u32 $0xFFFFFFFF, v25;
	v29, _, _ =	vpop (xrf1);
	(xrf1) =	vsort.ascd.msk.u32 $0xffff, v33, v33  }
0x91: {  	v28 =	vand.u32 $0xFFFFFF80, v59;
	v22 =	vxor.u32 $0xFFFFFFFF, v38;
	v25 =	vsel vm0, v63, v25;
	v27 =	vld [tilespmem:s31+$0x0];
	v38, _, _ =	vpop (xrf1);
	(xrf1) =	vsort.ascd.msk.u32 $0xffff, v31, v31  }
0x92: {  	v24 =	vxor.u32 $0xFFFFFFFF, v24;
	[tilespmem:s30+$0xFFFFFFA0] =	vst v17;
	v50 =	vld [tilespmem:s31+$0xFFFFFFE0];
	v28 =	vxor.u32 v16, v28;
	(xrf1) =	vsort.ascd.msk.u32 $0xffff, v40, v40;
	v49, _, _ =	vpop (xrf1)  }
0x93: {  	v53 =	vld [tilespmem:s31+$0xFFFFFFB0];
	v37 =	vsel vm0, v37, v45;
	v39 =	vsel vm0, v22, v46;
	(xrf1) =	vsort.ascd.msk.u32 $0xffff, v25, v25;
	v59, _, _ =	vpop (xrf1);
	v26 =	vand.u32 $0xFFFFFF80, v26  }
0x94: {  	v51 =	vshll.u32 v23, $0x7;
	v23 =	vld [tilespmem:s31+$0xFFFFFFD0];
	v45 =	vand.u32 $0xFFFFFF80, v52;
	v25, _, _ =	vpop (xrf1);
	(xrf1) =	vsort.ascd.msk.u32 $0xffff, v28, v28;
	v61 =	vsel vm0, v59, v24  }
0x95: {  	v46 =	vxor.u32 $0xFFFFFFFF, v56;
	v56 =	vld [tilespmem:s31+$0x30];
	v36 =	vand.u32 $0xFFFFFF80, v60;
	v55 =	vor.u32 v0, v45;
	v24, _, _ =	vpop (xrf1);
	(xrf1) =	vsort.ascd.msk.u32 $0xffff, v61, v61  }
0x96: {  	v60 =	vand.u32 $0xFFFFFF80, v62;
	v62 =	vld [tilespmem:s31+$0x40];
	v43 =	vand.u32 $0xFFFFFF80, v27;
	v27 =	vxor.u32 v10, v26;
	(xrf1) =	vsort.ascd.msk.u32 $0xffff, v55, v55;
	v26, _, _ =	vpop (xrf1)  }
0x97: {  	s26 =	simm.s32 $0x9;
	v50 =	vand.u32 $0xFFFFFF80, v50;
	v33 =	vxor.u32 v14, v54;
	v31 =	vld [tilespmem:s31+$0xFFFFFF90];
	v28 =	vxor.u32 $0xFFFFFFFF, v57;
	(xrf1) =	vsort.ascd.msk.u32 $0xffff, v32, v32;
	v57, _, _ =	vpop (xrf1)  }
0x98: {  	v22 =	vmov s26;
	v41 =	vld [tilespmem:s31+$0x70];
	v35 =	vand.u32 $0xFFFFFF80, v53;
	v28 =	vsel vm0, v28, v58;
	(xrf1) =	vsort.ascd.msk.u32 $0xffff, v33, v33;
	v59, _, _ =	vpop (xrf1)  }
0x99: {  	s28 =	simm.s32 $0x10480;
	v63 =	vld [tilespmem:s31+$0x20];
	v35 =	vxor.u32 v12, v35;
	v23 =	vand.u32 $0xFFFFFF80, v23;
	v54 =	vxor.u32 $0xFFFFFFFF, v29;
	(xrf1) =	vsort.ascd.msk.u32 $0xffff, v28, v28;
	v53, _, _ =	vpop (xrf1)  }
0x9a: {  	v40 =	vand.u32 $0xFFFFFF80, v56;
	v44 =	vsel vm0, v44, v54;
	v28 =	vld [tilespmem:s31+$0x60];
	[tilespmem:s28+$0x40] =	vst v17;
	v29, _, _ =	vpop (xrf1);
	(xrf1) =	vsort.ascd.msk.u32 $0xffff, v34, v34  }
0x9b: {  	v45 =	vand.u32 $0xFFFFFF80, v62;
	v40 =	vxor.u32 v12, v40;
	[tilespmem:s28+$0x20] =	vst v17;
	v61, _, _ =	vpop (xrf1);
	(xrf1) =	vsort.ascd.msk.u32 $0xffff, v39, v39  }
0x9c: {  	v31 =	vand.u32 $0xFFFFFF80, v31;
	v32 =	vxor.u32 $0xFFFFFFFF, v57;
	[tilespmem:s28+$0x30] =	vst v17;
	v54, _, _ =	vpop (xrf1);
	(xrf1) =	vsort.ascd.msk.u32 $0xffff, v42, v42  }
0x9d: {  	v58 =	vmov s25;
	v31 =	vxor.u32 v10, v31;
	[tilespmem:s28+$0x10] =	vst v17;
	v56, _, _ =	vpop (xrf1);
	(xrf1) =	vsort.ascd.msk.u32 $0xffff, v37, v37  }
0x9e: {  	v34 =	vand.u32 $0xFFFFFF80, v63;
	v63 =	vld [tilespmem:s31+$0xFFFFFFC0];
	v39 =	vxor.u32 v16, v60;
	v60 =	vxor.u32 v14, v23;
	(xrf1) =	vsort.ascd.msk.u32 $0xffff, v35, v35;
	v57, _, _ =	vpop (xrf1)  }
0x9f: {  	v52 =	vshll.u32 v58, $0x7;
	[tilespmem:s28+$0x50] =	vst v17;
	v55 =	vsel vm0, v32, v59;
	(xrf1) =	vsort.ascd.msk.u32 $0xffff, v60, v60;
	v32, _, _ =	vpop (xrf1)  }
0xa0: {  	v46 =	vsel vm0, v53, v46;
	v33 =	vxor.u32 $0xFFFFFFFF, v61;
	v28 =	vand.u32 $0xFFFFFF80, v28;
	(xrf1) =	vsort.ascd.msk.u32 $0xffff, v31, v31;
	v31, _, _ =	vpop (xrf1)  }
0xa1: {  	v61 =	vor.u32 v15, v50;
	v37 =	vor.u32 v15, v28;
	v28 =	vand.u32 $0xFFFFFF80, v41;
	(xrf1) =	vsort.ascd.msk.u32 $0xffff, v40, v40;
	v62, _, _ =	vpop (xrf1)  }
0xa2: {  	v53 =	vor.u32 v13, v45;
	[tilespmem:s28+$0xFFFFFF80] =	vst v17;
	v23 =	vor.u32 v11, v34;
	(xrf1) =	vsort.ascd.msk.u32 $0xffff, v61, v61;
	v34, _, _ =	vpop (xrf1)  }
0xa3: {  	v58 =	vxor.u32 $0xFFFFFFFF, v54;
	v41 =	vor.u32 v0, v43;
	v50 =	vand.u32 $0xFFFFFF80, v63;
	(xrf1) =	vsort.ascd.msk.u32 $0xffff, v48, v48;
	v63, _, _ =	vpop (xrf1)  }
0xa4: {  	v35 =	vxor.u32 v16, v28;
	v60 =	vxor.u32 $0xFFFFFFFF, v47;
	v47 =	vxor.u32 $0xFFFFFFFF, v56;
	v28, _, _ =	vpop (xrf1);
	(xrf1) =	vsort.ascd.msk.u32 $0xffff, v39, v39  }
0xa5: {  	v31 =	vxor.u32 $0xFFFFFFFF, v31;
	v40 =	vor.u32 v11, v36;
	v36 =	vsel vm0, v57, v60;
	v61, _, _ =	vpop (xrf1);
	(xrf1) =	vsort.ascd.msk.u32 $0xffff, v55, v55  }
0xa6: {  	v42 =	vsel vm0, v31, v30;
	v48 =	vand.u32 $0x7F, v62;
	v59 =	vand.u32 $0x7F, v63;
	v39, _, _ =	vpop (xrf1);
	(xrf1) =	vsort.ascd.msk.u32 $0xffff, v44, v44  }
0xa7: {  	s10 =	simm.s32 $0x2;
	s6 =	simm.s32 $0x4;
	v34 =	vsel vm0, v58, v34;
	v62 =	vsel vm1, s20, v59;
	v30 =	vxor.u32 $0xFFFFFFFF, v61;
	(xrf1) =	vsort.ascd.msk.u32 $0xffff, v46, v46;
	v45, _, _ =	vpop (xrf1)  }
0xa8: {  	s2 =	simm.s32 $0x8;
	s5 =	simm.s32 $0xA;
	s0 =	simm.s32 $0x6;
	v63 =	vsel vm1, s25, v48;
	v31 =	vadd.s32 v51, v62;
	v30 =	vsel vm0, v30, v38;
	(xrf1) =	vsort.ascd.msk.u32 $0xffff, v34, v34;
	v43, _, _ =	vpop (xrf1)  }
0xa9: {  	s21 =	sshll.u32 s19, $0x2;
	s25 =	simm.s32 $0x580;
	s20 =	sshll.u32 s19, $0x1;
	v38 =	vxor.u32 $0xFFFFFFFF, v49;
	v46 =	vor.u32 v13, v50;
	v34 =	vadd.s32 v52, v63;
	(xrf1) =	vsort.ascd.msk.u32 $0xffff, v53, v53;
	v44, _, _ =	vpop (xrf1)  }
.LBB2_3:
0xaa: {  	(xrf1) =	vsort.ascd.msk.u32 $0xffff, v41, v41;
	v49 =	vsel vm0, v38, v25;
	v25, _, _ =	vpop (xrf1)  }
0xab: {  	v48 =	vld [tilespmem:s25+$0x50];
	p1 =	slt.u32 s5, $0x7E;
	[tilespmem:s28+$0x60] =	vst v17;
	v47 =	vsel vm0, v26, v47;
	v50 =	vmovc v19;
	v19 =	vmovc v20;
	v20 =	vmov v21;
	v21 =	vmov v22;
	s18 =	smov.u32 s5;
	s5 =	sadd.s32 $0x2, s5  }
0xac: {  	v41 =	vxor.u32 $0xFFFFFFFF, v39;
	v26 =	vld [tilespmem:s25+$0xFFFFFF80];
	s9 =	sadd.s32 $0x1, s18;
	[tilespmem:s28+$0x70] =	vst v17;
	(xrf1) =	vsort.ascd.msk.u32 $0xffff, v27, v27;
	v27 =	vsel vm0, v29, v33;
	v29, _, _ =	vpop (xrf1)  }
0xad: {  	v22 =	vmov s9;
	v33 =	vld [tilespmem:s25+$0x0];
	v38, _, _ =	vpop (xrf1);
	(xrf1) =	vsort.ascd.msk.u32 $0xffff, v37, v37;
	v29 =	vxor.u32 $0xFFFFFFFF, v29;
	[tilespmem:v31+s13+$0x0] =	vst.idx.msk $0x1ff, v18  }
0xae: {  	v37 =	vld [tilespmem:s25+$0xFFFFFFB0];
	[tilespmem:s28+$0xFFFFFF90] =	vst v17;
	v39, _, _ =	vpop (xrf1);
	(xrf1) =	vsort.ascd.msk.u32 $0xffff, v42, v42;
	v42 =	vsel vm0, v32, v29  }
0xaf: {  	v24 =	vxor.u32 $0xFFFFFFFF, v24;
	v29 =	vld [tilespmem:s25+$0x10];
	v32, _, _ =	vpop (xrf1);
	(xrf1) =	vsort.ascd.msk.u32 $0xffff, v46, v46;
	[tilespmem:v34+s13+$0x0] =	vst.idx.msk $0x1ff, v18  }
0xb0: {  	v3 =	vxor.u32 $0xFFFFFFFF, v45;
	v46 =	vld [tilespmem:s25+$0xFFFFFF90];
	v48 =	vand.u32 $0xFFFFFF80, v48;
	[tilespmem:s28+$0x0] =	vst v17;
	v31, _, _ =	vpop (xrf1);
	(xrf1) =	vsort.ascd.msk.u32 $0xffff, v27, v27  }
0xb1: {  	v3 =	vsel vm0, v25, v3;
	v26 =	vand.u32 $0xFFFFFF80, v26;
	v45 =	vld [tilespmem:s25+$0xFFFFFFF0];
	[tilespmem:s28+$0xFFFFFFC0] =	vst v17;
	(xrf1) =	vsort.ascd.msk.u32 $0xffff, v40, v40;
	v34, _, _ =	vpop (xrf1)  }
0xb2: {  	v48 =	vxor.u32 v14, v48;
	v26 =	vor.u32 v0, v26;
	v40 =	vld [tilespmem:s25+$0x30];
	[tilespmem:s28+$0xFFFFFFB0] =	vst v17;
	(xrf1) =	vsort.ascd.msk.u32 $0xffff, v3, v3;
	v27, _, _ =	vpop (xrf1)  }
0xb3: {  	v51 =	vld [tilespmem:s25+$0xFFFFFFA0];
	v37 =	vand.u32 $0xFFFFFF80, v37;
	v25, _, _ =	vpop (xrf1);
	(xrf1) =	vsort.ascd.msk.u32 $0xffff, v35, v35;
	v35 =	vxor.u32 $0xFFFFFFFF, v43;
	v27 =	vsel vm0, v27, v24  }
0xb4: {  	v37 =	vxor.u32 v12, v37;
	v29 =	vand.u32 $0xFFFFFF80, v29;
	v43 =	vld [tilespmem:s25+$0x20];
	v35 =	vsel vm0, v35, v44;
	v24, _, _ =	vpop (xrf1);
	(xrf1) =	vsort.ascd.msk.u32 $0xffff, v27, v27  }
0xb5: {  	v52 =	vand.u32 $0xFFFFFF80, v33;
	v44 =	vld [tilespmem:s25+$0xFFFFFFD0];
	v27 =	vxor.u32 v10, v29;
	(xrf1) =	vsort.ascd.msk.u32 $0xffff, v26, v26;
	[tilespmem:s28+$0xFFFFFFF0] =	vst v17;
	v26, _, _ =	vpop (xrf1)  }
0xb6: {  	v50 =	vshll.u32 v50, $0x7;
	v29 =	vmov s10;
	v53 =	vld [tilespmem:s25+$0x60];
	[tilespmem:s28+$0xFFFFFFD0] =	vst v17;
	(xrf1) =	vsort.ascd.msk.u32 $0xffff, v23, v23;
	v23, _, _ =	vpop (xrf1)  }
0xb7: {  	v54 =	vld [tilespmem:s25+$0xFFFFFFC0];
	v33 =	vand.u32 $0xFFFFFF80, v40;
	(xrf1) =	vsort.ascd.msk.u32 $0xffff, v48, v48;
	[tilespmem:s28+$0xFFFFFFE0] =	vst v17;
	v40, _, _ =	vpop (xrf1);
	v48 =	vshll.u32 v29, $0x7  }
0xb8: {  	v46 =	vand.u32 $0xFFFFFF80, v46;
	v23 =	vxor.u32 $0xFFFFFFFF, v23;
	v51 =	vand.u32 $0xFFFFFF80, v51;
	v55 =	vld [tilespmem:s25+$0xFFFFFFE0];
	v56, _, _ =	vpop (xrf1);
	(xrf1) =	vsort.ascd.msk.u32 $0xffff, v35, v35  }
0xb9: {  	v32 =	vxor.u32 $0xFFFFFFFF, v32;
	v35 =	vxor.u32 v12, v33;
	v57 =	vsel vm0, v23, v40;
	v29, _, _ =	vpop (xrf1);
	(xrf1) =	vsort.ascd.msk.u32 $0xffff, v36, v36  }
0xba: {  	v23 =	vand.u32 $0xFFFFFF80, v45;
	v36 =	vand.u32 $0xFFFFFF80, v43;
	v43 =	vsel vm0, v28, v32;
	v40 =	vld [tilespmem:s25+$0x70];
	v28, _, _ =	vpop (xrf1);
	(xrf1) =	vsort.ascd.msk.u32 $0xffff, v49, v49  }
0xbb: {  	v45 =	vxor.u32 v16, v23;
	v49 =	vld [tilespmem:s25+$0x40];
	[tilespmem:s28+$0xFFFFFFA0] =	vst v17;
	v33 =	vxor.u32 $0xFFFFFFFF, v28;
	s28 =	sadd.s32 $0x100, s28;
	v58, _, _ =	vpop (xrf1);
	(xrf1) =	vsort.ascd.msk.u32 $0xffff, v47, v47  }
0xbc: {  	v23 =	vand.u32 $0xFFFFFF80, v44;
	v28 =	vxor.u32 v10, v46;
	[tilespmem:s28+$0x40] =	vst v17;
	v44, _, _ =	vpop (xrf1);
	(xrf1) =	vsort.ascd.msk.u32 $0xffff, v30, v30  }
0xbd: {  	v30 =	vxor.u32 v14, v23;
	v46 =	vand.u32 $0xFFFFFF80, v55;
	[tilespmem:s28+$0x20] =	vst v17;
	(xrf1) =	vsort.ascd.msk.u32 $0xffff, v37, v37;
	v47, _, _ =	vpop (xrf1)  }
0xbe: {  	v23 =	vor.u32 v11, v36;
	v36 =	vand.u32 $0xFFFFFF80, v53;
	[tilespmem:s28+$0x30] =	vst v17;
	(xrf1) =	vsort.ascd.msk.u32 $0xffff, v30, v30;
	v32, _, _ =	vpop (xrf1)  }
0xbf: {  	v37 =	vor.u32 v15, v36;
	v3 =	vand.u32 $0xFFFFFF80, v40;
	[tilespmem:s28+$0x10] =	vst v17;
	(xrf1) =	vsort.ascd.msk.u32 $0xffff, v28, v28;
	v28, _, _ =	vpop (xrf1)  }
0xc0: {  	v36 =	vor.u32 v15, v46;
	v46 =	vsel vm0, v56, v41;
	v40 =	vand.u32 $0xFFFFFF80, v49;
	(xrf1) =	vsort.ascd.msk.u32 $0xffff, v35, v35;
	v49, _, _ =	vpop (xrf1)  }
0xc1: {  	v53 =	vand.u32 $0xFFFFFF80, v54;
	v35 =	vxor.u32 v16, v3;
	[tilespmem:s28+$0x50] =	vst v17;
	(xrf1) =	vsort.ascd.msk.u32 $0xffff, v36, v36;
	v30, _, _ =	vpop (xrf1)  }
0xc2: {  	v41 =	vor.u32 v0, v52;
	v36 =	vxor.u32 $0xFFFFFFFF, v28;
	v49 =	vand.u32 $0x7F, v49;
	(xrf1) =	vsort.ascd.msk.u32 $0xffff, v42, v42;
	v42, _, _ =	vpop (xrf1)  }
0xc3: {  	v52 =	vor.u32 v13, v40;
	v28, _, _ =	vpop (xrf1);
	(xrf1) =	vsort.ascd.msk.u32 $0xffff, v45, v45;
	v45 =	vxor.u32 $0xFFFFFFFF, v58;
	v42 =	vand.u32 $0x7F, v42  }
.Ltmp2:
0xc4: {  	v40 =	vor.u32 v11, v51;
	v51 =	vxor.u32 $0xFFFFFFFF, v39;
	v54, _, _ =	vpop (xrf1);
	(xrf1) =	vsort.ascd.msk.u32 $0xffff, v57, v57;
	v55 =	vsel vm1, s22, v42;
	s22 =	smov.u32 s23;
	s23 =	smov.u32 s24;
	(pc) =	sbr.rel @p1 .LBB2_3-.Ltmp2, $4  }
0xc5: {  	v42 =	vsel vm0, v36, v38;
	s24 =	smov.u32 s26;
	s26 =	smov.u32 s9;
	v39, _, _ =	vpop (xrf1);
	v36 =	vxor.u32 $0xFFFFFFFF, v54;
	v54 =	vsel vm0, v45, v30;
	(xrf1) =	vsort.ascd.msk.u32 $0xffff, v43, v43  }
0xc6: {  	[tilespmem:s28+$0xFFFFFF80] =	vst v17;
	v30 =	vsel vm0, v36, v31;
	(xrf1) =	vsort.ascd.msk.u32 $0xffff, v46, v46;
	v45, _, _ =	vpop (xrf1);
	v31 =	vadd.s32 v50, v55  }
0xc7: {  	v38 =	vxor.u32 $0xFFFFFFFF, v34;
	v34 =	vsel vm1, s10, v49;
	s10 =	smov.u32 s6;
	s6 =	smov.u32 s0;
	s0 =	smov.u32 s2;
	v36 =	vsel vm0, v47, v51;
	(xrf1) =	vsort.ascd.msk.u32 $0xffff, v54, v54;
	v43, _, _ =	vpop (xrf1)  }
0xc8: {  	s25 =	sadd.s32 $0x100, s25;
	s2 =	smov.u32 s18;
	v34 =	vadd.s32 v48, v34;
	v46 =	vor.u32 v13, v53;
	v47 =	vxor.u32 $0xFFFFFFFF, v44;
	(xrf1) =	vsort.ascd.msk.u32 $0xffff, v52, v52;
	v44, _, _ =	vpop (xrf1)  }
0xc9: {  	(xrf1) =	vsort.ascd.msk.u32 $0xffff, v41, v41;
	v63, _, _ =	vpop (xrf1)  }
0xca: {  	(xrf1) =	vsort.ascd.msk.u32 $0xffff, v27, v27;
	v27, _, _ =	vpop (xrf1)  }
0xcb: {  	v48, _, _ =	vpop (xrf1);
	(xrf1) =	vsort.ascd.msk.u32 $0xffff, v37, v37  }
0xcc: {  	v50, _, _ =	vpop (xrf1);
	(xrf1) =	vsort.ascd.msk.u32 $0xffff, v42, v42  }
0xcd: {  	v29 =	vsel vm0, v29, v33;
	v51, _, _ =	vpop (xrf1);
	(xrf1) =	vsort.ascd.msk.u32 $0xffff, v46, v46  }
0xce: {  	v52, _, _ =	vpop (xrf1);
	(xrf1) =	vsort.ascd.msk.u32 $0xffff, v29, v29;
	v29 =	vxor.u32 $0xFFFFFFFF, v45  }
0xcf: {  	v29 =	vsel vm0, v63, v29;
	_ =	sdelay $0x1  }
0xd0: {  	(xrf1) =	vsort.ascd.msk.u32 $0xffff, v40, v40;
	v53, _, _ =	vpop (xrf1)  }
0xd1: {  	v24 =	vxor.u32 $0xFFFFFFFF, v24;
	(xrf1) =	vsort.ascd.msk.u32 $0xffff, v29, v29;
	v29, _, _ =	vpop (xrf1)  }
0xd2: {  	v24 =	vsel vm0, v29, v24;
	v29 =	vxor.u32 $0xFFFFFFFF, v43  }
0xd3: {  	v54, _, _ =	vpop (xrf1);
	(xrf1) =	vsort.ascd.msk.u32 $0xffff, v35, v35  }
0xd4: {  	v55, _, _ =	vpop (xrf1);
	(xrf1) =	vsort.ascd.msk.u32 $0xffff, v24, v24  }
0xd5: {  	v24 =	vsel vm0, v29, v44;
	v29, _, _ =	vpop (xrf1);
	(xrf1) =	vsort.ascd.msk.u32 $0xffff, v23, v23  }
0xd6: {  	v23, _, _ =	vpop (xrf1);
	(xrf1) =	vsort.ascd.msk.u32 $0xffff, v24, v24  }
0xd7: {  	v26 =	vsel vm0, v26, v47;
	v24 =	vsel vm0, v38, v25;
	v25, _, _ =	vpop (xrf1);
	(xrf1) =	vsort.ascd.msk.u32 $0xffff, v36, v36  }
0xd8: {  	v56, _, _ =	vpop (xrf1);
	(xrf1) =	vsort.ascd.msk.u32 $0xffff, v24, v24;
	v24 =	vxor.u32 $0xFFFFFFFF, v27  }
0xd9: {  	v27, _, _ =	vpop (xrf1);
	(xrf1) =	vsort.ascd.msk.u32 $0xffff, v26, v26;
	v24 =	vsel vm0, v32, v24  }
0xda: {  	v26, _, _ =	vpop (xrf1);
	(xrf1) =	vsort.ascd.msk.u32 $0xffff, v30, v30  }
0xdb: {  	v30, _, _ =	vpop (xrf1);
	(xrf1) =	vsort.ascd.msk.u32 $0xffff, v24, v24  }
0xdc: {  	v24, _, _ =	vpop (xrf1)  }
0xdd: {  	v57, _, _ =	vpop (xrf1)  }
0xde: {  	v58, _, _ =	vpop (xrf1)  }
0xdf: {  	v59, _, _ =	vpop (xrf1)  }
0xe0: {  	v23 =	vxor.u32 $0xFFFFFFFF, v23;
	v60, _, _ =	vpop (xrf1)  }
0xe1: {  	v33 =	vxor.u32 $0xFFFFFFFF, v51;
	v23 =	vsel vm0, v23, v25;
	v61, _, _ =	vpop (xrf1)  }
0xe2: {  	v28 =	vsel vm0, v28, v33;
	v62, _, _ =	vpop (xrf1)  }
0xe3: {  	v30 =	vxor.u32 $0xFFFFFFFF, v30;
	v25, _, _ =	vpop (xrf1)  }
0xe4: {  	v39 =	vxor.u32 $0xFFFFFFFF, v39;
	(xrf1) =	vsort.ascd.msk.u32 $0xffff, v23, v23;
	v30 =	vsel vm0, v30, v61;
	v23, _, _ =	vpop (xrf1)  }
0xe5: {  	v63 =	vsel vm0, v56, v39;
	v26 =	vxor.u32 $0xFFFFFFFF, v26;
	(xrf1) =	vsort.ascd.msk.u32 $0xffff, v28, v28;
	v28, _, _ =	vpop (xrf1)  }
0xe6: {  	v26 =	vsel vm0, v27, v26;
	v43 =	vxor.u32 $0xFFFFFFFF, v59;
	(xrf1) =	vsort.ascd.msk.u32 $0xffff, v63, v63;
	v47, _, _ =	vpop (xrf1)  }
0xe7: {  	v36 =	vsel vm0, v43, v48;
	(xrf1) =	vsort.ascd.msk.u32 $0xffff, v30, v30;
	v30, _, _ =	vpop (xrf1)  }
0xe8: {  	(xrf1) =	vsort.ascd.msk.u32 $0xffff, v36, v36;
	v23 =	vxor.u32 $0xFFFFFFFF, v23;
	v27, _, _ =	vpop (xrf1)  }
0xe9: {  	v35 =	vxor.u32 $0xFFFFFFFF, v55;
	(xrf1) =	vsort.ascd.msk.u32 $0xffff, v26, v26;
	v23 =	vsel vm0, v30, v23;
	v26, _, _ =	vpop (xrf1)  }
0xea: {  	(xrf1) =	vsort.ascd.msk.u32 $0xffff, v23, v23;
	v23 =	vxor.u32 $0xFFFFFFFF, v28;
	v26 =	vsel vm0, v26, v35  }
0xeb: {  	v28 =	vxor.u32 $0xFFFFFFFF, v50;
	v23 =	vsel vm0, v23, v47;
	(xrf1) =	vsort.ascd.msk.u32 $0xffff, v26, v26  }
0xec: {  	v26 =	vsel vm0, v57, v28;
	v28 =	vxor.u32 $0xFFFFFFFF, v53;
	(xrf1) =	vsort.ascd.msk.u32 $0xffff, v23, v23  }
0xed: {  	v25 =	vxor.u32 $0xFFFFFFFF, v25;
	v23 =	vxor.u32 $0xFFFFFFFF, v24;
	v24 =	vsel vm0, v28, v54;
	(xrf1) =	vsort.ascd.msk.u32 $0xffff, v26, v26  }
0xee: {  	v23 =	vsel vm0, v29, v23;
	(xrf1) =	vsort.ascd.msk.u32 $0xffff, v24, v24;
	v24 =	vsel vm0, v25, v52;
	v25 =	vxor.u32 $0xFFFFFFFF, v27  }
0xef: {  	(xrf1) =	vsort.ascd.msk.u32 $0xffff, v23, v23;
	v23 =	vsel vm0, v58, v25  }
0xf0: {  	(xrf1) =	vsort.ascd.msk.u32 $0xffff, v24, v24  }
0xf1: {  	(xrf1) =	vsort.ascd.msk.u32 $0xffff, v23, v23  }
0xf2: {  	v23, _, _ =	vpop (xrf1)  }
0xf3: {  	v24, _, _ =	vpop (xrf1)  }
0xf4: {  	v25, _, _ =	vpop (xrf1)  }
0xf5: {  	v26, _, _ =	vpop (xrf1)  }
0xf6: {  	v27, _, _ =	vpop (xrf1)  }
0xf7: {  	v28, _, _ =	vpop (xrf1)  }
0xf8: {  	v29, _, _ =	vpop (xrf1)  }
0xf9: {  	v30, _, _ =	vpop (xrf1)  }
0xfa: {  	v48, _, _ =	vpop (xrf1)  }
0xfb: {  	v49, _, _ =	vpop (xrf1)  }
0xfc: {  	v50, _, _ =	vpop (xrf1)  }
0xfd: {  	v25 =	vxor.u32 $0xFFFFFFFF, v25;
	v51, _, _ =	vpop (xrf1)  }
0xfe: {  	v25 =	vsel vm0, v25, v26;
	v32 =	vxor.u32 $0xFFFFFFFF, v48;
	v26, _, _ =	vpop (xrf1)  }
0xff: {  	v23 =	vxor.u32 $0xFFFFFFFF, v23;
	(xrf1) =	vsort.ascd.msk.u32 $0xffff, v25, v25;
	v25 =	vsel vm0, v51, v32;
	v52, _, _ =	vpop (xrf1)  }
0x100: {  	(xrf1) =	vsort.ascd.msk.u32 $0xffff, v25, v25;
	v25 =	vxor.u32 $0xFFFFFFFF, v49;
	v23 =	vsel vm0, v52, v23  }
0x101: {  	v27 =	vxor.u32 $0xFFFFFFFF, v27;
	v25 =	vsel vm0, v25, v50;
	(xrf1) =	vsort.ascd.msk.u32 $0xffff, v23, v23  }
0x102: {  	v23 =	vsel vm0, v24, v27;
	v24 =	vxor.u32 $0xFFFFFFFF, v26;
	(xrf1) =	vsort.ascd.msk.u32 $0xffff, v25, v25  }
0x103: {  	v24 =	vsel vm0, v28, v24;
	(xrf1) =	vsort.ascd.msk.u32 $0xffff, v23, v23  }
0x104: {  	(xrf1) =	vsort.ascd.msk.u32 $0xffff, v24, v24;
	_ =	sdelay $0x8  }
0x105: {  	v23, _, _ =	vpop (xrf1)  }
0x106: {  	v24, _, _ =	vpop (xrf1)  }
0x107: {  	v25, _, _ =	vpop (xrf1)  }
0x108: {  	v26, _, _ =	vpop (xrf1)  }
0x109: {  	v27, _, _ =	vpop (xrf1);
	v26 =	vxor.u32 $0xFFFFFFFF, v26  }
0x10a: {  	v23 =	vxor.u32 $0xFFFFFFFF, v23;
	v26 =	vsel vm0, v27, v26;
	v27, _, _ =	vpop (xrf1)  }
0x10b: {  	(xrf1) =	vsort.ascd.msk.u32 $0xffff, v26, v26;
	v23 =	vsel vm0, v27, v23  }
0x10c: {  	(xrf1) =	vsort.ascd.msk.u32 $0xffff, v23, v23;
	_ =	sdelay $0x2  }
0x10d: {  	[tilespmem:s28+$0x60] =	vst v17  }
0x10e: {  	[tilespmem:s28+$0x70] =	vst v17;
	v19 =	vshll.u32 v19, $0x7  }
0x10f: {  	[tilespmem:v31+s13+$0x0] =	vst.idx.msk $0x1ff, v18;
	v20 =	vshll.u32 v20, $0x7;
	v28 =	vand.u32 $0x7F, v29;
	v24 =	vand.u32 $0x7F, v24  }
0x110: {  	[tilespmem:s28+$0xFFFFFF90] =	vst v17;
	v25 =	vand.u32 $0x7F, v25;
	v26 =	vand.u32 $0x7F, v62;
	v23 =	vmov s10  }
0x111: {  	[tilespmem:v34+s13+$0x0] =	vst.idx.msk $0x1ff, v18;
	v27 =	vand.u32 $0x7F, v60;
	v26 =	vsel vm1, s22, v26;
	v23 =	vshll.u32 v23, $0x7  }
0x112: {  	[tilespmem:s28+$0x0] =	vst v17;
	v19 =	vadd.s32 v19, v26;
	v26 =	vsel vm1, s10, v27;
	v27 =	vand.u32 $0x7F, v30  }
0x113: {  	[tilespmem:s28+$0xFFFFFFC0] =	vst v17;
	v23 =	vadd.s32 v23, v26;
	v26 =	vmov s6;
	v27 =	vsel vm1, s23, v27  }
0x114: {  	[tilespmem:s28+$0xFFFFFFB0] =	vst v17;
	v26 =	vshll.u32 v26, $0x7;
	v20 =	vadd.s32 v20, v27;
	v27 =	vsel vm1, s6, v28  }
0x115: {  	[tilespmem:s28+$0xFFFFFFF0] =	vst v17;
	v25 =	vsel vm1, s24, v25;
	v26 =	vadd.s32 v26, v27;
	v27 =	vmov s0  }
0x116: {  	[tilespmem:s28+$0xFFFFFFD0] =	vst v17;
	v21 =	vshll.u32 v21, $0x7;
	v24 =	vsel vm1, s0, v24;
	v27 =	vshll.u32 v27, $0x7  }
0x117: {  	[tilespmem:s28+$0xFFFFFFE0] =	vst v17;
	v21 =	vadd.s32 v21, v25;
	v24 =	vadd.s32 v27, v24;
	v28, _, _ =	vpop (xrf1)  }
0x118: {  	v27 =	vmov s2;
	[tilespmem:v19+s13+$0x0] =	vst.idx.msk $0x1ff, v18;
	v19 =	vshll.u32 v22, $0x7;
	v25, _, _ =	vpop (xrf1);
	v22 =	vand.u32 $0x7F, v28  }
0x119: {  	[tilespmem:v23+s13+$0x0] =	vst.idx.msk $0x1ff, v18;
	v23 =	vshll.u32 v27, $0x7;
	v25 =	vand.u32 $0x7F, v25;
	v22 =	vsel vm1, s2, v22  }
0x11a: {  	[tilespmem:v20+s13+$0x0] =	vst.idx.msk $0x1ff, v18;
	v25 =	vsel vm1, s26, v25;
	v20 =	vadd.s32 v23, v22  }
0x11b: {  	[tilespmem:s28+$0xFFFFFFA0] =	vst v17;
	v19 =	vadd.s32 v19, v25  }
0x11c: {  	[tilespmem:v21+s13+$0x0] =	vst.idx.msk $0x1ff, v18  }
0x11d: {  	[tilespmem:v26+s13+$0x0] =	vst.idx.msk $0x1ff, v18  }
0x11e: {  	[tilespmem:v24+s13+$0x0] =	vst.idx.msk $0x1ff, v18;
	s26 =	sadd.s32 s7, s21  }
0x11f: {  	s0 =	sshll.u32 s26, $0xB;
	[tilespmem:v20+s13+$0x0] =	vst.idx.msk $0x1ff, v18  }
0x120: {  	s0 =	sadd.s32 s3, s0;
	[tilespmem:v19+s13+$0x0] =	vst.idx.msk $0x1ff, v18  }
0x121: {  	v19 =	vor.u32 $0x4000, v1;
	[hbm4b:s0+s4] =	stream.linear.scatter [tilespmem:s13], [sflag:$0x3], $0x4000, $0x38;
	[tilespmem:$0x18000] =	vst v63  }
0x122: {  	v20 =	vadd.s32 $0x4810, v1;
	s0 =	simm.s32 @!p0 $0x4  }
0x123: {  	v21 =	vadd.s32 $0x5020, v1;
	_ =	swait.ge @!p0 [sflag:s0], $0x4000  }
0x124: {  	v22 =	vadd.s32 $0x5830, v1;
	[sflag:s0] =	ssyncset.done @!p0 $0x0  }
0x125: {  	s23 =	simm.s32 $0x0;
	v23 =	vadd.s32 $0x6040, v1;
	[sflag:s0] =	ssyncadd.s32 @!p0 $0xFFFFC000  }
0x126: {  	v24 =	vadd.s32 $0x6850, v1;
	[tilespmem:v19+s23+$0x0] =	vst.idx.msk $0xffff, v2  }
0x127: {  	v25 =	vadd.s32 $0x7060, v1;
	[tilespmem:v20+s23+$0x0] =	vst.idx.msk $0xffff, v2  }
0x128: {  	v26 =	vadd.s32 $0x7870, v1;
	[tilespmem:v21+s23+$0x0] =	vst.idx.msk $0xffff, v2  }
0x129: {  	[tilespmem:v22+s23+$0x0] =	vst.idx.msk $0xffff, v2  }
0x12a: {  	[tilespmem:v23+s23+$0x0] =	vst.idx.msk $0xffff, v2  }
0x12b: {  	[tilespmem:v24+s23+$0x0] =	vst.idx.msk $0xffff, v2  }
0x12c: {  	[tilespmem:v25+s23+$0x0] =	vst.idx.msk $0xffff, v2  }
0x12d: {  	s22 =	simm.s32 $0x0;
	[tilespmem:v26+s23+$0x0] =	vst.idx.msk $0xffff, v2  }
0x12e: {  	v28 =	vld [tilespmem:s22+$0x4090]  }
0x12f: {  	v27 =	vld [tilespmem:s22+$0x4080]  }
0x130: {  	v54 =	vld [tilespmem:s22+$0x4010]  }
0x131: {  	v55 =	vld [tilespmem:s22+$0x40E0]  }
0x132: {  	v56 =	vld [tilespmem:s22+$0x40C0]  }
0x133: {  	v30 =	vld [tilespmem:s22+$0x40B0];
	v28 =	vand.u32 $0xFFFFFF80, v28  }
0x134: {  	v57 =	vld [tilespmem:s22+$0x4040];
	v27 =	vand.u32 $0xFFFFFF80, v27;
	v28 =	vxor.u32 v10, v28  }
0x135: {  	v31 =	vld [tilespmem:s22+$0x4030];
	v33 =	vand.u32 $0xFFFFFF80, v54;
	v27 =	vor.u32 v0, v27;
	(xrf1) =	vsort.ascd.msk.u32 $0xffff, v28, v28  }
0x136: {  	v58 =	vld [tilespmem:s22+$0x40D0];
	v33 =	vxor.u32 v10, v33;
	v28 =	vand.u32 $0xFFFFFF80, v55;
	(xrf1) =	vsort.ascd.msk.u32 $0xffff, v27, v27  }
0x137: {  	v35 =	vand.u32 $0xFFFFFF80, v56;
	v27 =	vor.u32 v15, v28;
	v28 =	vld [tilespmem:s22+$0x40F0];
	(xrf1) =	vsort.ascd.msk.u32 $0xffff, v33, v33  }
0x138: {  	v59 =	vld [tilespmem:s22+$0x4070];
	v30 =	vand.u32 $0xFFFFFF80, v30;
	v35 =	vor.u32 v13, v35;
	(xrf1) =	vsort.ascd.msk.u32 $0xffff, v27, v27  }
0x139: {  	v36 =	vand.u32 $0xFFFFFF80, v57;
	v27 =	vxor.u32 v12, v30;
	v30 =	vld [tilespmem:s22+$0x4060];
	(xrf1) =	vsort.ascd.msk.u32 $0xffff, v35, v35  }
0x13a: {  	v60 =	vld [tilespmem:s22+$0x4050];
	v31 =	vand.u32 $0xFFFFFF80, v31;
	v36 =	vor.u32 v13, v36;
	(xrf1) =	vsort.ascd.msk.u32 $0xffff, v27, v27  }
0x13b: {  	v27 =	vxor.u32 v12, v31;
	v31 =	vand.u32 $0xFFFFFF80, v58;
	(xrf1) =	vsort.ascd.msk.u32 $0xffff, v36, v36  }
0x13c: {  	v29 =	vld [tilespmem:s22+$0x4000];
	v28 =	vand.u32 $0xFFFFFF80, v28;
	v31 =	vxor.u32 v14, v31;
	(xrf1) =	vsort.ascd.msk.u32 $0xffff, v27, v27  }
0x13d: {  	v27 =	vand.u32 $0xFFFFFF80, v59;
	v28 =	vxor.u32 v16, v28;
	(xrf1) =	vsort.ascd.msk.u32 $0xffff, v31, v31  }
0x13e: {  	v62 =	vld [tilespmem:s22+$0x4020];
	v27 =	vxor.u32 v16, v27;
	v30 =	vand.u32 $0xFFFFFF80, v30;
	(xrf1) =	vsort.ascd.msk.u32 $0xffff, v28, v28  }
0x13f: {  	s24 =	simm.s32 $0x100;
	v53 =	vld [tilespmem:s22+$0x40A0];
	v28 =	vor.u32 v15, v30;
	v30 =	vand.u32 $0xFFFFFF80, v60;
	(xrf1) =	vsort.ascd.msk.u32 $0xffff, v27, v27  }
0x140: {  	v31 =	vld [tilespmem:s24+$0x4090];
	v27 =	vxor.u32 v14, v30;
	(xrf1) =	vsort.ascd.msk.u32 $0xffff, v28, v28  }
0x141: {  	v28 =	vand.u32 $0xFFFFFF80, v29;
	(xrf1) =	vsort.ascd.msk.u32 $0xffff, v27, v27  }
0x142: {  	v61 =	vld [tilespmem:s24+$0x4080]  }
0x143: {  	v36 =	vand.u32 $0xFFFFFF80, v62;
	v29 =	vld [tilespmem:s24+$0x4010];
	v27, _, _ =	vpop (xrf1)  }
0x144: {  	v48 =	vld [tilespmem:s24+$0x40E0];
	v32 =	vand.u32 $0xFFFFFF80, v53;
	v36 =	vor.u32 v11, v36;
	v47 =	vor.u32 v0, v28;
	v28, _, _ =	vpop (xrf1)  }
0x145: {  	v49 =	vld [tilespmem:s24+$0x40C0];
	v32 =	vor.u32 v11, v32;
	(xrf1) =	vsort.ascd.msk.u32 $0xffff, v47, v47;
	v31 =	vand.u32 $0xFFFFFF80, v31;
	v40, _, _ =	vpop (xrf1)  }
0x146: {  	v30 =	vld [tilespmem:s24+$0x40B0];
	(xrf1) =	vsort.ascd.msk.u32 $0xffff, v36, v36;
	v31 =	vxor.u32 v10, v31;
	v50, _, _ =	vpop (xrf1)  }
0x147: {  	v51 =	vld [tilespmem:s24+$0x4040];
	v34 =	vand.u32 $0xFFFFFF80, v61;
	(xrf1) =	vsort.ascd.msk.u32 $0xffff, v32, v32;
	v36, _, _ =	vpop (xrf1)  }
0x148: {  	v63 =	vld [tilespmem:s24+$0x4030];
	v34 =	vor.u32 v0, v34;
	v29 =	vand.u32 $0xFFFFFF80, v29;
	(xrf1) =	vsort.ascd.msk.u32 $0xffff, v31, v31;
	v32, _, _ =	vpop (xrf1)  }
0x149: {  	v52 =	vld [tilespmem:s24+$0x40D0];
	v39 =	vand.u32 $0xFFFFFF80, v48;
	v29 =	vxor.u32 v10, v29;
	(xrf1) =	vsort.ascd.msk.u32 $0xffff, v34, v34;
	v31, _, _ =	vpop (xrf1)  }
0x14a: {  	v54 =	vld [tilespmem:s24+$0x40F0];
	v38 =	vand.u32 $0xFFFFFF80, v49;
	v39 =	vor.u32 v15, v39;
	(xrf1) =	vsort.ascd.msk.u32 $0xffff, v29, v29;
	v53, _, _ =	vpop (xrf1)  }
0x14b: {  	v29 =	vand.u32 $0xFFFFFF80, v30;
	v30 =	vor.u32 v13, v38;
	(xrf1) =	vsort.ascd.msk.u32 $0xffff, v39, v39;
	v55, _, _ =	vpop (xrf1)  }
0x14c: {  	v56 =	vld [tilespmem:s24+$0x4070];
	v42 =	vand.u32 $0xFFFFFF80, v51;
	v29 =	vxor.u32 v12, v29;
	(xrf1) =	vsort.ascd.msk.u32 $0xffff, v30, v30;
	v57, _, _ =	vpop (xrf1)  }
0x14d: {  	v61 =	vld [tilespmem:s24+$0x4050];
	v58 =	vor.u32 v13, v42;
	v30 =	vand.u32 $0xFFFFFF80, v63;
	(xrf1) =	vsort.ascd.msk.u32 $0xffff, v29, v29;
	v46, _, _ =	vpop (xrf1)  }
0x14e: {  	v59 =	vand.u32 $0xFFFFFF80, v52;
	v29 =	vld [tilespmem:s24+$0x4060];
	v30 =	vxor.u32 v12, v30;
	(xrf1) =	vsort.ascd.msk.u32 $0xffff, v58, v58;
	v60, _, _ =	vpop (xrf1)  }
0x14f: {  	v44 =	vand.u32 $0xFFFFFF80, v54;
	v42 =	vxor.u32 v14, v59;
	v62, _, _ =	vpop (xrf1);
	(xrf1) =	vsort.ascd.msk.u32 $0xffff, v30, v30  }
0x150: {  	v33 =	vld [tilespmem:s24+$0x4000];
	v30 =	vxor.u32 v16, v44;
	v63 =	vxor.u32 $0xFFFFFFFF, v62;
	(xrf1) =	vsort.ascd.msk.u32 $0xffff, v42, v42  }
0x151: {  	v38 =	vand.u32 $0xFFFFFF80, v56;
	(xrf1) =	vsort.ascd.msk.u32 $0xffff, v30, v30;
	v30 =	vsel vm0, v31, v63  }
0x152: {  	v38 =	vxor.u32 v16, v38;
	v31 =	vxor.u32 $0xFFFFFFFF, v50;
	(xrf1) =	vsort.ascd.msk.u32 $0xffff, v30, v30  }
0x153: {  	v35 =	vand.u32 $0xFFFFFF80, v61;
	v48, _, _ =	vpop (xrf1);
	v29 =	vand.u32 $0xFFFFFF80, v29;
	v30 =	vld [tilespmem:s24+$0x4020];
	v31 =	vsel vm0, v31, v57;
	(xrf1) =	vsort.ascd.msk.u32 $0xffff, v38, v38  }
0x154: {  	v49, _, _ =	vpop (xrf1);
	v29 =	vor.u32 v15, v29;
	(xrf1) =	vsort.ascd.msk.u32 $0xffff, v31, v31  }
0x155: {  	v50 =	vxor.u32 v14, v35;
	v51, _, _ =	vpop (xrf1);
	v31 =	vand.u32 $0xFFFFFF80, v33;
	(xrf1) =	vsort.ascd.msk.u32 $0xffff, v29, v29  }
0x156: {  	s25 =	simm.s32 $0x200;
	v37 =	vld [tilespmem:s24+$0x40A0];
	v29 =	vor.u32 v0, v31;
	v31 =	vxor.u32 $0xFFFFFFFF, v49;
	v35, _, _ =	vpop (xrf1);
	(xrf1) =	vsort.ascd.msk.u32 $0xffff, v50, v50  }
0x157: {  	v54 =	vld [tilespmem:s25+$0x4090];
	v31 =	vsel vm0, v31, v53;
	v38, _, _ =	vpop (xrf1);
	v53 =	vxor.u32 $0xFFFFFFFF, v51;
	(xrf1) =	vsort.ascd.msk.u32 $0xffff, v29, v29  }
0x158: {  	v52 =	vld [tilespmem:s25+$0x4080];
	v29 =	vand.u32 $0xFFFFFF80, v30;
	v32 =	vsel vm0, v53, v32;
	v30, _, _ =	vpop (xrf1);
	(xrf1) =	vsort.ascd.msk.u32 $0xffff, v31, v31  }
0x159: {  	v31 =	vxor.u32 $0xFFFFFFFF, v55;
	v29 =	vor.u32 v11, v29;
	v45, _, _ =	vpop (xrf1);
	(xrf1) =	vsort.ascd.msk.u32 $0xffff, v32, v32  }
0x15a: {  	[tilespmem:s22+$0x140F0] =	vst v17;
	v31 =	vsel vm0, v36, v31;
	v34, _, _ =	vpop (xrf1);
	(xrf1) =	vsort.ascd.msk.u32 $0xffff, v29, v29;
	v29 =	vxor.u32 $0xFFFFFFFF, v40  }
0x15b: {  	[tilespmem:s22+$0x14040] =	vst v17;
	v33, _, _ =	vpop (xrf1);
	(xrf1) =	vsort.ascd.msk.u32 $0xffff, v31, v31;
	v31 =	vand.u32 $0xFFFFFF80, v37;
	v29 =	vsel vm0, v48, v29  }
0x15c: {  	[tilespmem:s22+$0x140E0] =	vst v17;
	v58 =	vld [tilespmem:s25+$0x4010];
	v57 =	vand.u32 $0xFFFFFF80, v54;
	v39, _, _ =	vpop (xrf1);
	v31 =	vor.u32 v11, v31;
	(xrf1) =	vsort.ascd.msk.u32 $0xffff, v29, v29  }
0x15d: {  	[tilespmem:s22+$0x14050] =	vst v17;
	v42 =	vand.u32 $0xFFFFFF80, v52;
	v40 =	vxor.u32 v10, v57;
	v29 =	vld [tilespmem:s25+$0x40E0];
	v47, _, _ =	vpop (xrf1);
	(xrf1) =	vsort.ascd.msk.u32 $0xffff, v31, v31  }
0x15e: {  	[tilespmem:s22+$0x140D0] =	vst v17;
	v59 =	vld [tilespmem:s25+$0x40C0];
	v31 =	vor.u32 v0, v42;
	v48, _, _ =	vpop (xrf1);
	(xrf1) =	vsort.ascd.msk.u32 $0xffff, v40, v40  }
0x15f: {  	[tilespmem:s22+$0x14000] =	vst v17;
	v27 =	vxor.u32 $0xFFFFFFFF, v27;
	v49, _, _ =	vpop (xrf1);
	(xrf1) =	vsort.ascd.msk.u32 $0xffff, v31, v31;
	v31 =	vld [tilespmem:s25+$0x4040]  }
0x160: {  	[tilespmem:s22+$0x14080] =	vst v17;
	v27 =	vsel vm0, v28, v27;
	v60 =	vxor.u32 $0xFFFFFFFF, v60;
	v55 =	vld [tilespmem:s25+$0x40B0];
	v43, _, _ =	vpop (xrf1)  }
0x161: {  	[tilespmem:s24+$0x140F0] =	vst v17;
	v28 =	vsel vm0, v60, v46;
	(xrf1) =	vsort.ascd.msk.u32 $0xffff, v27, v27;
	v27 =	vand.u32 $0xFFFFFF80, v58;
	v40, _, _ =	vpop (xrf1)  }
0x162: {  	[tilespmem:s24+$0x14040] =	vst v17;
	v56 =	vld [tilespmem:s25+$0x4030];
	(xrf1) =	vsort.ascd.msk.u32 $0xffff, v28, v28;
	v28 =	vand.u32 $0xFFFFFF80, v29;
	v27 =	vxor.u32 v10, v27;
	v61, _, _ =	vpop (xrf1)  }
0x163: {  	[tilespmem:s24+$0x140E0] =	vst v17;
	v62 =	vld [tilespmem:s25+$0x40D0];
	v28 =	vor.u32 v15, v28;
	(xrf1) =	vsort.ascd.msk.u32 $0xffff, v27, v27;
	v50, _, _ =	vpop (xrf1)  }
0x164: {  	[tilespmem:s24+$0x14050] =	vst v17;
	v51 =	vld [tilespmem:s25+$0x40F0];
	v29 =	vand.u32 $0xFFFFFF80, v59;
	(xrf1) =	vsort.ascd.msk.u32 $0xffff, v28, v28;
	v63, _, _ =	vpop (xrf1);
	v28 =	vand.u32 $0xFFFFFF80, v31  }
0x165: {  	[tilespmem:s24+$0x140D0] =	vst v17;
	v27 =	vand.u32 $0xFFFFFF80, v55;
	v29 =	vor.u32 v13, v29;
	v31 =	vld [tilespmem:s25+$0x4070];
	v52, _, _ =	vpop (xrf1);
	v53 =	vor.u32 v13, v28  }
0x166: {  	[tilespmem:s24+$0x14000] =	vst v17;
	v27 =	vxor.u32 v12, v27;
	(xrf1) =	vsort.ascd.msk.u32 $0xffff, v29, v29;
	v32, _, _ =	vpop (xrf1)  }
0x167: {  	[tilespmem:s24+$0x14080] =	vst v17;
	v36 =	vand.u32 $0xFFFFFF80, v56;
	(xrf1) =	vsort.ascd.msk.u32 $0xffff, v27, v27;
	v54, _, _ =	vpop (xrf1)  }
0x168: {  	[tilespmem:s25+$0x140F0] =	vst v17;
	v46 =	vand.u32 $0xFFFFFF80, v62;
	v36 =	vxor.u32 v12, v36;
	(xrf1) =	vsort.ascd.msk.u32 $0xffff, v53, v53;
	v53, _, _ =	vpop (xrf1)  }
0x169: {  	v46 =	vxor.u32 v14, v46;
	v51 =	vand.u32 $0xFFFFFF80, v51;
	v42 =	vxor.u32 $0xFFFFFFFF, v63;
	(xrf1) =	vsort.ascd.msk.u32 $0xffff, v36, v36;
	v57, _, _ =	vpop (xrf1)  }
0x16a: {  	v51 =	vxor.u32 v16, v51;
	v55 =	vld [tilespmem:s25+$0x4060];
	(xrf1) =	vsort.ascd.msk.u32 $0xffff, v46, v46;
	v31 =	vand.u32 $0xFFFFFF80, v31;
	v36 =	vxor.u32 $0xFFFFFFFF, v57  }
0x16b: {  	[tilespmem:s25+$0x14040] =	vst v17;
	v44 =	vld [tilespmem:s25+$0x4000];
	(xrf1) =	vsort.ascd.msk.u32 $0xffff, v51, v51;
	v58, _, _ =	vpop (xrf1);
	v36 =	vsel vm0, v36, v61  }
0x16c: {  	[tilespmem:s25+$0x140E0] =	vst v17;
	v45 =	vxor.u32 $0xFFFFFFFF, v45;
	v39 =	vsel vm0, v39, v42;
	v46 =	vld [tilespmem:s25+$0x4050];
	v42, _, _ =	vpop (xrf1);
	(xrf1) =	vsort.ascd.msk.u32 $0xffff, v36, v36  }
0x16d: {  	[tilespmem:s25+$0x14050] =	vst v17;
	v56 =	vld [tilespmem:s25+$0x4020];
	v60 =	vsel vm0, v45, v49;
	v61 =	vxor.u32 v16, v31;
	v31, _, _ =	vpop (xrf1);
	(xrf1) =	vsort.ascd.msk.u32 $0xffff, v39, v39  }
0x16e: {  	[tilespmem:s25+$0x140D0] =	vst v17;
	v59 =	vxor.u32 $0xFFFFFFFF, v32;
	v32, _, _ =	vpop (xrf1);
	(xrf1) =	vsort.ascd.msk.u32 $0xffff, v61, v61  }
0x16f: {  	v50 =	vxor.u32 $0xFFFFFFFF, v50;
	v62 =	vand.u32 $0xFFFFFF80, v55;
	v51 =	vsel vm0, v58, v59;
	v41, _, _ =	vpop (xrf1);
	(xrf1) =	vsort.ascd.msk.u32 $0xffff, v60, v60  }
0x170: {  	s26 =	simm.s32 $0x300;
	[tilespmem:s25+$0x14000] =	vst v17;
	v37 =	vld [tilespmem:s25+$0x40A0];
	v43 =	vxor.u32 $0xFFFFFFFF, v43;
	v63 =	vor.u32 v15, v62;
	v60, _, _ =	vpop (xrf1);
	(xrf1) =	vsort.ascd.msk.u32 $0xffff, v51, v51  }
0x171: {  	v44 =	vand.u32 $0xFFFFFF80, v44;
	v45 =	vld [tilespmem:s26+$0x4090];
	v46 =	vand.u32 $0xFFFFFF80, v46;
	v43 =	vsel vm0, v43, v60;
	(xrf1) =	vsort.ascd.msk.u32 $0xffff, v63, v63  }
0x172: {  	v49 =	vand.u32 $0xFFFFFF80, v56;
	v56 =	vld [tilespmem:s26+$0x4030];
	v39 =	vsel vm0, v50, v40;
	v61 =	vxor.u32 v14, v46;
	v50, _, _ =	vpop (xrf1);
	(xrf1) =	vsort.ascd.msk.u32 $0xffff, v43, v43  }
0x173: {  	[tilespmem:s25+$0x14080] =	vst v17;
	v55 =	vld [tilespmem:s26+$0x40B0];
	v62 =	vor.u32 v0, v44;
	v63 =	vxor.u32 $0xFFFFFFFF, v53;
	v53, _, _ =	vpop (xrf1);
	(xrf1) =	vsort.ascd.msk.u32 $0xffff, v61, v61  }
0x174: {  	[tilespmem:s26+$0x140F0] =	vst v17;
	v36 =	vld [tilespmem:s26+$0x4080];
	v42 =	vxor.u32 $0xFFFFFFFF, v42;
	v58 =	vsel vm0, v63, v47;
	v44, _, _ =	vpop (xrf1);
	(xrf1) =	vsort.ascd.msk.u32 $0xffff, v62, v62  }
0x175: {  	[tilespmem:s26+$0x140E0] =	vst v17;
	v30 =	vxor.u32 $0xFFFFFFFF, v30;
	v42 =	vsel vm0, v42, v33;
	v46 =	vld [tilespmem:s26+$0x40A0];
	v33, _, _ =	vpop (xrf1);
	(xrf1) =	vsort.ascd.msk.u32 $0xffff, v58, v58  }
0x176: {  	v37 =	vand.u32 $0xFFFFFF80, v37;
	v59 =	vxor.u32 $0xFFFFFFFF, v48;
	v48 =	vld [tilespmem:s26+$0x4070];
	v60 =	vor.u32 v11, v49;
	v57, _, _ =	vpop (xrf1);
	(xrf1) =	vsort.ascd.msk.u32 $0xffff, v42, v42  }
0x177: {  	v37 =	vor.u32 v11, v37;
	v45 =	vand.u32 $0xFFFFFF80, v45;
	v34 =	vsel vm0, v34, v59;
	v59 =	vld [tilespmem:s26+$0x4040];
	v58, _, _ =	vpop (xrf1);
	(xrf1) =	vsort.ascd.msk.u32 $0xffff, v60, v60  }
0x178: {  	v47 =	vld [tilespmem:s26+$0x40E0];
	v63 =	vand.u32 $0xFFFFFF80, v55;
	v61 =	vsel vm0, v52, v30;
	v62 =	vxor.u32 $0xFFFFFFFF, v54;
	v55, _, _ =	vpop (xrf1);
	(xrf1) =	vsort.ascd.msk.u32 $0xffff, v34, v34  }
0x179: {  	v49 =	vld [tilespmem:s26+$0x4060];
	v36 =	vand.u32 $0xFFFFFF80, v36;
	v40 =	vsel vm0, v41, v62;
	v41, _, _ =	vpop (xrf1);
	v34 =	vxor.u32 $0xFFFFFFFF, v50;
	(xrf1) =	vsort.ascd.msk.u32 $0xffff, v61, v61  }
0x17a: {  	v43 =	vld [tilespmem:s26+$0x4010];
	v50 =	vand.u32 $0xFFFFFF80, v46;
	v46, _, _ =	vpop (xrf1);
	(xrf1) =	vsort.ascd.msk.u32 $0xffff, v37, v37;
	v37 =	vand.u32 $0xFFFFFF80, v56;
	v56 =	vor.u32 v0, v36  }
0x17b: {  	[tilespmem:s26+$0x14040] =	vst v17;
	v35 =	vxor.u32 $0xFFFFFFFF, v35;
	v45 =	vxor.u32 v10, v45;
	v54 =	vld [tilespmem:s26+$0x40C0]  }
0x17c: {  	[tilespmem:s26+$0x140D0] =	vst v17;
	v35 =	vsel vm0, v38, v35;
	v42 =	vld [tilespmem:s26+$0x4020];
	v36, _, _ =	vpop (xrf1);
	(xrf1) =	vsort.ascd.msk.u32 $0xffff, v45, v45  }
0x17d: {  	v53 =	vxor.u32 $0xFFFFFFFF, v53;
	v52 =	vxor.u32 v12, v63;
	v47 =	vand.u32 $0xFFFFFF80, v47;
	v60 =	vld [tilespmem:s26+$0x40D0];
	(xrf1) =	vsort.ascd.msk.u32 $0xffff, v56, v56;
	v56, _, _ =	vpop (xrf1)  }
0x17e: {  	v63 =	vand.u32 $0xFFFFFF80, v49;
	v61 =	vxor.u32 v12, v37;
	v45 =	vor.u32 v15, v47;
	v47 =	vld [tilespmem:s26+$0x40F0];
	(xrf1) =	vsort.ascd.msk.u32 $0xffff, v40, v40;
	v62, _, _ =	vpop (xrf1)  }
0x17f: {  	v37 =	vsel vm0, v53, v41;
	v41 =	vand.u32 $0xFFFFFF80, v43;
	v53 =	vand.u32 $0xFFFFFF80, v48;
	(xrf1) =	vsort.ascd.msk.u32 $0xffff, v35, v35;
	v35, _, _ =	vpop (xrf1)  }
0x180: {  	[tilespmem:s26+$0x14050] =	vst v17;
	v51 =	vld [tilespmem:s26+$0x4000];
	v54 =	vand.u32 $0xFFFFFF80, v54;
	v43 =	vxor.u32 v10, v41;
	v41 =	vxor.u32 v16, v53;
	v49, _, _ =	vpop (xrf1)  }
0x181: {  	[tilespmem:s26+$0x14080] =	vst v17;
	v53 =	vor.u32 v13, v54;
	v40 =	vor.u32 v15, v63;
	(xrf1) =	vsort.ascd.msk.u32 $0xffff, v39, v39;
	v63, _, _ =	vpop (xrf1)  }
0x182: {  	v54 =	vand.u32 $0xFFFFFF80, v60;
	v39 =	vand.u32 $0xFFFFFF80, v59;
	(xrf1) =	vsort.ascd.msk.u32 $0xffff, v43, v43;
	v63 =	vxor.u32 $0xFFFFFFFF, v63  }
0x183: {  	v48 =	vld [tilespmem:s26+$0x4050];
	v43 =	vand.u32 $0xFFFFFF80, v42;
	v59 =	vand.u32 $0xFFFFFF80, v47;
	v42 =	vor.u32 v13, v39;
	(xrf1) =	vsort.ascd.msk.u32 $0xffff, v45, v45;
	v60, _, _ =	vpop (xrf1)  }
0x184: {  	[tilespmem:s26+$0x14000] =	vst v17;
	v47 =	vxor.u32 v16, v59;
	v59 =	vxor.u32 $0xFFFFFFFF, v49;
	(xrf1) =	vsort.ascd.msk.u32 $0xffff, v53, v53;
	v49, _, _ =	vpop (xrf1)  }
0x185: {  	s30 =	simm.s32 $0x1;
	s29 =	simm.s32 $0x3;
	v38 =	vxor.u32 $0xFFFFFFFF, v46;
	v46 =	vand.u32 $0xFFFFFF80, v51;
	v51 =	vsel vm0, v35, v63;
	(xrf1) =	vsort.ascd.msk.u32 $0xffff, v52, v52;
	v63, _, _ =	vpop (xrf1)  }
0x186: {  	s28 =	simm.s32 $0x5;
	[tilespmem:s22+$0x14030] =	vst v17;
	v29 =	vmov s30;
	v28 =	vmov s29;
	(xrf1) =	vsort.ascd.msk.u32 $0xffff, v42, v42;
	v42, _, _ =	vpop (xrf1)  }
0x187: {  	v27 =	vmov s28;
	v46 =	vor.u32 v0, v46;
	v52 =	vxor.u32 v14, v54;
	(xrf1) =	vsort.ascd.msk.u32 $0xffff, v61, v61;
	v61, _, _ =	vpop (xrf1)  }
0x188: {  	[tilespmem:s22+$0x14020] =	vst v17;
	v53 =	vxor.u32 $0xFFFFFFFF, v60;
	v60 =	vand.u32 $0xFFFFFF80, v48;
	v35 =	vsel vm0, v59, v56;
	v59, _, _ =	vpop (xrf1)  }
0x189: {  	v39 =	vor.u32 v11, v50;
	v45 =	vxor.u32 v14, v60;
	(xrf1) =	vsort.ascd.msk.u32 $0xffff, v52, v52;
	v50 =	vxor.u32 $0xFFFFFFFF, v59  }
0x18a: {  	s31 =	simm.s32 $0x7;
	v54 =	vsel vm0, v57, v53;
	v63 =	vxor.u32 $0xFFFFFFFF, v63;
	(xrf1) =	vsort.ascd.msk.u32 $0xffff, v47, v47;
	v48 =	vxor.u32 $0xFFFFFFFF, v61;
	v61, _, _ =	vpop (xrf1)  }
0x18b: {  	s18 =	simm.s32 $0x8;
	s5 =	simm.s32 $0x1000;
	s10 =	simm.s32 $0x2;
	v60 =	vxor.u32 $0xFFFFFFFF, v55;
	(xrf1) =	vsort.ascd.msk.u32 $0xffff, v51, v51;
	v53, _, _ =	vpop (xrf1);
	v52 =	vsel vm0, v61, v63;
	v63 =	vsel vm0, v50, v62  }
0x18c: {  	s6 =	simm.s32 $0x4;
	s2 =	sor.u32 $0x1, s21;
	s0 =	simm.s32 $0x6;
	v30 =	vmov s31;
	v51 =	vsel vm0, v48, v58;
	v48 =	vsel vm0, v44, v60;
	(xrf1) =	vsort.ascd.msk.u32 $0xffff, v63, v63;
	v50, _, _ =	vpop (xrf1)  }
.LBB2_5:
0x18d: {  	s9 =	sshra.s32 s5, $0x2;
	v49 =	vsel vm0, v49, v34;
	v34 =	vxor.u32 $0xFFFFFFFF, v53;
	(xrf1) =	vsort.ascd.msk.u32 $0xffff, v54, v54;
	v53 =	vmov v32;
	v32, _, _ =	vpop (xrf1)  }
0x18e: {  	s1 =	sadd.s32 $0x1, s18;
	[tilespmem:s22+$0x14010] =	vst v17;
	v47 =	vmovc v27;
	v27 =	vmov v30;
	v54 =	vmov v31;
	v31 =	vmov v50;
	s8 =	smov.u32 s18;
	s12 =	sadd.s32 $0x2, s18  }
0x18f: {  	p0 =	slt.u32 s18, $0x7E;
	v30 =	vmov s1;
	v55 =	vld [tilespmem:s9+$0x4080];
	[tilespmem:s9+$0x140F0] =	vst v17;
	(xrf1) =	vsort.ascd.msk.u32 $0xffff, v41, v41;
	v41 =	vsel vm0, v34, v33;
	v33, _, _ =	vpop (xrf1)  }
0x190: {  	v43 =	vor.u32 v11, v43;
	v34 =	vld [tilespmem:s9+$0x4090];
	[tilespmem:s9+$0x140E0] =	vst v17;
	(xrf1) =	vsort.ascd.msk.u32 $0xffff, v37, v37;
	v37, _, _ =	vpop (xrf1);
	v33 =	vsel vm0, v33, v38  }
0x191: {  	v3 =	vxor.u32 $0xFFFFFFFF, v36;
	v56 =	vshll.u32 v29, $0x7;
	v38 =	vld [tilespmem:s9+$0x40B0];
	[tilespmem:s9+$0x140D0] =	vst v17;
	v44, _, _ =	vpop (xrf1);
	(xrf1) =	vsort.ascd.msk.u32 $0xffff, v33, v33  }
0x192: {  	[tilespmem:s9+$0x14040] =	vst v17;
	v57 =	vld [tilespmem:s9+$0x40A0];
	v58, _, _ =	vpop (xrf1);
	v33 =	vsel vm0, v3, v44;
	(xrf1) =	vsort.ascd.msk.u32 $0xffff, v52, v52;
	v3 =	vmov s23  }
0x193: {  	v29 =	vmov v28;
	v52 =	vld [tilespmem:s9+$0x4000];
	[tilespmem:s9+$0x14050] =	vst v17;
	(xrf1) =	vsort.ascd.msk.u32 $0xffff, v40, v40;
	v36, _, _ =	vpop (xrf1);
	v40 =	vshll.u32 v3, $0x7  }
0x194: {  	v28 =	vmov v47;
	v59 =	vld [tilespmem:s9+$0x4030];
	[tilespmem:s9+$0x14080] =	vst v17;
	v36 =	vxor.u32 $0xFFFFFFFF, v36;
	v44, _, _ =	vpop (xrf1);
	(xrf1) =	vsort.ascd.msk.u32 $0xffff, v33, v33  }
0x195: {  	v42 =	vxor.u32 $0xFFFFFFFF, v42;
	[tilespmem:s9+$0x14000] =	vst v17;
	v34 =	vand.u32 $0xFFFFFF80, v34;
	v60 =	vld [tilespmem:s9+$0x40E0];
	(xrf1) =	vsort.ascd.msk.u32 $0xffff, v45, v45;
	v33, _, _ =	vpop (xrf1)  }
0x196: {  	v42 =	vsel vm0, v37, v42;
	v45 =	vld [tilespmem:s9+$0x4070];
	v61 =	vxor.u32 v10, v34;
	v34 =	vand.u32 $0xFFFFFF80, v38;
	(xrf1) =	vsort.ascd.msk.u32 $0xffff, v46, v46;
	v50, _, _ =	vpop (xrf1)  }
0x197: {  	v46 =	vld [tilespmem:s9+$0x4010];
	v62 =	vxor.u32 v12, v34;
	v34 =	vxor.u32 $0xFFFFFFFF, v58;
	v47, _, _ =	vpop (xrf1);
	(xrf1) =	vsort.ascd.msk.u32 $0xffff, v51, v51;
	[tilespmem:s22+$0x140C0] =	vst v17  }
0x198: {  	v3 =	vand.u32 $0xFFFFFF80, v55;
	v55 =	vand.u32 $0xFFFFFF80, v57;
	v51 =	vld [tilespmem:s9+$0x4060];
	v57, _, _ =	vpop (xrf1);
	(xrf1) =	vsort.ascd.msk.u32 $0xffff, v41, v41;
	[tilespmem:s22+$0x140B0] =	vst v17  }
0x199: {  	v58 =	vor.u32 v0, v3;
	v6 =	vand.u32 $0xFFFFFF80, v59;
	v59 =	vld [tilespmem:s9+$0x40C0];
	(xrf1) =	vsort.ascd.msk.u32 $0xffff, v43, v43;
	v37, _, _ =	vpop (xrf1);
	[tilespmem:s22+$0x140A0] =	vst v17  }
0x19a: {  	v63 =	vxor.u32 v12, v6;
	v43 =	vld [tilespmem:s9+$0x4040];
	v3 =	vand.u32 $0xFFFFFF80, v60;
	(xrf1) =	vsort.ascd.msk.u32 $0xffff, v48, v48;
	[tilespmem:s22+$0x14070] =	vst v17;
	v41, _, _ =	vpop (xrf1)  }
0x19b: {  	v48 =	vld [tilespmem:s9+$0x4020];
	v60 =	vor.u32 v15, v3;
	(xrf1) =	vsort.ascd.msk.u32 $0xffff, v49, v49;
	v38, _, _ =	vpop (xrf1);
	[tilespmem:s22+$0x14060] =	vst v17;
	v41 =	vand.u32 $0x7F, v41  }
0x19c: {  	v37 =	vsel vm0, v36, v37;
	v49 =	vld [tilespmem:s9+$0x40D0];
	(xrf1) =	vsort.ascd.msk.u32 $0xffff, v39, v39;
	v36, _, _ =	vpop (xrf1);
	v38 =	vxor.u32 $0xFFFFFFFF, v38;
	v39 =	vsel vm1, s23, v41;
	s23 =	smov.u32 s10;
	s10 =	smov.u32 s6;
	s6 =	smov.u32 s0  }
0x19d: {  	v45 =	vand.u32 $0xFFFFFF80, v45;
	v41 =	vand.u32 $0xFFFFFF80, v46;
	s0 =	smov.u32 s8;
	v46 =	vld [tilespmem:s9+$0x40F0];
	(xrf1) =	vsort.ascd.msk.u32 $0xffff, v61, v61;
	v61, _, _ =	vpop (xrf1);
	v39 =	vadd.s32 v40, v39  }
0x19e: {  	v3 =	vxor.u32 v10, v41;
	v41 =	vxor.u32 v16, v45;
	v40 =	vxor.u32 $0xFFFFFFFF, v54;
	(xrf1) =	vsort.ascd.msk.u32 $0xffff, v58, v58;
	v58, _, _ =	vpop (xrf1)  }
0x19f: {  	v40 =	vsel vm0, v53, v40;
	v45 =	vand.u32 $0xFFFFFF80, v43;
	v43 =	vand.u32 $0xFFFFFF80, v59;
	(xrf1) =	vsort.ascd.msk.u32 $0xffff, v42, v42;
	v42, _, _ =	vpop (xrf1)  }
0x1a0: {  	v51 =	vand.u32 $0xFFFFFF80, v51;
	v53 =	vor.u32 v13, v43;
	(xrf1) =	vsort.ascd.msk.u32 $0xffff, v40, v40;
	v54, _, _ =	vpop (xrf1);
	v42 =	vand.u32 $0x7F, v42  }
0x1a1: {  	v40 =	vor.u32 v15, v51;
	v59 =	vld [tilespmem:s9+$0x4050];
	v51 =	vand.u32 $0xFFFFFF80, v49;
	v49, _, _ =	vpop (xrf1);
	(xrf1) =	vsort.ascd.msk.u32 $0xffff, v35, v35;
	v35 =	vsel vm1, s30, v42;
	s30 =	smov.u32 s29;
	s29 =	smov.u32 s28;
	s28 =	smov.u32 s31  }
0x1a2: {  	v43 =	vand.u32 $0xFFFFFF80, v48;
	s31 =	smov.u32 s1;
	v6 =	vand.u32 $0xFFFFFF80, v46;
	(xrf1) =	vsort.ascd.msk.u32 $0xffff, v3, v3;
	v3, _, _ =	vpop (xrf1);
	v46 =	vadd.s32 v56, v35  }
0x1a3: {  	v35 =	vxor.u32 $0xFFFFFFFF, v49;
	v48 =	vxor.u32 v16, v6;
	(xrf1) =	vsort.ascd.msk.u32 $0xffff, v60, v60;
	v42, _, _ =	vpop (xrf1);
	v3 =	vxor.u32 $0xFFFFFFFF, v3  }
0x1a4: {  	v52 =	vand.u32 $0xFFFFFF80, v52;
	(xrf1) =	vsort.ascd.msk.u32 $0xffff, v53, v53;
	v49, _, _ =	vpop (xrf1);
	v3 =	vsel vm0, v54, v3;
	[tilespmem:v39+s14+$0x0] =	vst.idx.msk $0x1ff, v18  }
0x1a5: {  	v51 =	vxor.u32 v14, v51;
	v39 =	vor.u32 v13, v45;
	v53 =	vxor.u32 $0xFFFFFFFF, v42;
	(xrf1) =	vsort.ascd.msk.u32 $0xffff, v62, v62;
	v54, _, _ =	vpop (xrf1)  }
0x1a6: {  	v35 =	vsel vm0, v35, v61;
	v45 =	vand.u32 $0xFFFFFF80, v59;
	(xrf1) =	vsort.ascd.msk.u32 $0xffff, v39, v39;
	v42, _, _ =	vpop (xrf1);
	[tilespmem:s22+$0x14090] =	vst v17;
	s22 =	smov.u32 s24;
	s24 =	smov.u32 s25;
	s25 =	smov.u32 s26  }
.Ltmp3:
0x1a7: {  	v59 =	vxor.u32 $0xFFFFFFFF, v54;
	s26 =	smov.u32 s9;
	v45 =	vxor.u32 v14, v45;
	(xrf1) =	vsort.ascd.msk.u32 $0xffff, v63, v63;
	v56, _, _ =	vpop (xrf1);
	[tilespmem:v46+s14+$0x0] =	vst.idx.msk $0x1ff, v18;
	(pc) =	sbr.rel @p0 .LBB2_5-.Ltmp3, $4  }
0x1a8: {  	v39 =	vor.u32 v11, v55;
	v46 =	vor.u32 v0, v52;
	(xrf1) =	vsort.ascd.msk.u32 $0xffff, v51, v51;
	v51 =	vxor.u32 $0xFFFFFFFF, v56;
	v52, _, _ =	vpop (xrf1)  }
0x1a9: {  	v54 =	vsel vm0, v50, v53;
	(xrf1) =	vsort.ascd.msk.u32 $0xffff, v48, v48;
	v48 =	vxor.u32 $0xFFFFFFFF, v57;
	v6 =	vxor.u32 $0xFFFFFFFF, v52;
	v52, _, _ =	vpop (xrf1)  }
0x1aa: {  	v53, _, _ =	vpop (xrf1);
	v52 =	vsel vm0, v52, v59;
	v55 =	vsel vm0, v6, v58;
	[tilespmem:s22+$0x14030] =	vst v17;
	(xrf1) =	vsort.ascd.msk.u32 $0xffff, v3, v3  }
0x1ab: {  	s5 =	sadd.s32 $0x400, s5;
	s18 =	smov.u32 s12;
	v51 =	vsel vm0, v51, v47;
	v48 =	vsel vm0, v44, v48;
	v50, _, _ =	vpop (xrf1);
	(xrf1) =	vsort.ascd.msk.u32 $0xffff, v55, v55;
	[tilespmem:s22+$0x14020] =	vst v17  }
0x1ac: {  	v3, _, _ =	vpop (xrf1);
	(xrf1) =	vsort.ascd.msk.u32 $0xffff, v54, v54  }
0x1ad: {  	v44, _, _ =	vpop (xrf1);
	(xrf1) =	vsort.ascd.msk.u32 $0xffff, v41, v41  }
0x1ae: {  	v63, _, _ =	vpop (xrf1);
	(xrf1) =	vsort.ascd.msk.u32 $0xffff, v37, v37;
	v54 =	vsel vm0, v44, v38  }
0x1af: {  	v55, _, _ =	vpop (xrf1);
	(xrf1) =	vsort.ascd.msk.u32 $0xffff, v54, v54  }
0x1b0: {  	v36 =	vxor.u32 $0xFFFFFFFF, v36;
	v37, _, _ =	vpop (xrf1);
	(xrf1) =	vsort.ascd.msk.u32 $0xffff, v52, v52  }
0x1b1: {  	[tilespmem:s22+$0x14010] =	vst v17;
	v36 =	vsel vm0, v36, v55;
	(xrf1) =	vsort.ascd.msk.u32 $0xffff, v40, v40;
	v38, _, _ =	vpop (xrf1)  }
0x1b2: {  	v40, _, _ =	vpop (xrf1)  }
0x1b3: {  	(xrf1) =	vsort.ascd.msk.u32 $0xffff, v36, v36  }
0x1b4: {  	v56 =	vxor.u32 $0xFFFFFFFF, v53;
	v36, _, _ =	vpop (xrf1);
	(xrf1) =	vsort.ascd.msk.u32 $0xffff, v45, v45  }
0x1b5: {  	v33 =	vsel vm0, v56, v33;
	v57, _, _ =	vpop (xrf1);
	(xrf1) =	vsort.ascd.msk.u32 $0xffff, v46, v46  }
0x1b6: {  	v43 =	vor.u32 v11, v43;
	v44, _, _ =	vpop (xrf1);
	(xrf1) =	vsort.ascd.msk.u32 $0xffff, v51, v51  }
0x1b7: {  	v46, _, _ =	vpop (xrf1);
	(xrf1) =	vsort.ascd.msk.u32 $0xffff, v33, v33  }
0x1b8: {  	v34 =	vsel vm0, v49, v34;
	v33, _, _ =	vpop (xrf1);
	(xrf1) =	vsort.ascd.msk.u32 $0xffff, v43, v43  }
0x1b9: {  	v43, _, _ =	vpop (xrf1);
	(xrf1) =	vsort.ascd.msk.u32 $0xffff, v48, v48  }
0x1ba: {  	v47, _, _ =	vpop (xrf1)  }
0x1bb: {  	v42 =	vxor.u32 $0xFFFFFFFF, v42;
	v31 =	vxor.u32 $0xFFFFFFFF, v31;
	(xrf1) =	vsort.ascd.msk.u32 $0xffff, v34, v34;
	v34, _, _ =	vpop (xrf1)  }
0x1bc: {  	v31 =	vsel vm0, v32, v31;
	v41 =	vsel vm0, v63, v42;
	(xrf1) =	vsort.ascd.msk.u32 $0xffff, v39, v39;
	v39, _, _ =	vpop (xrf1)  }
0x1bd: {  	v58, _, _ =	vpop (xrf1);
	(xrf1) =	vsort.ascd.msk.u32 $0xffff, v41, v41  }
0x1be: {  	v32, _, _ =	vpop (xrf1);
	(xrf1) =	vsort.ascd.msk.u32 $0xffff, v31, v31  }
0x1bf: {  	v31, _, _ =	vpop (xrf1);
	(xrf1) =	vsort.ascd.msk.u32 $0xffff, v35, v35  }
0x1c0: {  	v35, _, _ =	vpop (xrf1)  }
0x1c1: {  	v59, _, _ =	vpop (xrf1)  }
0x1c2: {  	v60, _, _ =	vpop (xrf1)  }
0x1c3: {  	v49, _, _ =	vpop (xrf1)  }
0x1c4: {  	v51, _, _ =	vpop (xrf1)  }
0x1c5: {  	v52, _, _ =	vpop (xrf1)  }
0x1c6: {  	v41 =	vxor.u32 $0xFFFFFFFF, v59;
	v53, _, _ =	vpop (xrf1)  }
0x1c7: {  	v31 =	vsel vm0, v31, v41;
	v61, _, _ =	vpop (xrf1)  }
0x1c8: {  	(xrf1) =	vsort.ascd.msk.u32 $0xffff, v31, v31;
	v31 =	vxor.u32 $0xFFFFFFFF, v38;
	v62 =	vxor.u32 $0xFFFFFFFF, v61  }
0x1c9: {  	v48 =	vxor.u32 $0xFFFFFFFF, v60;
	v31 =	vsel vm0, v31, v33;
	v63, _, _ =	vpop (xrf1);
	v41 =	vsel vm0, v62, v58  }
0x1ca: {  	v56 =	vsel vm0, v57, v48;
	v57, _, _ =	vpop (xrf1);
	(xrf1) =	vsort.ascd.msk.u32 $0xffff, v41, v41  }
0x1cb: {  	v58 =	vxor.u32 $0xFFFFFFFF, v47;
	v59, _, _ =	vpop (xrf1);
	(xrf1) =	vsort.ascd.msk.u32 $0xffff, v56, v56  }
0x1cc: {  	v60 =	vxor.u32 $0xFFFFFFFF, v51;
	v33 =	vsel vm0, v59, v58;
	(xrf1) =	vsort.ascd.msk.u32 $0xffff, v31, v31;
	v31, _, _ =	vpop (xrf1)  }
0x1cd: {  	v34 =	vxor.u32 $0xFFFFFFFF, v34;
	v61 =	vsel vm0, v63, v60;
	v62, _, _ =	vpop (xrf1);
	(xrf1) =	vsort.ascd.msk.u32 $0xffff, v33, v33  }
0x1ce: {  	v63 =	vxor.u32 $0xFFFFFFFF, v53;
	v34 =	vsel vm0, v34, v62;
	(xrf1) =	vsort.ascd.msk.u32 $0xffff, v61, v61  }
0x1cf: {  	v45 =	vxor.u32 $0xFFFFFFFF, v57;
	v33 =	vsel vm0, v63, v44;
	(xrf1) =	vsort.ascd.msk.u32 $0xffff, v34, v34  }
0x1d0: {  	v47 =	vxor.u32 $0xFFFFFFFF, v46;
	v36 =	vsel vm0, v45, v36;
	(xrf1) =	vsort.ascd.msk.u32 $0xffff, v33, v33  }
0x1d1: {  	v48 =	vxor.u32 $0xFFFFFFFF, v37;
	v34 =	vsel vm0, v40, v47;
	(xrf1) =	vsort.ascd.msk.u32 $0xffff, v36, v36  }
0x1d2: {  	v51 =	vxor.u32 $0xFFFFFFFF, v52;
	v33 =	vsel vm0, v49, v48;
	(xrf1) =	vsort.ascd.msk.u32 $0xffff, v34, v34  }
0x1d3: {  	v52 =	vxor.u32 $0xFFFFFFFF, v50;
	v31 =	vsel vm0, v31, v51;
	(xrf1) =	vsort.ascd.msk.u32 $0xffff, v33, v33  }
0x1d4: {  	v3 =	vsel vm0, v3, v52;
	v53 =	vxor.u32 $0xFFFFFFFF, v35;
	(xrf1) =	vsort.ascd.msk.u32 $0xffff, v31, v31  }
0x1d5: {  	v31 =	vsel vm0, v53, v39;
	(xrf1) =	vsort.ascd.msk.u32 $0xffff, v3, v3  }
0x1d6: {  	(xrf1) =	vsort.ascd.msk.u32 $0xffff, v31, v31  }
0x1d7: {  	v3, _, _ =	vpop (xrf1)  }
0x1d8: {  	v31, _, _ =	vpop (xrf1)  }
0x1d9: {  	v54, _, _ =	vpop (xrf1)  }
0x1da: {  	v55, _, _ =	vpop (xrf1)  }
0x1db: {  	v56, _, _ =	vpop (xrf1)  }
0x1dc: {  	v57, _, _ =	vpop (xrf1)  }
0x1dd: {  	v58, _, _ =	vpop (xrf1)  }
0x1de: {  	v59, _, _ =	vpop (xrf1)  }
0x1df: {  	v60, _, _ =	vpop (xrf1)  }
0x1e0: {  	v37 =	vxor.u32 $0xFFFFFFFF, v58;
	v61, _, _ =	vpop (xrf1)  }
0x1e1: {  	v36 =	vsel vm0, v57, v37;
	v62 =	vxor.u32 $0xFFFFFFFF, v61;
	v63, _, _ =	vpop (xrf1)  }
0x1e2: {  	v31 =	vxor.u32 $0xFFFFFFFF, v31;
	(xrf1) =	vsort.ascd.msk.u32 $0xffff, v36, v36;
	v34 =	vsel vm0, v62, v55;
	v44, _, _ =	vpop (xrf1)  }
0x1e3: {  	v45 =	vxor.u32 $0xFFFFFFFF, v59;
	(xrf1) =	vsort.ascd.msk.u32 $0xffff, v34, v34;
	v46, _, _ =	vpop (xrf1);
	v31 =	vsel vm0, v44, v31  }
0x1e4: {  	v33 =	vxor.u32 $0xFFFFFFFF, v54;
	v47 =	vsel vm0, v63, v45;
	v48, _, _ =	vpop (xrf1);
	(xrf1) =	vsort.ascd.msk.u32 $0xffff, v31, v31  }
0x1e5: {  	v33 =	vsel vm0, v33, v48;
	(xrf1) =	vsort.ascd.msk.u32 $0xffff, v47, v47  }
0x1e6: {  	v32 =	vand.u32 $0x7F, v32;
	(xrf1) =	vsort.ascd.msk.u32 $0xffff, v33, v33  }
0x1e7: {  	v29 =	vshll.u32 v29, $0x7;
	v32 =	vsel vm1, s30, v32  }
0x1e8: {  	v29 =	vadd.s32 v29, v32  }
0x1e9: {  	[tilespmem:s22+$0x140C0] =	vst v17;
	v49 =	vand.u32 $0x7F, v43;
	v51 =	vxor.u32 $0xFFFFFFFF, v60;
	v31 =	vmov s23  }
0x1ea: {  	[tilespmem:s22+$0x140B0] =	vst v17;
	v50 =	vsel vm1, s23, v49;
	v31 =	vshll.u32 v31, $0x7;
	v33 =	vsel vm0, v46, v51  }
0x1eb: {  	[tilespmem:s22+$0x140A0] =	vst v17;
	v31 =	vadd.s32 v31, v50;
	(xrf1) =	vsort.ascd.msk.u32 $0xffff, v33, v33  }
0x1ec: {  	[tilespmem:s22+$0x14070] =	vst v17  }
0x1ed: {  	[tilespmem:s22+$0x14090] =	vst v17  }
0x1ee: {  	[tilespmem:v29+s14+$0x0] =	vst.idx.msk $0x1ff, v18;
	v29 =	vmov s10;
	v3 =	vand.u32 $0x7F, v3  }
0x1ef: {  	[tilespmem:s22+$0x14060] =	vst v17;
	v29 =	vshll.u32 v29, $0x7;
	v3 =	vsel vm1, s10, v3  }
0x1f0: {  	v3 =	vadd.s32 v29, v3;
	v29 =	vand.u32 $0x7F, v56;
	[tilespmem:v31+s14+$0x0] =	vst.idx.msk $0x1ff, v18;
	v31, _, _ =	vpop (xrf1)  }
0x1f1: {  	[tilespmem:s24+$0x14030] =	vst v17;
	v29 =	vsel vm1, s29, v29;
	v52, _, _ =	vpop (xrf1)  }
0x1f2: {  	[tilespmem:s24+$0x14020] =	vst v17;
	v53, _, _ =	vpop (xrf1)  }
0x1f3: {  	v28 =	vshll.u32 v28, $0x7;
	[tilespmem:s24+$0x14010] =	vst v17;
	v54, _, _ =	vpop (xrf1)  }
0x1f4: {  	[tilespmem:s24+$0x140C0] =	vst v17;
	v28 =	vadd.s32 v28, v29;
	v29, _, _ =	vpop (xrf1)  }
0x1f5: {  	[tilespmem:s24+$0x140B0] =	vst v17;
	v29 =	vxor.u32 $0xFFFFFFFF, v29  }
0x1f6: {  	[tilespmem:s24+$0x140A0] =	vst v17;
	v29 =	vsel vm0, v54, v29  }
0x1f7: {  	[tilespmem:s24+$0x14070] =	vst v17  }
0x1f8: {  	[tilespmem:s24+$0x14060] =	vst v17  }
0x1f9: {  	[tilespmem:v3+s14+$0x0] =	vst.idx.msk $0x1ff, v18;
	v3 =	vxor.u32 $0xFFFFFFFF, v52;
	(xrf1) =	vsort.ascd.msk.u32 $0xffff, v29, v29;
	v29, _, _ =	vpop (xrf1)  }
0x1fa: {  	[tilespmem:s24+$0x14090] =	vst v17;
	v3 =	vsel vm0, v29, v3  }
0x1fb: {  	[tilespmem:s25+$0x14030] =	vst v17;
	(xrf1) =	vsort.ascd.msk.u32 $0xffff, v3, v3  }
0x1fc: {  	[tilespmem:s25+$0x14020] =	vst v17  }
0x1fd: {  	[tilespmem:s25+$0x14010] =	vst v17  }
0x1fe: {  	[tilespmem:s25+$0x140C0] =	vst v17  }
0x1ff: {  	[tilespmem:v28+s14+$0x0] =	vst.idx.msk $0x1ff, v18;
	v28 =	vand.u32 $0x7F, v31;
	v3 =	vmov s6  }
0x200: {  	[tilespmem:s25+$0x140B0] =	vst v17;
	v28 =	vsel vm1, s6, v28;
	v3 =	vshll.u32 v3, $0x7  }
0x201: {  	[tilespmem:s25+$0x140A0] =	vst v17;
	v3 =	vadd.s32 v3, v28;
	v28 =	vand.u32 $0x7F, v53  }
0x202: {  	v27 =	vshll.u32 v27, $0x7;
	[tilespmem:s25+$0x14070] =	vst v17;
	v28 =	vsel vm1, s28, v28  }
0x203: {  	[tilespmem:s25+$0x14060] =	vst v17;
	v27 =	vadd.s32 v27, v28  }
0x204: {  	[tilespmem:s25+$0x14090] =	vst v17  }
0x205: {  	[tilespmem:s26+$0x14030] =	vst v17  }
0x206: {  	[tilespmem:s26+$0x14020] =	vst v17  }
0x207: {  	[tilespmem:v3+s14+$0x0] =	vst.idx.msk $0x1ff, v18;
	v3, _, _ =	vpop (xrf1)  }
0x208: {  	[tilespmem:v27+s14+$0x0] =	vst.idx.msk $0x1ff, v18;
	v27 =	vmov s0;
	v3 =	vand.u32 $0x7F, v3  }
0x209: {  	[tilespmem:s26+$0x14010] =	vst v17;
	v27 =	vshll.u32 v27, $0x7;
	v3 =	vsel vm1, s0, v3;
	v28, _, _ =	vpop (xrf1)  }
0x20a: {  	[tilespmem:s26+$0x140C0] =	vst v17;
	v3 =	vadd.s32 v27, v3;
	v27 =	vand.u32 $0x7F, v28  }
0x20b: {  	[tilespmem:s26+$0x140B0] =	vst v17;
	v28 =	vshll.u32 v30, $0x7;
	v27 =	vsel vm1, s31, v27  }
0x20c: {  	[tilespmem:s26+$0x140A0] =	vst v17;
	v27 =	vadd.s32 v28, v27  }
0x20d: {  	[tilespmem:s26+$0x14070] =	vst v17  }
0x20e: {  	s2 =	sadd.s32 s7, s2;
	[tilespmem:s26+$0x14060] =	vst v17  }
0x20f: {  	[tilespmem:s26+$0x14090] =	vst v17;
	s0 =	sshll.u32 s2, $0xB  }
0x210: {  	s0 =	sand.u32 $0x1FFFE800, s0;
	[tilespmem:v3+s14+$0x0] =	vst.idx.msk $0x1ff, v18  }
0x211: {  	s0 =	sadd.s32 s3, s0;
	[tilespmem:v27+s14+$0x0] =	vst.idx.msk $0x1ff, v18  }
0x212: {  	[hbm4b:s0+s4] =	stream.linear.scatter [tilespmem:s14], [sflag:$0x4], $0x4000, $0x38;
	[tilespmem:$0x18000] =	vst v63  }
0x213: {  	p0 =	seq.s32 s19, $0x7;
	s0 =	rddreg [dreg:$0x5]  }
0x214: {  	s0 =	sadd.s32 @!p0 s20, s0  }
0x215: {  	s0 =	sshll.u32 @!p0 s0, $0xC  }
0x216: {  	s1 =	rddreg [dreg:$0x0];
	s0 =	sand.u32 @!p0 $0x1FFFE000, s0  }
0x217: {  	s0 =	sadd.s32 @!p0 s1, s0;
	s1 =	simm.s32 @!p0 $0x0  }
0x218: {  	[tilespmem:s1], [sflag:$0x1] =	stream.linear.gather @!p0 [hbm4b:s0+s1], $0x8000, $0x38;
	[tilespmem:$0x18000] =	vst v63  }
0x219: {  	_ =	swait.ge [sflag:s15], $0x8000  }
0x21a: {  	[sflag:s15] =	ssyncset.done $0x0  }
0x21b: {  	[sflag:s15] =	ssyncadd.s32 $0xFFFF8000  }
0x21c: {  	_ =	swait.ge [sflag:s16], $0x4000  }
0x21d: {  	v3 =	vld [tilespmem:$0x1FFD0];
	_ =	sdelay $0x2  }
0x21e: {  	[sflag:s16] =	ssyncset.done $0x0  }
0x21f: {  	[sflag:s16] =	ssyncadd.s32 $0xFFFFC000  }
0x220: {  	[tilespmem:v1+s11+$0x0] =	vst.idx.msk $0xffff, v2  }
0x221: {  	[tilespmem:v4+s11+$0x0] =	vst.idx.msk $0xffff, v2  }
0x222: {  	[tilespmem:v5+s11+$0x0] =	vst.idx.msk $0xffff, v2  }
0x223: {  	[tilespmem:v3+s11+$0x0] =	vst.idx.msk $0xffff, v2;
	v3 =	vld [tilespmem:$0x1FFE0];
	_ =	sdelay $0x7  }
0x224: {  	[tilespmem:v3+s11+$0x0] =	vst.idx.msk $0xffff, v2;
	v3 =	vld [tilespmem:$0x1FFF0];
	_ =	sdelay $0x7  }
0x225: {  	[tilespmem:v3+s11+$0x0] =	vst.idx.msk $0xffff, v2  }
0x226: {  	[tilespmem:v8+s11+$0x0] =	vst.idx.msk $0xffff, v2  }
0x227: {  	s5 =	simm.s32 $0x8080;
	[tilespmem:v9+s11+$0x0] =	vst.idx.msk $0xffff, v2  }
0x228: {  	v3 =	vld [tilespmem:s5+$0xFFFFFF80]  }
0x229: {  	v27 =	vld [tilespmem:s5+$0x50]  }
0x22a: {  	v28 =	vld [tilespmem:s5+$0xFFFFFFB0]  }
0x22b: {  	v29 =	vld [tilespmem:s5+$0xFFFFFFD0]  }
0x22c: {  	v30 =	vld [tilespmem:s5+$0xFFFFFF90]  }
0x22d: {  	v31 =	vld [tilespmem:s5+$0x30]  }
0x22e: {  	v55 =	vld [tilespmem:s5+$0xFFFFFFE0];
	v3 =	vand.u32 $0xFFFFFF80, v3  }
0x22f: {  	v56 =	vld [tilespmem:s5+$0xFFFFFFF0];
	v27 =	vand.u32 $0xFFFFFF80, v27;
	v3 =	vor.u32 v0, v3  }
0x230: {  	v57 =	vld [tilespmem:s5+$0x70];
	v28 =	vand.u32 $0xFFFFFF80, v28;
	v27 =	vxor.u32 v14, v27;
	(xrf1) =	vsort.ascd.msk.u32 $0xffff, v3, v3  }
0x231: {  	v3 =	vxor.u32 v12, v28;
	v28 =	vand.u32 $0xFFFFFF80, v29;
	(xrf1) =	vsort.ascd.msk.u32 $0xffff, v27, v27;
	v27 =	vld [tilespmem:s5+$0x40]  }
0x232: {  	v30 =	vand.u32 $0xFFFFFF80, v30;
	v29 =	vld [tilespmem:s5+$0x0];
	v28 =	vxor.u32 v14, v28;
	(xrf1) =	vsort.ascd.msk.u32 $0xffff, v3, v3  }
0x233: {  	v31 =	vand.u32 $0xFFFFFF80, v31;
	v30 =	vxor.u32 v10, v30;
	v3 =	vld [tilespmem:s5+$0x10];
	(xrf1) =	vsort.ascd.msk.u32 $0xffff, v28, v28  }
0x234: {  	v32 =	vand.u32 $0xFFFFFF80, v55;
	v31 =	vxor.u32 v12, v31;
	v28 =	vld [tilespmem:s5+$0x60];
	(xrf1) =	vsort.ascd.msk.u32 $0xffff, v30, v30  }
0x235: {  	v33 =	vand.u32 $0xFFFFFF80, v56;
	v32 =	vor.u32 v15, v32;
	v30 =	vld [tilespmem:s5+$0xFFFFFFC0];
	(xrf1) =	vsort.ascd.msk.u32 $0xffff, v31, v31  }
0x236: {  	v33 =	vxor.u32 v16, v33;
	v31 =	vld [tilespmem:s5+$0xFFFFFFA0];
	v27 =	vand.u32 $0xFFFFFF80, v27;
	(xrf1) =	vsort.ascd.msk.u32 $0xffff, v32, v32  }
0x237: {  	v29 =	vand.u32 $0xFFFFFF80, v29;
	v27 =	vor.u32 v13, v27;
	(xrf1) =	vsort.ascd.msk.u32 $0xffff, v33, v33  }
0x238: {  	v29 =	vor.u32 v0, v29;
	v3 =	vand.u32 $0xFFFFFF80, v3;
	(xrf1) =	vsort.ascd.msk.u32 $0xffff, v27, v27  }
0x239: {  	s8 =	simm.s32 $0x10080;
	v3 =	vxor.u32 v10, v3;
	v27 =	vand.u32 $0xFFFFFF80, v28;
	(xrf1) =	vsort.ascd.msk.u32 $0xffff, v29, v29  }
0x23a: {  	[tilespmem:s8+$0xFFFFFF80] =	vst v17;
	v27 =	vor.u32 v15, v27;
	v28 =	vand.u32 $0xFFFFFF80, v30;
	(xrf1) =	vsort.ascd.msk.u32 $0xffff, v3, v3  }
0x23b: {  	s6 =	simm.s32 $0x8180;
	v29 =	vand.u32 $0xFFFFFF80, v31;
	v28 =	vor.u32 v13, v28;
	(xrf1) =	vsort.ascd.msk.u32 $0xffff, v27, v27;
	v27 =	vand.u32 $0xFFFFFF80, v57  }
0x23c: {  	[tilespmem:s8+$0xFFFFFF90] =	vst v17;
	v30 =	vld [tilespmem:s6+$0xFFFFFF80];
	v29 =	vor.u32 v11, v29;
	(xrf1) =	vsort.ascd.msk.u32 $0xffff, v28, v28;
	v27 =	vxor.u32 v16, v27  }
0x23d: {  	[tilespmem:s8+$0xFFFFFFC0] =	vst v17;
	v3 =	vld [tilespmem:s5+$0x20];
	(xrf1) =	vsort.ascd.msk.u32 $0xffff, v29, v29  }
0x23e: {  	[tilespmem:s8+$0xFFFFFFB0] =	vst v17;
	v29 =	vld [tilespmem:s6+$0x50];
	v28, _, _ =	vpop (xrf1);
	(xrf1) =	vsort.ascd.msk.u32 $0xffff, v27, v27  }
0x23f: {  	v58 =	vld [tilespmem:s6+$0xFFFFFFB0];
	[tilespmem:s8+$0xFFFFFFF0] =	vst v17;
	v27, _, _ =	vpop (xrf1)  }
0x240: {  	v59 =	vld [tilespmem:s6+$0xFFFFFFD0];
	[tilespmem:s8+$0xFFFFFFD0] =	vst v17;
	v33, _, _ =	vpop (xrf1)  }
0x241: {  	v60 =	vld [tilespmem:s6+$0xFFFFFF90];
	[tilespmem:s8+$0xFFFFFFE0] =	vst v17;
	v30 =	vand.u32 $0xFFFFFF80, v30;
	v35, _, _ =	vpop (xrf1)  }
0x242: {  	v62 =	vld [tilespmem:s6+$0x30];
	[tilespmem:s8+$0xFFFFFFA0] =	vst v17;
	v3 =	vand.u32 $0xFFFFFF80, v3;
	v30 =	vor.u32 v0, v30;
	v61, _, _ =	vpop (xrf1)  }
0x243: {  	v3 =	vor.u32 v11, v3;
	v63 =	vxor.u32 $0xFFFFFFFF, v27;
	(xrf1) =	vsort.ascd.msk.u32 $0xffff, v30, v30;
	v27 =	vand.u32 $0xFFFFFF80, v29;
	v29 =	vld [tilespmem:s6+$0xFFFFFFE0];
	v40, _, _ =	vpop (xrf1)  }
0x244: {  	v32 =	vand.u32 $0xFFFFFF80, v58;
	[tilespmem:s8+$0x40] =	vst v17;
	v30 =	vld [tilespmem:s6+$0xFFFFFFF0];
	(xrf1) =	vsort.ascd.msk.u32 $0xffff, v3, v3;
	v47 =	vxor.u32 v14, v27;
	v41, _, _ =	vpop (xrf1)  }
0x245: {  	v34 =	vand.u32 $0xFFFFFF80, v59;
	v32 =	vxor.u32 v12, v32;
	[tilespmem:s8+$0x20] =	vst v17;
	(xrf1) =	vsort.ascd.msk.u32 $0xffff, v47, v47;
	v43, _, _ =	vpop (xrf1)  }
0x246: {  	v36 =	vand.u32 $0xFFFFFF80, v60;
	v34 =	vxor.u32 v14, v34;
	[tilespmem:s8+$0x30] =	vst v17;
	(xrf1) =	vsort.ascd.msk.u32 $0xffff, v32, v32;
	v49, _, _ =	vpop (xrf1)  }
0x247: {  	v48 =	vld [tilespmem:s6+$0x0];
	v56 =	vand.u32 $0xFFFFFF80, v62;
	v36 =	vxor.u32 v10, v36;
	[tilespmem:s8+$0x10] =	vst v17;
	(xrf1) =	vsort.ascd.msk.u32 $0xffff, v34, v34;
	v57, _, _ =	vpop (xrf1)  }
0x248: {  	v51 =	vld [tilespmem:s6+$0x40];
	[tilespmem:s8+$0x50] =	vst v17;
	v32 =	vxor.u32 v12, v56;
	v29 =	vand.u32 $0xFFFFFF80, v29;
	(xrf1) =	vsort.ascd.msk.u32 $0xffff, v36, v36;
	v50, _, _ =	vpop (xrf1)  }
0x249: {  	v54 =	vld [tilespmem:s6+$0x20];
	[tilespmem:s8+$0x60] =	vst v17;
	v30 =	vand.u32 $0xFFFFFF80, v30;
	v29 =	vor.u32 v15, v29;
	(xrf1) =	vsort.ascd.msk.u32 $0xffff, v32, v32;
	v53, _, _ =	vpop (xrf1)  }
0x24a: {  	[tilespmem:s8+$0x70] =	vst v17;
	v3 =	vld [tilespmem:s6+$0x10];
	v37 =	vxor.u32 $0xFFFFFFFF, v61;
	v30 =	vxor.u32 v16, v30;
	(xrf1) =	vsort.ascd.msk.u32 $0xffff, v29, v29;
	v55, _, _ =	vpop (xrf1)  }
0x24b: {  	s10 =	simm.s32 $0x10180;
	v58 =	vld [tilespmem:s6+$0x60];
	[tilespmem:s8+$0x0] =	vst v17;
	v28 =	vsel vm0, v28, v37;
	(xrf1) =	vsort.ascd.msk.u32 $0xffff, v30, v30;
	v59, _, _ =	vpop (xrf1)  }
0x24c: {  	v62 =	vld [tilespmem:s6+$0x70];
	[tilespmem:s10+$0x40] =	vst v17;
	v30 =	vsel vm0, v49, v63;
	v61 =	vxor.u32 $0xFFFFFFFF, v53;
	(xrf1) =	vsort.ascd.msk.u32 $0xffff, v28, v28;
	v60, _, _ =	vpop (xrf1)  }
0x24d: {  	v45 =	vand.u32 $0xFFFFFF80, v51;
	[tilespmem:s10+$0x20] =	vst v17;
	(xrf1) =	vsort.ascd.msk.u32 $0xffff, v30, v30;
	v39 =	vsel vm0, v61, v60  }
0x24e: {  	[tilespmem:s10+$0x30] =	vst v17;
	v29 =	vand.u32 $0xFFFFFF80, v48;
	v63 =	vor.u32 v13, v45;
	v28 =	vld [tilespmem:s6+$0xFFFFFFC0];
	(xrf1) =	vsort.ascd.msk.u32 $0xffff, v39, v39  }
0x24f: {  	[tilespmem:s10+$0x10] =	vst v17;
	v3 =	vand.u32 $0xFFFFFF80, v3;
	v29 =	vor.u32 v0, v29;
	(xrf1) =	vsort.ascd.msk.u32 $0xffff, v63, v63  }
0x250: {  	v52 =	vld [tilespmem:s6+$0xFFFFFFA0];
	v46 =	vand.u32 $0xFFFFFF80, v58;
	[tilespmem:s10+$0x50] =	vst v17;
	v3 =	vxor.u32 v10, v3;
	(xrf1) =	vsort.ascd.msk.u32 $0xffff, v29, v29  }
0x251: {  	s12 =	simm.s32 $0x8280;
	[tilespmem:s10+$0x60] =	vst v17;
	v29 =	vor.u32 v15, v46;
	(xrf1) =	vsort.ascd.msk.u32 $0xffff, v3, v3  }
0x252: {  	[tilespmem:s10+$0x70] =	vst v17;
	v48 =	vld [tilespmem:s12+$0xFFFFFF80];
	v37 =	vxor.u32 $0xFFFFFFFF, v59;
	v39, _, _ =	vpop (xrf1);
	(xrf1) =	vsort.ascd.msk.u32 $0xffff, v29, v29;
	v29 =	vand.u32 $0xFFFFFF80, v62  }
0x253: {  	[tilespmem:s10+$0x0] =	vst v17;
	v56 =	vld [tilespmem:s12+$0xFFFFFFB0];
	v34 =	vxor.u32 $0xFFFFFFFF, v50;
	v33 =	vsel vm0, v37, v33;
	v28 =	vand.u32 $0xFFFFFF80, v28;
	v49, _, _ =	vpop (xrf1)  }
0x254: {  	v51 =	vld [tilespmem:s12+$0x50];
	v34 =	vsel vm0, v57, v34;
	[tilespmem:s10+$0xFFFFFF80] =	vst v17;
	v28 =	vor.u32 v13, v28;
	v50, _, _ =	vpop (xrf1);
	(xrf1) =	vsort.ascd.msk.u32 $0xffff, v33, v33  }
0x255: {  	v58 =	vld [tilespmem:s12+$0xFFFFFF90];
	[tilespmem:s10+$0xFFFFFF90] =	vst v17;
	v30 =	vand.u32 $0xFFFFFF80, v52;
	v52 =	vxor.u32 v16, v29;
	(xrf1) =	vsort.ascd.msk.u32 $0xffff, v28, v28;
	v29, _, _ =	vpop (xrf1)  }
0x256: {  	v53 =	vld [tilespmem:s12+$0x0];
	[tilespmem:s10+$0xFFFFFFC0] =	vst v17;
	v28 =	vor.u32 v11, v30;
	(xrf1) =	vsort.ascd.msk.u32 $0xffff, v34, v34;
	v44, _, _ =	vpop (xrf1)  }
0x257: {  	v32 =	vand.u32 $0xFFFFFF80, v54;
	[tilespmem:s10+$0xFFFFFFB0] =	vst v17;
	v61 =	vld [tilespmem:s12+$0xFFFFFFD0];
	v42 =	vand.u32 $0xFFFFFF80, v48;
	(xrf1) =	vsort.ascd.msk.u32 $0xffff, v28, v28;
	v45, _, _ =	vpop (xrf1)  }
0x258: {  	v54 =	vand.u32 $0xFFFFFF80, v56;
	[tilespmem:s10+$0xFFFFFFF0] =	vst v17;
	v63 =	vld [tilespmem:s12+$0x30];
	v28 =	vor.u32 v0, v42;
	(xrf1) =	vsort.ascd.msk.u32 $0xffff, v52, v52;
	v46, _, _ =	vpop (xrf1)  }
0x259: {  	v60 =	vand.u32 $0xFFFFFF80, v51;
	v3 =	vor.u32 v11, v32;
	v62 =	vld [tilespmem:s12+$0xFFFFFFF0];
	v30 =	vxor.u32 $0xFFFFFFFF, v35;
	(xrf1) =	vsort.ascd.msk.u32 $0xffff, v28, v28;
	v37, _, _ =	vpop (xrf1)  }
0x25a: {  	[tilespmem:s10+$0xFFFFFFD0] =	vst v17;
	v33 =	vxor.u32 v14, v60;
	v30 =	vsel vm0, v55, v30;
	v55 =	vld [tilespmem:s12+$0xFFFFFFE0];
	(xrf1) =	vsort.ascd.msk.u32 $0xffff, v3, v3;
	v47, _, _ =	vpop (xrf1)  }
0x25b: {  	v57 =	vld [tilespmem:s12+$0x10];
	[tilespmem:s10+$0xFFFFFFE0] =	vst v17;
	v32 =	vxor.u32 $0xFFFFFFFF, v49;
	v28 =	vxor.u32 $0xFFFFFFFF, v41;
	(xrf1) =	vsort.ascd.msk.u32 $0xffff, v33, v33;
	v48, _, _ =	vpop (xrf1)  }
0x25c: {  	[tilespmem:s10+$0xFFFFFFA0] =	vst v17;
	v32 =	vsel vm0, v32, v40;
	v60 =	vld [tilespmem:s12+$0x20];
	v3 =	vsel vm0, v28, v43;
	v35, _, _ =	vpop (xrf1);
	(xrf1) =	vsort.ascd.msk.u32 $0xffff, v30, v30  }
0x25d: {  	v36 =	vxor.u32 $0xFFFFFFFF, v50;
	v40 =	vand.u32 $0xFFFFFF80, v58;
	v56 =	vand.u32 $0xFFFFFF80, v63;
	v63 =	vld [tilespmem:s12+$0x60];
	v50, _, _ =	vpop (xrf1);
	(xrf1) =	vsort.ascd.msk.u32 $0xffff, v3, v3  }
0x25e: {  	s18 =	simm.s32 $0x10280;
	v42 =	vand.u32 $0xFFFFFF80, v61;
	v61 =	vand.u32 $0xFFFFFF80, v62;
	v62 =	vld [tilespmem:s12+$0x40];
	v33 =	vxor.u32 v12, v54;
	v59, _, _ =	vpop (xrf1);
	(xrf1) =	vsort.ascd.msk.u32 $0xffff, v32, v32  }
0x25f: {  	v42 =	vxor.u32 v14, v42;
	v49 =	vand.u32 $0xFFFFFF80, v55;
	v55 =	vld [tilespmem:s12+$0x70];
	[tilespmem:s18+$0x40] =	vst v17;
	v51, _, _ =	vpop (xrf1);
	(xrf1) =	vsort.ascd.msk.u32 $0xffff, v33, v33  }
0x260: {  	v40 =	vxor.u32 v10, v40;
	v34 =	vand.u32 $0xFFFFFF80, v57;
	[tilespmem:s18+$0x20] =	vst v17;
	v57, _, _ =	vpop (xrf1);
	(xrf1) =	vsort.ascd.msk.u32 $0xffff, v42, v42  }
0x261: {  	[tilespmem:s18+$0x30] =	vst v17;
	v33 =	vxor.u32 v12, v56;
	v58, _, _ =	vpop (xrf1);
	(xrf1) =	vsort.ascd.msk.u32 $0xffff, v40, v40  }
0x262: {  	[tilespmem:s18+$0x10] =	vst v17;
	v49 =	vor.u32 v15, v49;
	v52, _, _ =	vpop (xrf1);
	(xrf1) =	vsort.ascd.msk.u32 $0xffff, v33, v33  }
0x263: {  	v3 =	vand.u32 $0xFFFFFF80, v53;
	v35 =	vxor.u32 $0xFFFFFFFF, v35;
	v40 =	vxor.u32 v16, v61;
	v53, _, _ =	vpop (xrf1);
	(xrf1) =	vsort.ascd.msk.u32 $0xffff, v49, v49  }
0x264: {  	v45 =	vxor.u32 $0xFFFFFFFF, v45;
	[tilespmem:s18+$0x50] =	vst v17;
	v35 =	vsel vm0, v35, v50;
	v50, _, _ =	vpop (xrf1);
	(xrf1) =	vsort.ascd.msk.u32 $0xffff, v40, v40  }
0x265: {  	v39 =	vsel vm0, v39, v45;
	[tilespmem:s18+$0x60] =	vst v17;
	v30 =	vld [tilespmem:s12+$0xFFFFFFA0];
	v43 =	vxor.u32 $0xFFFFFFFF, v57;
	v57, _, _ =	vpop (xrf1);
	(xrf1) =	vsort.ascd.msk.u32 $0xffff, v35, v35  }
0x266: {  	v32 =	vand.u32 $0xFFFFFF80, v60;
	v59 =	vsel vm0, v59, v36;
	v61 =	vxor.u32 $0xFFFFFFFF, v58;
	v60, _, _ =	vpop (xrf1);
	(xrf1) =	vsort.ascd.msk.u32 $0xffff, v39, v39  }
0x267: {  	[tilespmem:s18+$0x70] =	vst v17;
	v62 =	vand.u32 $0xFFFFFF80, v62;
	v56 =	vld [tilespmem:s12+$0xFFFFFFC0];
	v41, _, _ =	vpop (xrf1);
	v36 =	vsel vm0, v61, v60;
	(xrf1) =	vsort.ascd.msk.u32 $0xffff, v59, v59  }
0x268: {  	v33 =	vand.u32 $0xFFFFFF80, v63;
	v39 =	vor.u32 v11, v32;
	v32 =	vor.u32 v13, v62;
	v63, _, _ =	vpop (xrf1);
	(xrf1) =	vsort.ascd.msk.u32 $0xffff, v36, v36  }
0x269: {  	s25 =	simm.s32 $0x8380;
	v34 =	vxor.u32 v10, v34;
	[tilespmem:s18+$0x0] =	vst v17;
	v3 =	vor.u32 v0, v3;
	v54, _, _ =	vpop (xrf1);
	(xrf1) =	vsort.ascd.msk.u32 $0xffff, v32, v32  }
0x26a: {  	[tilespmem:s18+$0xFFFFFF80] =	vst v17;
	v30 =	vand.u32 $0xFFFFFF80, v30;
	v60 =	vld [tilespmem:s25+$0xFFFFFF80];
	v40, _, _ =	vpop (xrf1);
	(xrf1) =	vsort.ascd.msk.u32 $0xffff, v3, v3;
	v3 =	vxor.u32 $0xFFFFFFFF, v57  }
0x26b: {  	v33 =	vor.u32 v15, v33;
	v45, _, _ =	vpop (xrf1);
	(xrf1) =	vsort.ascd.msk.u32 $0xffff, v34, v34;
	v3 =	vsel vm0, v3, v29;
	v29 =	vxor.u32 $0xFFFFFFFF, v63;
	v63 =	vld [tilespmem:s25+$0x50]  }
0x26c: {  	[tilespmem:s18+$0xFFFFFF90] =	vst v17;
	v58 =	vand.u32 $0xFFFFFF80, v56;
	v59 =	vor.u32 v11, v30;
	v62, _, _ =	vpop (xrf1);
	(xrf1) =	vsort.ascd.msk.u32 $0xffff, v33, v33  }
0x26d: {  	v49 =	vand.u32 $0xFFFFFF80, v55;
	v33 =	vsel vm0, v29, v46;
	v29 =	vor.u32 v13, v58;
	v30, _, _ =	vpop (xrf1);
	(xrf1) =	vsort.ascd.msk.u32 $0xffff, v3, v3  }
0x26e: {  	v55 =	vxor.u32 $0xFFFFFFFF, v37;
	v56 =	vsel vm0, v51, v43;
	v61 =	vxor.u32 $0xFFFFFFFF, v44;
	v44, _, _ =	vpop (xrf1);
	(xrf1) =	vsort.ascd.msk.u32 $0xffff, v29, v29  }
0x26f: {  	[tilespmem:s18+$0xFFFFFFC0] =	vst v17;
	v34 =	vsel vm0, v55, v47;
	v47, _, _ =	vpop (xrf1);
	(xrf1) =	vsort.ascd.msk.u32 $0xffff, v56, v56  }
0x270: {  	v42 =	vld [tilespmem:s25+$0xFFFFFF90];
	v36 =	vxor.u32 v16, v49;
	v49 =	vand.u32 $0xFFFFFF80, v60;
	v51, _, _ =	vpop (xrf1);
	(xrf1) =	vsort.ascd.msk.u32 $0xffff, v59, v59;
	v32 =	vand.u32 $0xFFFFFF80, v63  }
0x271: {  	v57 =	vld [tilespmem:s25+$0xFFFFFFB0];
	v40 =	vxor.u32 $0xFFFFFFFF, v40;
	v49 =	vor.u32 v0, v49;
	v29 =	vxor.u32 $0xFFFFFFFF, v52;
	v52, _, _ =	vpop (xrf1);
	(xrf1) =	vsort.ascd.msk.u32 $0xffff, v36, v36  }
0x272: {  	[tilespmem:s18+$0xFFFFFFB0] =	vst v17;
	v40 =	vsel vm0, v40, v45;
	v45 =	vld [tilespmem:s25+$0xFFFFFFD0];
	v3 =	vsel vm0, v53, v61;
	v53, _, _ =	vpop (xrf1);
	(xrf1) =	vsort.ascd.msk.u32 $0xffff, v49, v49  }
0x273: {  	[tilespmem:s18+$0xFFFFFFF0] =	vst v17;
	v38 =	vxor.u32 $0xFFFFFFFF, v54;
	v54 =	vld [tilespmem:s25+$0xFFFFFFA0];
	v61 =	vxor.u32 v14, v32;
	v32, _, _ =	vpop (xrf1);
	(xrf1) =	vsort.ascd.msk.u32 $0xffff, v39, v39  }
0x274: {  	v6 =	vmov v4;
	s9 =	simm.s32 $0x1;
	[tilespmem:s18+$0xFFFFFFD0] =	vst v17;
	v58 =	vld [tilespmem:s25+$0x10];
	v46, _, _ =	vpop (xrf1);
	(xrf1) =	vsort.ascd.msk.u32 $0xffff, v61, v61  }
0x275: {  	s22 =	simm.s32 $0x3;
	v31 =	vmov s9;
	[tilespmem:s18+$0xFFFFFFE0] =	vst v17;
	v35 =	vxor.u32 $0xFFFFFFFF, v62;
	v59 =	vld [tilespmem:s25+$0x30];
	v63, _, _ =	vpop (xrf1);
	(xrf1) =	vsort.ascd.msk.u32 $0xffff, v40, v40  }
0x276: {  	v27 =	vmov s22;
	[tilespmem:s18+$0xFFFFFFA0] =	vst v17;
	v35 =	vsel vm0, v50, v35;
	v61 =	vld [tilespmem:s25+$0x20];
	v55, _, _ =	vpop (xrf1);
	(xrf1) =	vsort.ascd.msk.u32 $0xffff, v3, v3  }
0x277: {  	v37 =	vsel vm0, v48, v29;
	v62 =	vand.u32 $0xFFFFFF80, v57;
	v45 =	vand.u32 $0xFFFFFF80, v45;
	v40 =	vld [tilespmem:s25+$0xFFFFFFE0];
	v56, _, _ =	vpop (xrf1);
	(xrf1) =	vsort.ascd.msk.u32 $0xffff, v34, v34  }
0x278: {  	v39 =	vxor.u32 v12, v62;
	v62 =	vand.u32 $0xFFFFFF80, v42;
	v42 =	vand.u32 $0xFFFFFF80, v54;
	v54, _, _ =	vpop (xrf1);
	(xrf1) =	vsort.ascd.msk.u32 $0xffff, v37, v37  }
0x279: {  	v60 =	vand.u32 $0xFFFFFF80, v58;
	v49 =	vld [tilespmem:s25+$0xFFFFFFF0];
	v45 =	vxor.u32 v14, v45;
	v50 =	vxor.u32 $0xFFFFFFFF, v63;
	v57, _, _ =	vpop (xrf1);
	(xrf1) =	vsort.ascd.msk.u32 $0xffff, v33, v33  }
0x27a: {  	s29 =	simm.s32 $0x10380;
	v36 =	vand.u32 $0xFFFFFF80, v59;
	v63 =	vxor.u32 $0xFFFFFFFF, v47;
	v47 =	vsel vm0, v50, v55;
	v50 =	vld [tilespmem:s25+$0x70];
	v55, _, _ =	vpop (xrf1);
	(xrf1) =	vsort.ascd.msk.u32 $0xffff, v39, v39  }
0x27b: {  	v36 =	vxor.u32 v12, v36;
	v34 =	vxor.u32 v10, v62;
	v62 =	vld [tilespmem:s25+$0xFFFFFFC0];
	[tilespmem:s29+$0xFFFFFF80] =	vst v17;
	v58, _, _ =	vpop (xrf1);
	(xrf1) =	vsort.ascd.msk.u32 $0xffff, v45, v45  }
0x27c: {  	v48 =	vand.u32 $0xFFFFFF80, v61;
	v61 =	vld [tilespmem:s25+$0x40];
	v33 =	vsel vm0, v41, v63;
	v40 =	vand.u32 $0xFFFFFF80, v40;
	v41, _, _ =	vpop (xrf1);
	(xrf1) =	vsort.ascd.msk.u32 $0xffff, v34, v34  }
0x27d: {  	v43 =	vld [tilespmem:s25+$0x0];
	v3 =	vxor.u32 v10, v60;
	[tilespmem:s29+$0xFFFFFF90] =	vst v17;
	v40 =	vor.u32 v15, v40;
	v39, _, _ =	vpop (xrf1);
	(xrf1) =	vsort.ascd.msk.u32 $0xffff, v36, v36  }
0x27e: {  	v60 =	vand.u32 $0xFFFFFF80, v49;
	[tilespmem:s29+$0xFFFFFFC0] =	vst v17;
	v36 =	vxor.u32 $0xFFFFFFFF, v57;
	v57, _, _ =	vpop (xrf1);
	(xrf1) =	vsort.ascd.msk.u32 $0xffff, v40, v40  }
0x27f: {  	[tilespmem:s29+$0xFFFFFFB0] =	vst v17;
	v63 =	vxor.u32 v16, v60;
	v40 =	vor.u32 v11, v48;
	v48, _, _ =	vpop (xrf1);
	(xrf1) =	vsort.ascd.msk.u32 $0xffff, v35, v35  }
0x280: {  	[tilespmem:s29+$0xFFFFFFF0] =	vst v17;
	v59 =	vand.u32 $0xFFFFFF80, v50;
	v50, _, _ =	vpop (xrf1);
	(xrf1) =	vsort.ascd.msk.u32 $0xffff, v63, v63;
	v63 =	vxor.u32 $0xFFFFFFFF, v55  }
0x281: {  	v37 =	vld [tilespmem:s25+$0x60];
	v49 =	vand.u32 $0xFFFFFF80, v61;
	v61 =	vand.u32 $0xFFFFFF80, v62;
	v62, _, _ =	vpop (xrf1);
	(xrf1) =	vsort.ascd.msk.u32 $0xffff, v47, v47;
	v47 =	vsel vm0, v63, v48  }
0x282: {  	s23 =	simm.s32 $0x5;
	v43 =	vand.u32 $0xFFFFFF80, v43;
	[tilespmem:s29+$0xFFFFFFD0] =	vst v17;
	v60 =	vsel vm0, v56, v38;
	v55, _, _ =	vpop (xrf1);
	(xrf1) =	vsort.ascd.msk.u32 $0xffff, v33, v33  }
0x283: {  	s24 =	simm.s32 $0x7;
	v28 =	vmov s23;
	v43 =	vor.u32 v0, v43;
	[tilespmem:s29+$0xFFFFFFE0] =	vst v17;
	(xrf1) =	vsort.ascd.msk.u32 $0xffff, v60, v60;
	v34, _, _ =	vpop (xrf1)  }
0x284: {  	v29 =	vmov s24;
	[tilespmem:s29+$0xFFFFFFA0] =	vst v17;
	v49 =	vor.u32 v13, v49;
	(xrf1) =	vsort.ascd.msk.u32 $0xffff, v47, v47;
	v47, _, _ =	vpop (xrf1)  }
0x285: {  	v44 =	vxor.u32 $0xFFFFFFFF, v44;
	v42 =	vor.u32 v11, v42;
	[tilespmem:s29+$0x40] =	vst v17;
	(xrf1) =	vsort.ascd.msk.u32 $0xffff, v49, v49;
	v48, _, _ =	vpop (xrf1)  }
0x286: {  	s30 =	simm.s32 $0x8480;
	v32 =	vxor.u32 $0xFFFFFFFF, v32;
	[tilespmem:s29+$0x20] =	vst v17;
	v37 =	vand.u32 $0xFFFFFF80, v37;
	(xrf1) =	vsort.ascd.msk.u32 $0xffff, v43, v43;
	v43, _, _ =	vpop (xrf1)  }
0x287: {  	[tilespmem:s29+$0x30] =	vst v17;
	v37 =	vor.u32 v15, v37;
	v36 =	vsel vm0, v54, v36;
	v63 =	vld [tilespmem:s30+$0xFFFFFF80];
	(xrf1) =	vsort.ascd.msk.u32 $0xffff, v3, v3;
	v3, _, _ =	vpop (xrf1)  }
0x288: {  	[tilespmem:s29+$0x10] =	vst v17;
	v35 =	vxor.u32 v16, v59;
	v59 =	vxor.u32 $0xFFFFFFFF, v57;
	v60 =	vor.u32 v13, v61;
	v61 =	vld [tilespmem:s30+$0x50];
	v38, _, _ =	vpop (xrf1)  }
0x289: {  	v45 =	vxor.u32 $0xFFFFFFFF, v62;
	v33 =	vsel vm0, v59, v30;
	v30 =	vxor.u32 $0xFFFFFFFF, v52;
	(xrf1) =	vsort.ascd.msk.u32 $0xffff, v37, v37;
	v54, _, _ =	vpop (xrf1)  }
0x28a: {  	v45 =	vsel vm0, v45, v51;
	v51 =	vsel vm0, v30, v53;
	v53 =	vxor.u32 $0xFFFFFFFF, v55;
	v37 =	vld [tilespmem:s30+$0xFFFFFFB0];
	(xrf1) =	vsort.ascd.msk.u32 $0xffff, v33, v33;
	v55, _, _ =	vpop (xrf1)  }
0x28b: {  	[tilespmem:s29+$0x50] =	vst v17;
	v41 =	vsel vm0, v41, v44;
	v44 =	vld [tilespmem:s30+$0x0];
	v3 =	vxor.u32 $0xFFFFFFFF, v3;
	(xrf1) =	vsort.ascd.msk.u32 $0xffff, v60, v60;
	v56, _, _ =	vpop (xrf1)  }
0x28c: {  	[tilespmem:s29+$0x60] =	vst v17;
	v34 =	vxor.u32 $0xFFFFFFFF, v34;
	v3 =	vsel vm0, v39, v3;
	v39 =	vld [tilespmem:s30+$0x10];
	(xrf1) =	vsort.ascd.msk.u32 $0xffff, v36, v36;
	v52, _, _ =	vpop (xrf1)  }
0x28d: {  	v57 =	vld [tilespmem:s30+$0xFFFFFFA0];
	v34 =	vsel vm0, v43, v34;
	v60 =	vand.u32 $0xFFFFFF80, v61;
	v61 =	vand.u32 $0xFFFFFF80, v63;
	(xrf1) =	vsort.ascd.msk.u32 $0xffff, v42, v42;
	v63, _, _ =	vpop (xrf1)  }
0x28e: {  	v7 =	vmovc v5;
	[tilespmem:s29+$0x70] =	vst v17;
	v62 =	vxor.u32 $0xFFFFFFFF, v58;
	v43 =	vld [tilespmem:s30+$0x30];
	(xrf1) =	vsort.ascd.msk.u32 $0xffff, v34, v34;
	v34 =	vsel vm0, v63, v32  }
0x28f: {  	v59 =	vshll.u32 v31, $0x7;
	v31 =	vld [tilespmem:s30+$0xFFFFFFD0];
	v46 =	vsel vm0, v46, v62;
	v37 =	vand.u32 $0xFFFFFF80, v37;
	v33, _, _ =	vpop (xrf1);
	(xrf1) =	vsort.ascd.msk.u32 $0xffff, v35, v35  }
0x290: {  	v36 =	vld [tilespmem:s30+$0xFFFFFF90];
	v62 =	vor.u32 v0, v61;
	v49 =	vxor.u32 v14, v60;
	v60 =	vxor.u32 $0xFFFFFFFF, v47;
	v32, _, _ =	vpop (xrf1);
	(xrf1) =	vsort.ascd.msk.u32 $0xffff, v34, v34  }
0x291: {  	s25 =	simm.s32 $0x9;
	[tilespmem:s29+$0x0] =	vst v17;
	v61 =	vand.u32 $0xFFFFFF80, v39;
	v39 =	vsel vm0, v60, v48;
	v48 =	vld [tilespmem:s30+$0x20];
	(xrf1) =	vsort.ascd.msk.u32 $0xffff, v62, v62;
	v34, _, _ =	vpop (xrf1)  }
0x292: {  	v44 =	vand.u32 $0xFFFFFF80, v44;
	v30 =	vmov s25;
	v47 =	vld [tilespmem:s30+$0xFFFFFFF0];
	v58 =	vxor.u32 v12, v37;
	(xrf1) =	vsort.ascd.msk.u32 $0xffff, v40, v40;
	v37, _, _ =	vpop (xrf1)  }
0x293: {  	s31 =	simm.s32 $0x0;
	v57 =	vand.u32 $0xFFFFFF80, v57;
	v42 =	vand.u32 $0xFFFFFF80, v43;
	v63 =	vxor.u32 $0xFFFFFFFF, v55;
	(xrf1) =	vsort.ascd.msk.u32 $0xffff, v49, v49;
	v43, _, _ =	vpop (xrf1)  }
0x294: {  	v31 =	vand.u32 $0xFFFFFF80, v31;
	v35 =	vxor.u32 v10, v61;
	v62 =	vmov s31;
	v40 =	vld [tilespmem:s30+$0xFFFFFFE0];
	(xrf1) =	vsort.ascd.msk.u32 $0xffff, v39, v39;
	v49, _, _ =	vpop (xrf1)  }
0x295: {  	v36 =	vand.u32 $0xFFFFFF80, v36;
	v60 =	vshll.u32 v62, $0x7;
	v61 =	vxor.u32 $0xFFFFFFFF, v37;
	v39 =	vld [tilespmem:s30+$0x60];
	v37, _, _ =	vpop (xrf1);
	(xrf1) =	vsort.ascd.msk.u32 $0xffff, v41, v41  }
0x296: {  	s28 =	simm.s32 $0x10480;
	v55 =	vsel vm0, v61, v43;
	v43 =	vand.u32 $0xFFFFFF80, v48;
	v61 =	vsel vm0, v50, v63;
	v48 =	vld [tilespmem:s30+$0x40];
	v63, _, _ =	vpop (xrf1);
	(xrf1) =	vsort.ascd.msk.u32 $0xffff, v51, v51  }
0x297: {  	v62 =	vxor.u32 v12, v42;
	v41 =	vand.u32 $0xFFFFFF80, v47;
	v47 =	vld [tilespmem:s30+$0x70];
	[tilespmem:s28+$0x40] =	vst v17;
	v50, _, _ =	vpop (xrf1);
	(xrf1) =	vsort.ascd.msk.u32 $0xffff, v46, v46  }
0x298: {  	v36 =	vxor.u32 v10, v36;
	[tilespmem:s28+$0x20] =	vst v17;
	v42 =	vxor.u32 $0xFFFFFFFF, v63;
	v63, _, _ =	vpop (xrf1);
	(xrf1) =	vsort.ascd.msk.u32 $0xffff, v45, v45  }
0x299: {  	[tilespmem:s28+$0x30] =	vst v17;
	v51 =	vld [tilespmem:s30+$0xFFFFFFC0];
	v4 =	vand.u32 $0xFFFFFF80, v40;
	v45 =	vxor.u32 v14, v31;
	(xrf1) =	vsort.ascd.msk.u32 $0xffff, v58, v58;
	v58, _, _ =	vpop (xrf1)  }
0x29a: {  	[tilespmem:s28+$0x10] =	vst v17;
	v53 =	vsel vm0, v49, v53;
	v4 =	vor.u32 v15, v4;
	(xrf1) =	vsort.ascd.msk.u32 $0xffff, v45, v45;
	v40, _, _ =	vpop (xrf1)  }
0x29b: {  	[tilespmem:s28+$0x50] =	vst v17;
	v49 =	vor.u32 v0, v44;
	v41 =	vxor.u32 v16, v41;
	(xrf1) =	vsort.ascd.msk.u32 $0xffff, v36, v36;
	v36, _, _ =	vpop (xrf1)  }
0x29c: {  	v31 =	vor.u32 v11, v43;
	v39 =	vand.u32 $0xFFFFFF80, v39;
	v43 =	vand.u32 $0xFFFFFF80, v47;
	(xrf1) =	vsort.ascd.msk.u32 $0xffff, v62, v62;
	v47, _, _ =	vpop (xrf1)  }
0x29d: {  	[tilespmem:s28+$0xFFFFFF80] =	vst v17;
	v46 =	vor.u32 v15, v39;
	v45 =	vand.u32 $0xFFFFFF80, v48;
	(xrf1) =	vsort.ascd.msk.u32 $0xffff, v4, v4;
	v4, _, _ =	vpop (xrf1)  }
0x29e: {  	v48 =	vor.u32 v11, v57;
	v43 =	vxor.u32 v16, v43;
	v62 =	vand.u32 $0xFFFFFF80, v51;
	(xrf1) =	vsort.ascd.msk.u32 $0xffff, v3, v3;
	v51, _, _ =	vpop (xrf1)  }
0x29f: {  	v5 =	vor.u32 v13, v45;
	v45 =	vxor.u32 $0xFFFFFFFF, v54;
	v39 =	vxor.u32 $0xFFFFFFFF, v36;
	v36, _, _ =	vpop (xrf1);
	(xrf1) =	vsort.ascd.msk.u32 $0xffff, v41, v41  }
0x2a0: {  	v3 =	vand.u32 $0x7F, v47;
	v41 =	vxor.u32 $0xFFFFFFFF, v50;
	v44 =	vand.u32 $0x7F, v51;
	v54, _, _ =	vpop (xrf1);
	(xrf1) =	vsort.ascd.msk.u32 $0xffff, v55, v55  }
0x2a1: {  	v50 =	vsel vm0, v39, v38;
	v3 =	vsel vm1, s31, v3;
	v44 =	vsel vm1, s9, v44;
	v47, _, _ =	vpop (xrf1);
	(xrf1) =	vsort.ascd.msk.u32 $0xffff, v61, v61  }
0x2a2: {  	v4 =	vsel vm0, v41, v4;
	v55 =	vxor.u32 $0xFFFFFFFF, v63;
	v41 =	vadd.s32 v60, v3;
	(xrf1) =	vsort.ascd.msk.u32 $0xffff, v53, v53;
	v53, _, _ =	vpop (xrf1)  }
0x2a3: {  	s26 =	simm.s32 $0x8580;
	s2 =	simm.s32 $0x8;
	s0 =	simm.s32 $0x6;
	v57 =	vxor.u32 $0xFFFFFFFF, v54;
	v39 =	vadd.s32 v59, v44;
	v44 =	vsel vm0, v58, v45;
	(xrf1) =	vsort.ascd.msk.u32 $0xffff, v4, v4;
	v51, _, _ =	vpop (xrf1)  }
0x2a4: {  	s5 =	simm.s32 $0xA;
	s10 =	simm.s32 $0x2;
	s6 =	simm.s32 $0x4;
	v45 =	vxor.u32 $0xFFFFFFFF, v52;
	v54 =	vor.u32 v13, v62;
	v38 =	vsel vm0, v57, v56;
	(xrf1) =	vsort.ascd.msk.u32 $0xffff, v5, v5;
	v52, _, _ =	vpop (xrf1)  }
.LBB2_7:
0x2a5: {  	(xrf1) =	vsort.ascd.msk.u32 $0xffff, v49, v49;
	v4 =	vsel vm0, v45, v33;
	v33, _, _ =	vpop (xrf1)  }
0x2a6: {  	v3 =	vld [tilespmem:s26+$0x50];
	p1 =	slt.u32 s5, $0x7E;
	[tilespmem:s28+$0x60] =	vst v17;
	v5 =	vsel vm0, v34, v55;
	v55 =	vmovc v27;
	v27 =	vmovc v28;
	v28 =	vmov v29;
	v29 =	vmov v30;
	s18 =	smov.u32 s5;
	s5 =	sadd.s32 $0x2, s5  }
0x2a7: {  	v49 =	vxor.u32 $0xFFFFFFFF, v47;
	v34 =	vld [tilespmem:s26+$0xFFFFFF80];
	s9 =	sadd.s32 $0x1, s18;
	[tilespmem:s28+$0x70] =	vst v17;
	(xrf1) =	vsort.ascd.msk.u32 $0xffff, v35, v35;
	v35 =	vsel vm0, v37, v42;
	v37, _, _ =	vpop (xrf1)  }
0x2a8: {  	v30 =	vmov s9;
	v42 =	vld [tilespmem:s26+$0x0];
	v45, _, _ =	vpop (xrf1);
	(xrf1) =	vsort.ascd.msk.u32 $0xffff, v46, v46;
	v37 =	vxor.u32 $0xFFFFFFFF, v37;
	[tilespmem:v39+s13+$0x0] =	vst.idx.msk $0x1ff, v18  }
0x2a9: {  	v46 =	vld [tilespmem:s26+$0xFFFFFFB0];
	[tilespmem:s28+$0xFFFFFF90] =	vst v17;
	v47, _, _ =	vpop (xrf1);
	(xrf1) =	vsort.ascd.msk.u32 $0xffff, v50, v50;
	v50 =	vsel vm0, v40, v37  }
0x2aa: {  	v32 =	vxor.u32 $0xFFFFFFFF, v32;
	v56 =	vxor.u32 $0xFFFFFFFF, v53;
	v37 =	vld [tilespmem:s26+$0x10];
	v40, _, _ =	vpop (xrf1);
	(xrf1) =	vsort.ascd.msk.u32 $0xffff, v54, v54;
	[tilespmem:v41+s13+$0x0] =	vst.idx.msk $0x1ff, v18  }
0x2ab: {  	v57 =	vsel vm0, v33, v56;
	v54 =	vld [tilespmem:s26+$0xFFFFFF90];
	v3 =	vand.u32 $0xFFFFFF80, v3;
	[tilespmem:s28+$0x0] =	vst v17;
	v39, _, _ =	vpop (xrf1);
	(xrf1) =	vsort.ascd.msk.u32 $0xffff, v35, v35  }
0x2ac: {  	v55 =	vshll.u32 v55, $0x7;
	v34 =	vand.u32 $0xFFFFFF80, v34;
	v53 =	vld [tilespmem:s26+$0xFFFFFFF0];
	[tilespmem:s28+$0xFFFFFFC0] =	vst v17;
	(xrf1) =	vsort.ascd.msk.u32 $0xffff, v48, v48;
	v41, _, _ =	vpop (xrf1)  }
0x2ad: {  	v3 =	vxor.u32 v14, v3;
	v34 =	vor.u32 v0, v34;
	v48 =	vld [tilespmem:s26+$0x30];
	[tilespmem:s28+$0xFFFFFFB0] =	vst v17;
	(xrf1) =	vsort.ascd.msk.u32 $0xffff, v57, v57;
	v35, _, _ =	vpop (xrf1)  }
0x2ae: {  	v56 =	vld [tilespmem:s26+$0xFFFFFFA0];
	v46 =	vand.u32 $0xFFFFFF80, v46;
	v33, _, _ =	vpop (xrf1);
	(xrf1) =	vsort.ascd.msk.u32 $0xffff, v43, v43;
	v43 =	vxor.u32 $0xFFFFFFFF, v51;
	v35 =	vsel vm0, v35, v32  }
0x2af: {  	v46 =	vxor.u32 v12, v46;
	v37 =	vand.u32 $0xFFFFFF80, v37;
	v51 =	vld [tilespmem:s26+$0x20];
	v43 =	vsel vm0, v43, v52;
	v32, _, _ =	vpop (xrf1);
	(xrf1) =	vsort.ascd.msk.u32 $0xffff, v35, v35  }
0x2b0: {  	v57 =	vand.u32 $0xFFFFFF80, v42;
	v52 =	vld [tilespmem:s26+$0xFFFFFFD0];
	v35 =	vxor.u32 v10, v37;
	(xrf1) =	vsort.ascd.msk.u32 $0xffff, v34, v34;
	[tilespmem:s28+$0xFFFFFFF0] =	vst v17;
	v34, _, _ =	vpop (xrf1)  }
0x2b1: {  	v40 =	vxor.u32 $0xFFFFFFFF, v40;
	v37 =	vmov s10;
	v58 =	vld [tilespmem:s26+$0x60];
	[tilespmem:s28+$0xFFFFFFD0] =	vst v17;
	(xrf1) =	vsort.ascd.msk.u32 $0xffff, v31, v31;
	v31, _, _ =	vpop (xrf1)  }
0x2b2: {  	v60 =	vshll.u32 v37, $0x7;
	v59 =	vld [tilespmem:s26+$0xFFFFFFC0];
	v42 =	vand.u32 $0xFFFFFF80, v48;
	(xrf1) =	vsort.ascd.msk.u32 $0xffff, v3, v3;
	[tilespmem:s28+$0xFFFFFFE0] =	vst v17;
	v3, _, _ =	vpop (xrf1)  }
0x2b3: {  	v48 =	vand.u32 $0xFFFFFF80, v54;
	v31 =	vxor.u32 $0xFFFFFFFF, v31;
	v54 =	vand.u32 $0xFFFFFF80, v56;
	v56 =	vld [tilespmem:s26+$0xFFFFFFE0];
	v61, _, _ =	vpop (xrf1);
	(xrf1) =	vsort.ascd.msk.u32 $0xffff, v43, v43  }
0x2b4: {  	v43 =	vxor.u32 v12, v42;
	v3 =	vsel vm0, v31, v3;
	v31 =	vand.u32 $0xFFFFFF80, v53;
	v37, _, _ =	vpop (xrf1);
	(xrf1) =	vsort.ascd.msk.u32 $0xffff, v44, v44  }
0x2b5: {  	v53 =	vsel vm0, v36, v40;
	v44 =	vand.u32 $0xFFFFFF80, v51;
	v51 =	vld [tilespmem:s26+$0x70];
	v36, _, _ =	vpop (xrf1);
	(xrf1) =	vsort.ascd.msk.u32 $0xffff, v4, v4;
	v4 =	vxor.u32 v16, v31  }
0x2b6: {  	v31 =	vand.u32 $0xFFFFFF80, v52;
	v62 =	vld [tilespmem:s26+$0x40];
	[tilespmem:s28+$0xFFFFFFA0] =	vst v17;
	v42 =	vxor.u32 $0xFFFFFFFF, v36;
	s28 =	sadd.s32 $0x100, s28;
	v63, _, _ =	vpop (xrf1);
	(xrf1) =	vsort.ascd.msk.u32 $0xffff, v5, v5  }
0x2b7: {  	v5 =	vxor.u32 v10, v48;
	v36 =	vxor.u32 v14, v31;
	[tilespmem:s28+$0x40] =	vst v17;
	v52, _, _ =	vpop (xrf1);
	(xrf1) =	vsort.ascd.msk.u32 $0xffff, v38, v38  }
0x2b8: {  	v31 =	vor.u32 v11, v44;
	v38 =	vand.u32 $0xFFFFFF80, v56;
	[tilespmem:s28+$0x20] =	vst v17;
	(xrf1) =	vsort.ascd.msk.u32 $0xffff, v46, v46;
	v56, _, _ =	vpop (xrf1)  }
0x2b9: {  	v44 =	vand.u32 $0xFFFFFF80, v58;
	[tilespmem:s28+$0x30] =	vst v17;
	(xrf1) =	vsort.ascd.msk.u32 $0xffff, v36, v36;
	v40, _, _ =	vpop (xrf1);
	v38 =	vor.u32 v15, v38  }
0x2ba: {  	v46 =	vor.u32 v15, v44;
	v36 =	vand.u32 $0xFFFFFF80, v51;
	[tilespmem:s28+$0x10] =	vst v17;
	(xrf1) =	vsort.ascd.msk.u32 $0xffff, v5, v5;
	v5, _, _ =	vpop (xrf1)  }
0x2bb: {  	v51 =	vsel vm0, v61, v49;
	v44 =	vand.u32 $0xFFFFFF80, v62;
	(xrf1) =	vsort.ascd.msk.u32 $0xffff, v43, v43;
	v48, _, _ =	vpop (xrf1)  }
0x2bc: {  	v58 =	vand.u32 $0xFFFFFF80, v59;
	v43 =	vxor.u32 v16, v36;
	[tilespmem:s28+$0x50] =	vst v17;
	(xrf1) =	vsort.ascd.msk.u32 $0xffff, v38, v38;
	v38, _, _ =	vpop (xrf1)  }
0x2bd: {  	v49 =	vor.u32 v0, v57;
	v5 =	vxor.u32 $0xFFFFFFFF, v5;
	v57 =	vand.u32 $0x7F, v48;
	(xrf1) =	vsort.ascd.msk.u32 $0xffff, v50, v50;
	v48, _, _ =	vpop (xrf1)  }
0x2be: {  	v59 =	vor.u32 v13, v44;
	v36, _, _ =	vpop (xrf1);
	(xrf1) =	vsort.ascd.msk.u32 $0xffff, v4, v4;
	v4 =	vxor.u32 $0xFFFFFFFF, v63;
	v44 =	vand.u32 $0x7F, v48  }
.Ltmp4:
0x2bf: {  	v48 =	vor.u32 v11, v54;
	v54 =	vxor.u32 $0xFFFFFFFF, v47;
	v61, _, _ =	vpop (xrf1);
	(xrf1) =	vsort.ascd.msk.u32 $0xffff, v3, v3;
	v3 =	vsel vm1, s22, v44;
	s22 =	smov.u32 s23;
	s23 =	smov.u32 s24;
	(pc) =	sbr.rel @p1 .LBB2_7-.Ltmp4, $4  }
0x2c0: {  	v50 =	vsel vm0, v5, v45;
	v4 =	vsel vm0, v4, v38;
	s24 =	smov.u32 s25;
	s25 =	smov.u32 s9;
	v47, _, _ =	vpop (xrf1);
	v5 =	vxor.u32 $0xFFFFFFFF, v61;
	(xrf1) =	vsort.ascd.msk.u32 $0xffff, v53, v53  }
0x2c1: {  	[tilespmem:s28+$0xFFFFFF80] =	vst v17;
	v38 =	vsel vm0, v5, v39;
	(xrf1) =	vsort.ascd.msk.u32 $0xffff, v51, v51;
	v53, _, _ =	vpop (xrf1);
	v39 =	vadd.s32 v55, v3  }
0x2c2: {  	v45 =	vxor.u32 $0xFFFFFFFF, v41;
	v44 =	vsel vm0, v56, v54;
	v3 =	vsel vm1, s10, v57;
	s10 =	smov.u32 s6;
	s6 =	smov.u32 s0;
	s0 =	smov.u32 s2;
	(xrf1) =	vsort.ascd.msk.u32 $0xffff, v4, v4;
	v51, _, _ =	vpop (xrf1)  }
0x2c3: {  	s26 =	sadd.s32 $0x100, s26;
	v54 =	vor.u32 v13, v58;
	v55 =	vxor.u32 $0xFFFFFFFF, v52;
	s2 =	smov.u32 s18;
	v41 =	vadd.s32 v60, v3;
	(xrf1) =	vsort.ascd.msk.u32 $0xffff, v59, v59;
	v52, _, _ =	vpop (xrf1)  }
0x2c4: {  	(xrf1) =	vsort.ascd.msk.u32 $0xffff, v49, v49;
	v3, _, _ =	vpop (xrf1)  }
0x2c5: {  	(xrf1) =	vsort.ascd.msk.u32 $0xffff, v35, v35;
	v4, _, _ =	vpop (xrf1)  }
0x2c6: {  	(xrf1) =	vsort.ascd.msk.u32 $0xffff, v46, v46;
	v5, _, _ =	vpop (xrf1)  }
0x2c7: {  	v59 =	vxor.u32 $0xFFFFFFFF, v53;
	(xrf1) =	vsort.ascd.msk.u32 $0xffff, v50, v50;
	v35, _, _ =	vpop (xrf1)  }
0x2c8: {  	v37 =	vsel vm0, v37, v42;
	v3 =	vsel vm0, v3, v59;
	v42, _, _ =	vpop (xrf1);
	(xrf1) =	vsort.ascd.msk.u32 $0xffff, v54, v54  }
0x2c9: {  	v46, _, _ =	vpop (xrf1);
	(xrf1) =	vsort.ascd.msk.u32 $0xffff, v37, v37  }
0x2ca: {  	(xrf1) =	vsort.ascd.msk.u32 $0xffff, v48, v48;
	v48, _, _ =	vpop (xrf1)  }
0x2cb: {  	v32 =	vxor.u32 $0xFFFFFFFF, v32;
	(xrf1) =	vsort.ascd.msk.u32 $0xffff, v3, v3;
	v3, _, _ =	vpop (xrf1)  }
0x2cc: {  	v37, _, _ =	vpop (xrf1);
	(xrf1) =	vsort.ascd.msk.u32 $0xffff, v43, v43;
	v3 =	vsel vm0, v3, v32  }
0x2cd: {  	v60 =	vxor.u32 $0xFFFFFFFF, v51;
	v43, _, _ =	vpop (xrf1);
	(xrf1) =	vsort.ascd.msk.u32 $0xffff, v3, v3  }
0x2ce: {  	v3 =	vsel vm0, v60, v52;
	v32, _, _ =	vpop (xrf1);
	(xrf1) =	vsort.ascd.msk.u32 $0xffff, v31, v31  }
0x2cf: {  	v31, _, _ =	vpop (xrf1);
	(xrf1) =	vsort.ascd.msk.u32 $0xffff, v3, v3  }
0x2d0: {  	v34 =	vsel vm0, v34, v55;
	v3 =	vsel vm0, v45, v33;
	v61, _, _ =	vpop (xrf1);
	(xrf1) =	vsort.ascd.msk.u32 $0xffff, v44, v44  }
0x2d1: {  	v62, _, _ =	vpop (xrf1);
	(xrf1) =	vsort.ascd.msk.u32 $0xffff, v3, v3;
	v3 =	vxor.u32 $0xFFFFFFFF, v4  }
0x2d2: {  	v4, _, _ =	vpop (xrf1);
	(xrf1) =	vsort.ascd.msk.u32 $0xffff, v34, v34;
	v3 =	vsel vm0, v40, v3  }
0x2d3: {  	v34, _, _ =	vpop (xrf1);
	(xrf1) =	vsort.ascd.msk.u32 $0xffff, v38, v38  }
0x2d4: {  	v63, _, _ =	vpop (xrf1);
	(xrf1) =	vsort.ascd.msk.u32 $0xffff, v3, v3  }
0x2d5: {  	v3, _, _ =	vpop (xrf1)  }
0x2d6: {  	v56, _, _ =	vpop (xrf1)  }
0x2d7: {  	v57, _, _ =	vpop (xrf1)  }
0x2d8: {  	v58, _, _ =	vpop (xrf1)  }
0x2d9: {  	v31 =	vxor.u32 $0xFFFFFFFF, v31;
	v50, _, _ =	vpop (xrf1)  }
0x2da: {  	v42 =	vxor.u32 $0xFFFFFFFF, v42;
	v31 =	vsel vm0, v31, v61;
	v59, _, _ =	vpop (xrf1)  }
0x2db: {  	v47 =	vxor.u32 $0xFFFFFFFF, v47;
	v36 =	vsel vm0, v36, v42;
	(xrf1) =	vsort.ascd.msk.u32 $0xffff, v31, v31;
	v52, _, _ =	vpop (xrf1)  }
0x2dc: {  	v61 =	vsel vm0, v62, v47;
	v38 =	vxor.u32 $0xFFFFFFFF, v63;
	(xrf1) =	vsort.ascd.msk.u32 $0xffff, v36, v36;
	v60, _, _ =	vpop (xrf1)  }
0x2dd: {  	v63 =	vxor.u32 $0xFFFFFFFF, v58;
	(xrf1) =	vsort.ascd.msk.u32 $0xffff, v61, v61;
	v38 =	vsel vm0, v38, v59;
	v31, _, _ =	vpop (xrf1)  }
0x2de: {  	v5 =	vsel vm0, v63, v5;
	(xrf1) =	vsort.ascd.msk.u32 $0xffff, v38, v38;
	v62, _, _ =	vpop (xrf1)  }
0x2df: {  	(xrf1) =	vsort.ascd.msk.u32 $0xffff, v5, v5;
	v5 =	vxor.u32 $0xFFFFFFFF, v31;
	v47, _, _ =	vpop (xrf1)  }
0x2e0: {  	v34 =	vxor.u32 $0xFFFFFFFF, v34;
	v49, _, _ =	vpop (xrf1)  }
0x2e1: {  	v4 =	vsel vm0, v4, v34;
	v51, _, _ =	vpop (xrf1)  }
0x2e2: {  	v31 =	vxor.u32 $0xFFFFFFFF, v43;
	(xrf1) =	vsort.ascd.msk.u32 $0xffff, v4, v4;
	v4 =	vsel vm0, v49, v5;
	v5, _, _ =	vpop (xrf1)  }
0x2e3: {  	(xrf1) =	vsort.ascd.msk.u32 $0xffff, v4, v4;
	v4 =	vxor.u32 $0xFFFFFFFF, v62;
	v5 =	vsel vm0, v5, v31  }
0x2e4: {  	v31 =	vxor.u32 $0xFFFFFFFF, v35;
	v4 =	vsel vm0, v4, v47;
	(xrf1) =	vsort.ascd.msk.u32 $0xffff, v5, v5  }
0x2e5: {  	v5 =	vsel vm0, v56, v31;
	v31 =	vxor.u32 $0xFFFFFFFF, v48;
	(xrf1) =	vsort.ascd.msk.u32 $0xffff, v4, v4  }
0x2e6: {  	v3 =	vxor.u32 $0xFFFFFFFF, v3;
	v4 =	vsel vm0, v31, v37;
	(xrf1) =	vsort.ascd.msk.u32 $0xffff, v5, v5;
	v5 =	vxor.u32 $0xFFFFFFFF, v60  }
0x2e7: {  	v3 =	vsel vm0, v32, v3;
	(xrf1) =	vsort.ascd.msk.u32 $0xffff, v4, v4;
	v4 =	vsel vm0, v5, v46;
	v5 =	vxor.u32 $0xFFFFFFFF, v51  }
0x2e8: {  	(xrf1) =	vsort.ascd.msk.u32 $0xffff, v3, v3;
	v3 =	vsel vm0, v57, v5  }
0x2e9: {  	(xrf1) =	vsort.ascd.msk.u32 $0xffff, v4, v4  }
0x2ea: {  	(xrf1) =	vsort.ascd.msk.u32 $0xffff, v3, v3  }
0x2eb: {  	v3, _, _ =	vpop (xrf1)  }
0x2ec: {  	v4, _, _ =	vpop (xrf1)  }
0x2ed: {  	v5, _, _ =	vpop (xrf1)  }
0x2ee: {  	v31, _, _ =	vpop (xrf1)  }
0x2ef: {  	v53, _, _ =	vpop (xrf1)  }
0x2f0: {  	v54, _, _ =	vpop (xrf1)  }
0x2f1: {  	v55, _, _ =	vpop (xrf1)  }
0x2f2: {  	v56, _, _ =	vpop (xrf1)  }
0x2f3: {  	v57, _, _ =	vpop (xrf1)  }
0x2f4: {  	v58, _, _ =	vpop (xrf1)  }
0x2f5: {  	v59, _, _ =	vpop (xrf1)  }
0x2f6: {  	v5 =	vxor.u32 $0xFFFFFFFF, v5;
	v60, _, _ =	vpop (xrf1)  }
0x2f7: {  	v5 =	vsel vm0, v5, v31;
	v36 =	vxor.u32 $0xFFFFFFFF, v57;
	v31, _, _ =	vpop (xrf1)  }
0x2f8: {  	v3 =	vxor.u32 $0xFFFFFFFF, v3;
	(xrf1) =	vsort.ascd.msk.u32 $0xffff, v5, v5;
	v5 =	vsel vm0, v60, v36;
	v61, _, _ =	vpop (xrf1)  }
0x2f9: {  	(xrf1) =	vsort.ascd.msk.u32 $0xffff, v5, v5;
	v5 =	vxor.u32 $0xFFFFFFFF, v58;
	v3 =	vsel vm0, v61, v3  }
0x2fa: {  	v32 =	vxor.u32 $0xFFFFFFFF, v53;
	v5 =	vsel vm0, v5, v59;
	(xrf1) =	vsort.ascd.msk.u32 $0xffff, v3, v3  }
0x2fb: {  	v3 =	vsel vm0, v4, v32;
	v4 =	vxor.u32 $0xFFFFFFFF, v31;
	(xrf1) =	vsort.ascd.msk.u32 $0xffff, v5, v5  }
0x2fc: {  	v4 =	vsel vm0, v54, v4;
	(xrf1) =	vsort.ascd.msk.u32 $0xffff, v3, v3  }
0x2fd: {  	(xrf1) =	vsort.ascd.msk.u32 $0xffff, v4, v4;
	_ =	sdelay $0x8  }
0x2fe: {  	v3, _, _ =	vpop (xrf1)  }
0x2ff: {  	v4, _, _ =	vpop (xrf1)  }
0x300: {  	v5, _, _ =	vpop (xrf1)  }
0x301: {  	v31, _, _ =	vpop (xrf1)  }
0x302: {  	v62, _, _ =	vpop (xrf1);
	v31 =	vxor.u32 $0xFFFFFFFF, v31  }
0x303: {  	v3 =	vxor.u32 $0xFFFFFFFF, v3;
	v31 =	vsel vm0, v62, v31;
	v63, _, _ =	vpop (xrf1)  }
0x304: {  	(xrf1) =	vsort.ascd.msk.u32 $0xffff, v31, v31;
	v3 =	vsel vm0, v63, v3  }
0x305: {  	(xrf1) =	vsort.ascd.msk.u32 $0xffff, v3, v3;
	_ =	sdelay $0x3  }
0x306: {  	[tilespmem:s28+$0x60] =	vst v17  }
0x307: {  	[tilespmem:s28+$0x70] =	vst v17  }
0x308: {  	[tilespmem:v39+s13+$0x0] =	vst.idx.msk $0x1ff, v18;
	v27 =	vshll.u32 v27, $0x7;
	v28 =	vshll.u32 v28, $0x7  }
0x309: {  	[tilespmem:s28+$0xFFFFFF90] =	vst v17;
	v29 =	vshll.u32 v29, $0x7;
	v38 =	vand.u32 $0x7F, v55;
	v37 =	vand.u32 $0x7F, v56  }
0x30a: {  	[tilespmem:v41+s13+$0x0] =	vst.idx.msk $0x1ff, v18;
	v40 =	vmov s0;
	v39 =	vsel vm1, s6, v38;
	v32 =	vsel vm1, s23, v37  }
0x30b: {  	[tilespmem:s28+$0x0] =	vst v17;
	v36 =	vand.u32 $0x7F, v50;
	v28 =	vadd.s32 v28, v32;
	v31 =	vand.u32 $0x7F, v52  }
0x30c: {  	[tilespmem:s28+$0xFFFFFFC0] =	vst v17;
	v32 =	vshll.u32 v40, $0x7;
	v3 =	vmov s10;
	v31 =	vsel vm1, s22, v31  }
0x30d: {  	[tilespmem:s28+$0xFFFFFFB0] =	vst v17;
	v3 =	vshll.u32 v3, $0x7;
	v27 =	vadd.s32 v27, v31;
	v31 =	vsel vm1, s10, v36  }
0x30e: {  	[tilespmem:s28+$0xFFFFFFF0] =	vst v17;
	v4 =	vand.u32 $0x7F, v4;
	v5 =	vand.u32 $0x7F, v5;
	v3 =	vadd.s32 v3, v31  }
0x30f: {  	[tilespmem:s28+$0xFFFFFFD0] =	vst v17;
	v4 =	vsel vm1, s0, v4;
	v5 =	vsel vm1, s24, v5;
	v31 =	vmov s6;
	v41, _, _ =	vpop (xrf1)  }
0x310: {  	[tilespmem:s28+$0xFFFFFFE0] =	vst v17;
	v4 =	vadd.s32 v32, v4;
	v5 =	vadd.s32 v29, v5;
	v31 =	vshll.u32 v31, $0x7;
	v29, _, _ =	vpop (xrf1)  }
0x311: {  	[tilespmem:s28+$0xFFFFFFA0] =	vst v17;
	v42 =	vmov s2;
	v31 =	vadd.s32 v31, v39;
	v29 =	vand.u32 $0x7F, v29  }
0x312: {  	[tilespmem:v27+s13+$0x0] =	vst.idx.msk $0x1ff, v18;
	v27 =	vshll.u32 v30, $0x7;
	v30 =	vand.u32 $0x7F, v41;
	v29 =	vsel vm1, s25, v29  }
0x313: {  	[tilespmem:v3+s13+$0x0] =	vst.idx.msk $0x1ff, v18;
	v3 =	vshll.u32 v42, $0x7;
	v27 =	vadd.s32 v27, v29;
	v29 =	vsel vm1, s2, v30  }
0x314: {  	[tilespmem:v28+s13+$0x0] =	vst.idx.msk $0x1ff, v18;
	v3 =	vadd.s32 v3, v29  }
0x315: {  	s26 =	sadd.s32 s21, s7;
	[tilespmem:v4+s13+$0x0] =	vst.idx.msk $0x1ff, v18  }
0x316: {  	s21 =	sshll.u32 s26, $0xB;
	[tilespmem:v5+s13+$0x0] =	vst.idx.msk $0x1ff, v18  }
0x317: {  	s0 =	sadd.s32 $0x1000, s21;
	[tilespmem:v31+s13+$0x0] =	vst.idx.msk $0x1ff, v18  }
0x318: {  	s0 =	sand.u32 $0x1FFFF000, s0;
	[tilespmem:v27+s13+$0x0] =	vst.idx.msk $0x1ff, v18  }
0x319: {  	s23 =	simm.s32 $0x0;
	s0 =	sadd.s32 s3, s0;
	[tilespmem:v3+s13+$0x0] =	vst.idx.msk $0x1ff, v18  }
0x31a: {  	[hbm4b:s0+s23] =	stream.linear.scatter [tilespmem:s13], [sflag:$0x3], $0x4000, $0x38;
	[tilespmem:$0x18000] =	vst v63  }
0x31b: {  	_ =	swait.ge [sflag:s17], $0x4000  }
0x31c: {  	[sflag:s17] =	ssyncset.done $0x0  }
0x31d: {  	[sflag:s17] =	ssyncadd.s32 $0xFFFFC000  }
0x31e: {  	[tilespmem:v19+s11+$0x0] =	vst.idx.msk $0xffff, v2  }
0x31f: {  	[tilespmem:v20+s11+$0x0] =	vst.idx.msk $0xffff, v2  }
0x320: {  	[tilespmem:v21+s11+$0x0] =	vst.idx.msk $0xffff, v2  }
0x321: {  	[tilespmem:v22+s11+$0x0] =	vst.idx.msk $0xffff, v2  }
0x322: {  	[tilespmem:v23+s11+$0x0] =	vst.idx.msk $0xffff, v2  }
0x323: {  	[tilespmem:v24+s11+$0x0] =	vst.idx.msk $0xffff, v2  }
0x324: {  	[tilespmem:v25+s11+$0x0] =	vst.idx.msk $0xffff, v2  }
0x325: {  	s22 =	simm.s32 $0x0;
	[tilespmem:v26+s11+$0x0] =	vst.idx.msk $0xffff, v2  }
0x326: {  	v4 =	vld [tilespmem:s22+$0xC090]  }
0x327: {  	v3 =	vld [tilespmem:s22+$0xC080]  }
0x328: {  	v22 =	vld [tilespmem:s22+$0xC010]  }
0x329: {  	v23 =	vld [tilespmem:s22+$0xC0E0]  }
0x32a: {  	v24 =	vld [tilespmem:s22+$0xC0C0]  }
0x32b: {  	v19 =	vld [tilespmem:s22+$0xC0B0];
	v4 =	vand.u32 $0xFFFFFF80, v4  }
0x32c: {  	v25 =	vld [tilespmem:s22+$0xC040];
	v3 =	vand.u32 $0xFFFFFF80, v3;
	v4 =	vxor.u32 v10, v4  }
0x32d: {  	v20 =	vld [tilespmem:s22+$0xC030];
	v22 =	vand.u32 $0xFFFFFF80, v22;
	v3 =	vor.u32 v0, v3;
	(xrf1) =	vsort.ascd.msk.u32 $0xffff, v4, v4  }
0x32e: {  	v22 =	vxor.u32 v10, v22;
	v4 =	vand.u32 $0xFFFFFF80, v23;
	v23 =	vld [tilespmem:s22+$0xC0D0];
	(xrf1) =	vsort.ascd.msk.u32 $0xffff, v3, v3  }
0x32f: {  	v24 =	vand.u32 $0xFFFFFF80, v24;
	v3 =	vor.u32 v15, v4;
	v4 =	vld [tilespmem:s22+$0xC0F0];
	(xrf1) =	vsort.ascd.msk.u32 $0xffff, v22, v22  }
0x330: {  	v19 =	vand.u32 $0xFFFFFF80, v19;
	v24 =	vor.u32 v13, v24;
	v22 =	vld [tilespmem:s22+$0xC070];
	(xrf1) =	vsort.ascd.msk.u32 $0xffff, v3, v3  }
0x331: {  	v25 =	vand.u32 $0xFFFFFF80, v25;
	v3 =	vxor.u32 v12, v19;
	v19 =	vld [tilespmem:s22+$0xC060];
	(xrf1) =	vsort.ascd.msk.u32 $0xffff, v24, v24  }
0x332: {  	v20 =	vand.u32 $0xFFFFFF80, v20;
	v25 =	vor.u32 v13, v25;
	v24 =	vld [tilespmem:s22+$0xC050];
	(xrf1) =	vsort.ascd.msk.u32 $0xffff, v3, v3  }
0x333: {  	v3 =	vxor.u32 v12, v20;
	v20 =	vand.u32 $0xFFFFFF80, v23;
	(xrf1) =	vsort.ascd.msk.u32 $0xffff, v25, v25  }
0x334: {  	v4 =	vand.u32 $0xFFFFFF80, v4;
	v20 =	vxor.u32 v14, v20;
	(xrf1) =	vsort.ascd.msk.u32 $0xffff, v3, v3  }
0x335: {  	v5 =	vld [tilespmem:s22+$0xC000];
	v22 =	vand.u32 $0xFFFFFF80, v22;
	v4 =	vxor.u32 v16, v4;
	(xrf1) =	vsort.ascd.msk.u32 $0xffff, v20, v20  }
0x336: {  	v23 =	vld [tilespmem:s22+$0xC020];
	v20 =	vxor.u32 v16, v22;
	v19 =	vand.u32 $0xFFFFFF80, v19;
	(xrf1) =	vsort.ascd.msk.u32 $0xffff, v4, v4  }
0x337: {  	s24 =	simm.s32 $0x100;
	v21 =	vld [tilespmem:s22+$0xC0A0];
	v19 =	vor.u32 v15, v19;
	v22 =	vand.u32 $0xFFFFFF80, v24;
	(xrf1) =	vsort.ascd.msk.u32 $0xffff, v20, v20  }
0x338: {  	v4 =	vld [tilespmem:s24+$0xC090];
	v20 =	vxor.u32 v14, v22;
	(xrf1) =	vsort.ascd.msk.u32 $0xffff, v19, v19  }
0x339: {  	v3 =	vld [tilespmem:s24+$0xC080];
	(xrf1) =	vsort.ascd.msk.u32 $0xffff, v20, v20  }
0x33a: {  	v26 =	vld [tilespmem:s24+$0xC010];
	v5 =	vand.u32 $0xFFFFFF80, v5  }
0x33b: {  	v27 =	vld [tilespmem:s24+$0xC0E0];
	v5 =	vor.u32 v0, v5;
	v23 =	vand.u32 $0xFFFFFF80, v23;
	v19, _, _ =	vpop (xrf1)  }
0x33c: {  	v21 =	vand.u32 $0xFFFFFF80, v21;
	v23 =	vor.u32 v11, v23;
	(xrf1) =	vsort.ascd.msk.u32 $0xffff, v5, v5;
	v5 =	vld [tilespmem:s24+$0xC0C0];
	v20, _, _ =	vpop (xrf1)  }
0x33d: {  	v21 =	vor.u32 v11, v21;
	v22 =	vld [tilespmem:s24+$0xC0B0];
	v4 =	vand.u32 $0xFFFFFF80, v4;
	(xrf1) =	vsort.ascd.msk.u32 $0xffff, v23, v23;
	v29, _, _ =	vpop (xrf1)  }
0x33e: {  	v31 =	vld [tilespmem:s24+$0xC040];
	v3 =	vand.u32 $0xFFFFFF80, v3;
	v4 =	vxor.u32 v10, v4;
	(xrf1) =	vsort.ascd.msk.u32 $0xffff, v21, v21;
	v30, _, _ =	vpop (xrf1)  }
0x33f: {  	v26 =	vand.u32 $0xFFFFFF80, v26;
	v25 =	vld [tilespmem:s24+$0xC030];
	v3 =	vor.u32 v0, v3;
	v23, _, _ =	vpop (xrf1);
	(xrf1) =	vsort.ascd.msk.u32 $0xffff, v4, v4  }
0x340: {  	v27 =	vand.u32 $0xFFFFFF80, v27;
	v26 =	vxor.u32 v10, v26;
	v21, _, _ =	vpop (xrf1);
	(xrf1) =	vsort.ascd.msk.u32 $0xffff, v3, v3  }
0x341: {  	v43 =	vld [tilespmem:s24+$0xC0D0];
	v27 =	vor.u32 v15, v27;
	v5 =	vand.u32 $0xFFFFFF80, v5;
	v4, _, _ =	vpop (xrf1);
	(xrf1) =	vsort.ascd.msk.u32 $0xffff, v26, v26  }
0x342: {  	v44 =	vld [tilespmem:s24+$0xC0F0];
	v22 =	vand.u32 $0xFFFFFF80, v22;
	v5 =	vor.u32 v13, v5;
	v3, _, _ =	vpop (xrf1);
	(xrf1) =	vsort.ascd.msk.u32 $0xffff, v27, v27  }
0x343: {  	v31 =	vand.u32 $0xFFFFFF80, v31;
	v22 =	vxor.u32 v12, v22;
	v27 =	vld [tilespmem:s24+$0xC070];
	v26, _, _ =	vpop (xrf1);
	(xrf1) =	vsort.ascd.msk.u32 $0xffff, v5, v5  }
0x344: {  	v5 =	vand.u32 $0xFFFFFF80, v25;
	v25 =	vor.u32 v13, v31;
	v45, _, _ =	vpop (xrf1);
	(xrf1) =	vsort.ascd.msk.u32 $0xffff, v22, v22  }
0x345: {  	v46, _, _ =	vpop (xrf1);
	(xrf1) =	vsort.ascd.msk.u32 $0xffff, v25, v25;
	v25 =	vld [tilespmem:s24+$0xC050]  }
0x346: {  	v31 =	vand.u32 $0xFFFFFF80, v43;
	v22 =	vld [tilespmem:s24+$0xC060];
	v5 =	vxor.u32 v12, v5;
	v47, _, _ =	vpop (xrf1)  }
0x347: {  	v33 =	vand.u32 $0xFFFFFF80, v44;
	v31 =	vxor.u32 v14, v31;
	v48, _, _ =	vpop (xrf1);
	(xrf1) =	vsort.ascd.msk.u32 $0xffff, v5, v5  }
0x348: {  	v24 =	vld [tilespmem:s24+$0xC000];
	v5 =	vxor.u32 v16, v33;
	v27 =	vand.u32 $0xFFFFFF80, v27;
	v49 =	vxor.u32 $0xFFFFFFFF, v48;
	(xrf1) =	vsort.ascd.msk.u32 $0xffff, v31, v31  }
0x349: {  	v27 =	vxor.u32 v16, v27;
	(xrf1) =	vsort.ascd.msk.u32 $0xffff, v5, v5;
	v4 =	vsel vm0, v4, v49  }
0x34a: {  	v5 =	vxor.u32 $0xFFFFFFFF, v30;
	(xrf1) =	vsort.ascd.msk.u32 $0xffff, v4, v4;
	v25 =	vand.u32 $0xFFFFFF80, v25  }
0x34b: {  	v31, _, _ =	vpop (xrf1);
	v22 =	vand.u32 $0xFFFFFF80, v22;
	v5 =	vsel vm0, v5, v45;
	(xrf1) =	vsort.ascd.msk.u32 $0xffff, v27, v27  }
0x34c: {  	v4 =	vld [tilespmem:s24+$0xC020];
	v22 =	vor.u32 v15, v22;
	v27, _, _ =	vpop (xrf1);
	(xrf1) =	vsort.ascd.msk.u32 $0xffff, v5, v5  }
0x34d: {  	v5 =	vand.u32 $0xFFFFFF80, v24;
	v24 =	vxor.u32 v14, v25;
	v25, _, _ =	vpop (xrf1);
	(xrf1) =	vsort.ascd.msk.u32 $0xffff, v22, v22;
	v22 =	vxor.u32 $0xFFFFFFFF, v27  }
0x34e: {  	v3 =	vsel vm0, v22, v3;
	v22 =	vxor.u32 $0xFFFFFFFF, v25  }
0x34f: {  	s25 =	simm.s32 $0x200;
	v28 =	vld [tilespmem:s24+$0xC0A0];
	v5 =	vor.u32 v0, v5;
	v27, _, _ =	vpop (xrf1);
	(xrf1) =	vsort.ascd.msk.u32 $0xffff, v24, v24  }
0x350: {  	v30, _, _ =	vpop (xrf1);
	(xrf1) =	vsort.ascd.msk.u32 $0xffff, v5, v5;
	v5 =	vsel vm0, v22, v21;
	v21 =	vld [tilespmem:s25+$0xC090]  }
0x351: {  	v50 =	vld [tilespmem:s25+$0xC080];
	v4 =	vand.u32 $0xFFFFFF80, v4;
	(xrf1) =	vsort.ascd.msk.u32 $0xffff, v3, v3;
	v22, _, _ =	vpop (xrf1)  }
0x352: {  	v3 =	vxor.u32 $0xFFFFFFFF, v26;
	v4 =	vor.u32 v11, v4;
	(xrf1) =	vsort.ascd.msk.u32 $0xffff, v5, v5;
	v24, _, _ =	vpop (xrf1)  }
0x353: {  	[tilespmem:s22+$0x140F0] =	vst v17;
	v3 =	vsel vm0, v23, v3;
	(xrf1) =	vsort.ascd.msk.u32 $0xffff, v4, v4;
	v4 =	vxor.u32 $0xFFFFFFFF, v29;
	v26, _, _ =	vpop (xrf1)  }
0x354: {  	[tilespmem:s22+$0x14040] =	vst v17;
	(xrf1) =	vsort.ascd.msk.u32 $0xffff, v3, v3;
	v3 =	vand.u32 $0xFFFFFF80, v28;
	v4 =	vsel vm0, v31, v4;
	v31 =	vld [tilespmem:s25+$0xC010];
	v25, _, _ =	vpop (xrf1)  }
0x355: {  	[tilespmem:s22+$0x140E0] =	vst v17;
	v3 =	vor.u32 v11, v3;
	v21 =	vand.u32 $0xFFFFFF80, v21;
	(xrf1) =	vsort.ascd.msk.u32 $0xffff, v4, v4;
	v4 =	vld [tilespmem:s25+$0xC0E0];
	v29, _, _ =	vpop (xrf1)  }
0x356: {  	[tilespmem:s22+$0x14050] =	vst v17;
	v33 =	vand.u32 $0xFFFFFF80, v50;
	v21 =	vxor.u32 v10, v21;
	(xrf1) =	vsort.ascd.msk.u32 $0xffff, v3, v3;
	v36, _, _ =	vpop (xrf1)  }
0x357: {  	[tilespmem:s22+$0x140D0] =	vst v17;
	v19 =	vxor.u32 $0xFFFFFFFF, v19;
	v5 =	vld [tilespmem:s25+$0xC0B0];
	v3 =	vor.u32 v0, v33;
	(xrf1) =	vsort.ascd.msk.u32 $0xffff, v21, v21;
	v37, _, _ =	vpop (xrf1)  }
0x358: {  	[tilespmem:s22+$0x14000] =	vst v17;
	v51 =	vld [tilespmem:s25+$0xC0C0];
	(xrf1) =	vsort.ascd.msk.u32 $0xffff, v3, v3;
	v3 =	vsel vm0, v20, v19;
	v52, _, _ =	vpop (xrf1)  }
0x359: {  	[tilespmem:s22+$0x14080] =	vst v17;
	v23 =	vld [tilespmem:s25+$0xC030];
	(xrf1) =	vsort.ascd.msk.u32 $0xffff, v3, v3;
	v3 =	vand.u32 $0xFFFFFF80, v31;
	v53, _, _ =	vpop (xrf1)  }
0x35a: {  	[tilespmem:s24+$0x140F0] =	vst v17;
	v21 =	vxor.u32 $0xFFFFFFFF, v47;
	v20 =	vld [tilespmem:s25+$0xC040];
	v4 =	vand.u32 $0xFFFFFF80, v4;
	v3 =	vxor.u32 v10, v3;
	v54, _, _ =	vpop (xrf1)  }
0x35b: {  	[tilespmem:s24+$0x14040] =	vst v17;
	v19 =	vsel vm0, v21, v46;
	v4 =	vor.u32 v15, v4;
	v31, _, _ =	vpop (xrf1)  }
0x35c: {  	[tilespmem:s24+$0x140E0] =	vst v17;
	v56 =	vld [tilespmem:s25+$0xC0F0];
	v5 =	vand.u32 $0xFFFFFF80, v5;
	(xrf1) =	vsort.ascd.msk.u32 $0xffff, v19, v19;
	v55, _, _ =	vpop (xrf1)  }
0x35d: {  	[tilespmem:s24+$0x14050] =	vst v17;
	v21 =	vand.u32 $0xFFFFFF80, v51;
	v5 =	vxor.u32 v12, v5;
	v19 =	vld [tilespmem:s25+$0xC0D0];
	(xrf1) =	vsort.ascd.msk.u32 $0xffff, v3, v3;
	v3, _, _ =	vpop (xrf1)  }
0x35e: {  	[tilespmem:s24+$0x140D0] =	vst v17;
	v23 =	vand.u32 $0xFFFFFF80, v23;
	v21 =	vor.u32 v13, v21;
	(xrf1) =	vsort.ascd.msk.u32 $0xffff, v4, v4;
	v4, _, _ =	vpop (xrf1)  }
0x35f: {  	[tilespmem:s24+$0x14000] =	vst v17;
	v58 =	vld [tilespmem:s25+$0xC070];
	v23 =	vxor.u32 v12, v23;
	v20 =	vand.u32 $0xFFFFFF80, v20;
	(xrf1) =	vsort.ascd.msk.u32 $0xffff, v21, v21;
	v57, _, _ =	vpop (xrf1)  }
0x360: {  	[tilespmem:s24+$0x14080] =	vst v17;
	v60 =	vld [tilespmem:s25+$0xC060];
	v59 =	vor.u32 v13, v20;
	(xrf1) =	vsort.ascd.msk.u32 $0xffff, v5, v5;
	v5, _, _ =	vpop (xrf1)  }
0x361: {  	[tilespmem:s25+$0x140F0] =	vst v17;
	v40 =	vand.u32 $0xFFFFFF80, v56;
	(xrf1) =	vsort.ascd.msk.u32 $0xffff, v59, v59;
	v62, _, _ =	vpop (xrf1)  }
0x362: {  	[tilespmem:s25+$0x14040] =	vst v17;
	v40 =	vxor.u32 v16, v40;
	v61 =	vand.u32 $0xFFFFFF80, v19;
	(xrf1) =	vsort.ascd.msk.u32 $0xffff, v23, v23;
	v23, _, _ =	vpop (xrf1)  }
0x363: {  	[tilespmem:s25+$0x140E0] =	vst v17;
	v24 =	vxor.u32 $0xFFFFFFFF, v24;
	v44 =	vxor.u32 v14, v61;
	v23 =	vxor.u32 $0xFFFFFFFF, v23  }
0x364: {  	(xrf1) =	vsort.ascd.msk.u32 $0xffff, v44, v44;
	v23 =	vsel vm0, v23, v31;
	v31 =	vsel vm0, v24, v52;
	v24 =	vand.u32 $0xFFFFFF80, v58  }
0x365: {  	v3 =	vxor.u32 $0xFFFFFFFF, v3;
	(xrf1) =	vsort.ascd.msk.u32 $0xffff, v40, v40;
	v49, _, _ =	vpop (xrf1);
	v41 =	vxor.u32 v16, v24;
	v24 =	vand.u32 $0xFFFFFF80, v60  }
0x366: {  	[tilespmem:s25+$0x14050] =	vst v17;
	v48 =	vld [tilespmem:s25+$0xC050];
	v3 =	vsel vm0, v29, v3;
	v29, _, _ =	vpop (xrf1);
	(xrf1) =	vsort.ascd.msk.u32 $0xffff, v23, v23  }
0x367: {  	v34 =	vld [tilespmem:s25+$0xC000];
	[tilespmem:s25+$0x140D0] =	vst v17;
	v23, _, _ =	vpop (xrf1);
	(xrf1) =	vsort.ascd.msk.u32 $0xffff, v3, v3  }
0x368: {  	[tilespmem:s25+$0x14000] =	vst v17;
	v33 =	vxor.u32 $0xFFFFFFFF, v57;
	v3 =	vor.u32 v15, v24;
	v24, _, _ =	vpop (xrf1);
	(xrf1) =	vsort.ascd.msk.u32 $0xffff, v41, v41  }
0x369: {  	s26 =	simm.s32 $0x300;
	[tilespmem:s25+$0x14080] =	vst v17;
	v39 =	vxor.u32 $0xFFFFFFFF, v55;
	v33 =	vsel vm0, v49, v33;
	(xrf1) =	vsort.ascd.msk.u32 $0xffff, v31, v31;
	v31, _, _ =	vpop (xrf1)  }
0x36a: {  	v63 =	vld [tilespmem:s25+$0xC020];
	[tilespmem:s26+$0x140F0] =	vst v17;
	v32 =	vxor.u32 $0xFFFFFFFF, v53;
	v56, _, _ =	vpop (xrf1);
	(xrf1) =	vsort.ascd.msk.u32 $0xffff, v33, v33  }
0x36b: {  	v38 =	vld [tilespmem:s26+$0xC080];
	[tilespmem:s26+$0x140E0] =	vst v17;
	v57 =	vand.u32 $0xFFFFFF80, v48;
	v32 =	vsel vm0, v32, v56;
	(xrf1) =	vsort.ascd.msk.u32 $0xffff, v3, v3  }
0x36c: {  	v34 =	vand.u32 $0xFFFFFF80, v34;
	v28 =	vld [tilespmem:s25+$0xC0A0];
	v33 =	vxor.u32 v14, v57;
	v3 =	vsel vm0, v39, v54;
	v39, _, _ =	vpop (xrf1);
	(xrf1) =	vsort.ascd.msk.u32 $0xffff, v32, v32  }
0x36d: {  	[tilespmem:s26+$0x14040] =	vst v17;
	v35 =	vld [tilespmem:s26+$0xC0A0];
	v59 =	vxor.u32 $0xFFFFFFFF, v62;
	v58 =	vor.u32 v0, v34;
	v60, _, _ =	vpop (xrf1);
	(xrf1) =	vsort.ascd.msk.u32 $0xffff, v33, v33  }
0x36e: {  	[tilespmem:s26+$0x140D0] =	vst v17;
	v51 =	vld [tilespmem:s26+$0xC090];
	v62 =	vsel vm0, v59, v36;
	v29 =	vxor.u32 $0xFFFFFFFF, v29;
	v36, _, _ =	vpop (xrf1);
	(xrf1) =	vsort.ascd.msk.u32 $0xffff, v58, v58  }
0x36f: {  	[tilespmem:s26+$0x14050] =	vst v17;
	v50 =	vand.u32 $0xFFFFFF80, v63;
	v63 =	vld [tilespmem:s26+$0xC0E0];
	v29 =	vsel vm0, v29, v25;
	v25, _, _ =	vpop (xrf1);
	(xrf1) =	vsort.ascd.msk.u32 $0xffff, v62, v62  }
0x370: {  	[tilespmem:s26+$0x14080] =	vst v17;
	v53 =	vor.u32 v11, v50;
	v55 =	vld [tilespmem:s26+$0xC0B0];
	v52 =	vxor.u32 $0xFFFFFFFF, v37;
	v43, _, _ =	vpop (xrf1);
	(xrf1) =	vsort.ascd.msk.u32 $0xffff, v29, v29  }
0x371: {  	v22 =	vxor.u32 $0xFFFFFFFF, v22;
	v28 =	vand.u32 $0xFFFFFF80, v28;
	v61 =	vld [tilespmem:s26+$0xC030];
	v26 =	vsel vm0, v26, v52;
	v47, _, _ =	vpop (xrf1);
	(xrf1) =	vsort.ascd.msk.u32 $0xffff, v53, v53  }
0x372: {  	s30 =	simm.s32 $0x1;
	s29 =	simm.s32 $0x3;
	[tilespmem:s26+$0x14000] =	vst v17;
	v28 =	vor.u32 v11, v28;
	v4 =	vsel vm0, v4, v22;
	v59 =	vld [tilespmem:s26+$0xC020];
	v40, _, _ =	vpop (xrf1);
	(xrf1) =	vsort.ascd.msk.u32 $0xffff, v26, v26  }
0x373: {  	v21 =	vmov s30;
	v20 =	vmov s29;
	v54 =	vld [tilespmem:s26+$0xC010];
	v29 =	vand.u32 $0xFFFFFF80, v51;
	v57, _, _ =	vpop (xrf1);
	(xrf1) =	vsort.ascd.msk.u32 $0xffff, v4, v4  }
0x374: {  	v41 =	vld [tilespmem:s26+$0xC060];
	v42 =	vxor.u32 $0xFFFFFFFF, v60;
	v29 =	vxor.u32 v10, v29;
	v4 =	vand.u32 $0xFFFFFF80, v38;
	v60, _, _ =	vpop (xrf1);
	(xrf1) =	vsort.ascd.msk.u32 $0xffff, v28, v28  }
0x375: {  	v5 =	vxor.u32 $0xFFFFFFFF, v5;
	v55 =	vand.u32 $0xFFFFFF80, v55;
	v37 =	vld [tilespmem:s26+$0xC070];
	v4 =	vor.u32 v0, v4;
	v28, _, _ =	vpop (xrf1);
	(xrf1) =	vsort.ascd.msk.u32 $0xffff, v29, v29  }
0x376: {  	v34 =	vand.u32 $0xFFFFFF80, v63;
	v45 =	vand.u32 $0xFFFFFF80, v61;
	v62 =	vld [tilespmem:s26+$0xC0F0];
	(xrf1) =	vsort.ascd.msk.u32 $0xffff, v4, v4;
	v4 =	vxor.u32 $0xFFFFFFFF, v27  }
0x377: {  	[tilespmem:s22+$0x14030] =	vst v17;
	v34 =	vor.u32 v15, v34;
	v45 =	vxor.u32 v12, v45;
	v56 =	vld [tilespmem:s26+$0xC0C0];
	v4 =	vsel vm0, v30, v4  }
0x378: {  	[tilespmem:s22+$0x14020] =	vst v17;
	v5 =	vsel vm0, v31, v5;
	v31 =	vxor.u32 v12, v55;
	v58 =	vld [tilespmem:s26+$0xC040];
	v63, _, _ =	vpop (xrf1);
	v27 =	vand.u32 $0xFFFFFF80, v54  }
0x379: {  	v44 =	vld [tilespmem:s26+$0xC000];
	v53 =	vand.u32 $0xFFFFFF80, v41;
	v26 =	vxor.u32 $0xFFFFFFFF, v39;
	v52, _, _ =	vpop (xrf1);
	(xrf1) =	vsort.ascd.msk.u32 $0xffff, v5, v5;
	v27 =	vxor.u32 v10, v27  }
0x37a: {  	v61 =	vld [tilespmem:s26+$0xC0D0];
	v39 =	vand.u32 $0xFFFFFF80, v35;
	v32 =	vor.u32 v15, v53;
	v35 =	vand.u32 $0xFFFFFF80, v59;
	(xrf1) =	vsort.ascd.msk.u32 $0xffff, v4, v4;
	v4, _, _ =	vpop (xrf1)  }
0x37b: {  	v29 =	vsel vm0, v42, v57;
	v57 =	vand.u32 $0xFFFFFF80, v62;
	v54 =	vld [tilespmem:s26+$0xC050];
	v5 =	vand.u32 $0xFFFFFF80, v37;
	(xrf1) =	vsort.ascd.msk.u32 $0xffff, v3, v3;
	v55, _, _ =	vpop (xrf1)  }
0x37c: {  	v62 =	vxor.u32 $0xFFFFFFFF, v40;
	v33 =	vxor.u32 v16, v5;
	v5 =	vand.u32 $0xFFFFFF80, v56;
	(xrf1) =	vsort.ascd.msk.u32 $0xffff, v27, v27;
	v27, _, _ =	vpop (xrf1)  }
0x37d: {  	s28 =	simm.s32 $0x5;
	v59 =	vxor.u32 v16, v57;
	v3 =	vand.u32 $0xFFFFFF80, v58;
	v5 =	vor.u32 v13, v5;
	(xrf1) =	vsort.ascd.msk.u32 $0xffff, v34, v34;
	v58, _, _ =	vpop (xrf1)  }
0x37e: {  	v19 =	vmov s28;
	v40 =	vsel vm0, v36, v62;
	v3 =	vor.u32 v13, v3;
	(xrf1) =	vsort.ascd.msk.u32 $0xffff, v5, v5;
	v42, _, _ =	vpop (xrf1)  }
0x37f: {  	v30 =	vxor.u32 $0xFFFFFFFF, v60;
	v56 =	vand.u32 $0xFFFFFF80, v61;
	v5 =	vand.u32 $0xFFFFFF80, v44;
	(xrf1) =	vsort.ascd.msk.u32 $0xffff, v31, v31;
	v31, _, _ =	vpop (xrf1)  }
0x380: {  	v41 =	vxor.u32 v14, v56;
	v37 =	vand.u32 $0xFFFFFF80, v54;
	v27 =	vxor.u32 $0xFFFFFFFF, v27;
	(xrf1) =	vsort.ascd.msk.u32 $0xffff, v3, v3;
	v34, _, _ =	vpop (xrf1)  }
0x381: {  	v38 =	vxor.u32 $0xFFFFFFFF, v55;
	v37 =	vxor.u32 v14, v37;
	v4 =	vsel vm0, v4, v27;
	(xrf1) =	vsort.ascd.msk.u32 $0xffff, v45, v45;
	v3, _, _ =	vpop (xrf1)  }
0x382: {  	v60 =	vxor.u32 $0xFFFFFFFF, v58;
	v27 =	vsel vm0, v38, v63;
	v38 =	vor.u32 v0, v5;
	(xrf1) =	vsort.ascd.msk.u32 $0xffff, v41, v41;
	v5, _, _ =	vpop (xrf1)  }
0x383: {  	v46 =	vsel vm0, v43, v60;
	v61 =	vxor.u32 $0xFFFFFFFF, v31;
	(xrf1) =	vsort.ascd.msk.u32 $0xffff, v59, v59;
	v5 =	vxor.u32 $0xFFFFFFFF, v5;
	v63, _, _ =	vpop (xrf1)  }
0x384: {  	s31 =	simm.s32 $0x7;
	s12 =	simm.s32 $0x8;
	s5 =	simm.s32 $0x1000;
	v31 =	vor.u32 v11, v39;
	v3 =	vxor.u32 $0xFFFFFFFF, v3;
	(xrf1) =	vsort.ascd.msk.u32 $0xffff, v4, v4;
	v45, _, _ =	vpop (xrf1);
	v5 =	vsel vm0, v5, v52  }
0x385: {  	s6 =	simm.s32 $0x2;
	s2 =	simm.s32 $0x4;
	s0 =	simm.s32 $0x6;
	v22 =	vmov s31;
	v43 =	vsel vm0, v3, v47;
	v44 =	vsel vm0, v63, v61;
	v41, _, _ =	vpop (xrf1);
	(xrf1) =	vsort.ascd.msk.u32 $0xffff, v5, v5  }
.LBB2_9:
0x386: {  	s9 =	sshra.s32 s5, $0x2;
	v3 =	vsel vm0, v42, v26;
	(xrf1) =	vsort.ascd.msk.u32 $0xffff, v46, v46;
	v5 =	vmov v24;
	v24, _, _ =	vpop (xrf1)  }
0x387: {  	s1 =	sadd.s32 $0x1, s12;
	v4 =	vxor.u32 $0xFFFFFFFF, v45;
	[tilespmem:s22+$0x14010] =	vst v17;
	v26 =	vmovc v19;
	v19 =	vmovc v22;
	v42 =	vmov v23;
	v23 =	vmov v41;
	s8 =	smov.u32 s12;
	s10 =	sadd.s32 $0x2, s12  }
0x388: {  	p1 =	slt.u32 s12, $0x7E;
	v22 =	vmov s1;
	v45 =	vld [tilespmem:s9+$0xC080];
	[tilespmem:s9+$0x140F0] =	vst v17;
	(xrf1) =	vsort.ascd.msk.u32 $0xffff, v33, v33;
	v4 =	vsel vm0, v4, v25;
	v25, _, _ =	vpop (xrf1)  }
0x389: {  	v35 =	vor.u32 v11, v35;
	v33 =	vld [tilespmem:s9+$0xC090];
	[tilespmem:s9+$0x140E0] =	vst v17;
	(xrf1) =	vsort.ascd.msk.u32 $0xffff, v29, v29;
	v29, _, _ =	vpop (xrf1);
	v25 =	vsel vm0, v25, v30  }
0x38a: {  	v41 =	vxor.u32 $0xFFFFFFFF, v28;
	v46 =	vshll.u32 v21, $0x7;
	v30 =	vld [tilespmem:s9+$0xC0B0];
	[tilespmem:s9+$0x140D0] =	vst v17;
	v36, _, _ =	vpop (xrf1);
	(xrf1) =	vsort.ascd.msk.u32 $0xffff, v25, v25  }
0x38b: {  	[tilespmem:s9+$0x14040] =	vst v17;
	v47 =	vld [tilespmem:s9+$0xC0A0];
	v39, _, _ =	vpop (xrf1);
	v25 =	vsel vm0, v41, v36;
	(xrf1) =	vsort.ascd.msk.u32 $0xffff, v44, v44;
	v41 =	vmov s23  }
0x38c: {  	v21 =	vmov v20;
	v44 =	vld [tilespmem:s9+$0xC000];
	[tilespmem:s9+$0x14050] =	vst v17;
	(xrf1) =	vsort.ascd.msk.u32 $0xffff, v32, v32;
	v28, _, _ =	vpop (xrf1);
	v32 =	vshll.u32 v41, $0x7  }
0x38d: {  	v20 =	vmov v26;
	v48 =	vld [tilespmem:s9+$0xC030];
	[tilespmem:s9+$0x14080] =	vst v17;
	v28 =	vxor.u32 $0xFFFFFFFF, v28;
	v36, _, _ =	vpop (xrf1);
	(xrf1) =	vsort.ascd.msk.u32 $0xffff, v25, v25  }
0x38e: {  	v34 =	vxor.u32 $0xFFFFFFFF, v34;
	[tilespmem:s9+$0x14000] =	vst v17;
	v26 =	vand.u32 $0xFFFFFF80, v33;
	v33 =	vld [tilespmem:s9+$0xC0E0];
	(xrf1) =	vsort.ascd.msk.u32 $0xffff, v37, v37;
	v25, _, _ =	vpop (xrf1)  }
0x38f: {  	v34 =	vsel vm0, v29, v34;
	v37 =	vld [tilespmem:s9+$0xC070];
	v49 =	vxor.u32 v10, v26;
	v26 =	vand.u32 $0xFFFFFF80, v30;
	(xrf1) =	vsort.ascd.msk.u32 $0xffff, v38, v38;
	v41, _, _ =	vpop (xrf1)  }
0x390: {  	v38 =	vld [tilespmem:s9+$0xC010];
	v50 =	vxor.u32 v12, v26;
	v26 =	vxor.u32 $0xFFFFFFFF, v39;
	v39, _, _ =	vpop (xrf1);
	(xrf1) =	vsort.ascd.msk.u32 $0xffff, v43, v43;
	[tilespmem:s22+$0x140C0] =	vst v17  }
0x391: {  	v30 =	vand.u32 $0xFFFFFF80, v45;
	v45 =	vand.u32 $0xFFFFFF80, v47;
	v43 =	vld [tilespmem:s9+$0xC060];
	v47, _, _ =	vpop (xrf1);
	(xrf1) =	vsort.ascd.msk.u32 $0xffff, v4, v4;
	[tilespmem:s22+$0x140B0] =	vst v17  }
0x392: {  	v4 =	vand.u32 $0xFFFFFF80, v48;
	v48 =	vor.u32 v0, v30;
	v51 =	vld [tilespmem:s9+$0xC0C0];
	(xrf1) =	vsort.ascd.msk.u32 $0xffff, v35, v35;
	v29, _, _ =	vpop (xrf1);
	[tilespmem:s22+$0x140A0] =	vst v17  }
0x393: {  	v4 =	vxor.u32 v12, v4;
	v35 =	vld [tilespmem:s9+$0xC040];
	v30 =	vand.u32 $0xFFFFFF80, v33;
	(xrf1) =	vsort.ascd.msk.u32 $0xffff, v40, v40;
	[tilespmem:s22+$0x14070] =	vst v17;
	v33, _, _ =	vpop (xrf1)  }
0x394: {  	v40 =	vld [tilespmem:s9+$0xC020];
	v52 =	vor.u32 v15, v30;
	(xrf1) =	vsort.ascd.msk.u32 $0xffff, v3, v3;
	v3, _, _ =	vpop (xrf1);
	[tilespmem:s22+$0x14060] =	vst v17;
	v33 =	vand.u32 $0x7F, v33  }
0x395: {  	v29 =	vsel vm0, v28, v29;
	v53 =	vld [tilespmem:s9+$0xC0D0];
	(xrf1) =	vsort.ascd.msk.u32 $0xffff, v31, v31;
	v28, _, _ =	vpop (xrf1);
	v30 =	vxor.u32 $0xFFFFFFFF, v3;
	v3 =	vsel vm1, s23, v33;
	s23 =	smov.u32 s6;
	s6 =	smov.u32 s2;
	s2 =	smov.u32 s0  }
0x396: {  	v31 =	vand.u32 $0xFFFFFF80, v38;
	v33 =	vand.u32 $0xFFFFFF80, v37;
	s0 =	smov.u32 s8;
	v37 =	vld [tilespmem:s9+$0xC0F0];
	(xrf1) =	vsort.ascd.msk.u32 $0xffff, v49, v49;
	v38, _, _ =	vpop (xrf1);
	v3 =	vadd.s32 v32, v3  }
0x397: {  	v42 =	vxor.u32 $0xFFFFFFFF, v42;
	v31 =	vxor.u32 v10, v31;
	v33 =	vxor.u32 v16, v33;
	(xrf1) =	vsort.ascd.msk.u32 $0xffff, v48, v48;
	v48, _, _ =	vpop (xrf1)  }
0x398: {  	v54 =	vsel vm0, v5, v42;
	v49 =	vand.u32 $0xFFFFFF80, v35;
	v35 =	vand.u32 $0xFFFFFF80, v51;
	(xrf1) =	vsort.ascd.msk.u32 $0xffff, v34, v34;
	v32, _, _ =	vpop (xrf1)  }
0x399: {  	v34 =	vand.u32 $0xFFFFFF80, v43;
	v42 =	vor.u32 v13, v35;
	(xrf1) =	vsort.ascd.msk.u32 $0xffff, v54, v54;
	v5, _, _ =	vpop (xrf1);
	v35 =	vand.u32 $0x7F, v32  }
0x39a: {  	v32 =	vor.u32 v15, v34;
	v43 =	vld [tilespmem:s9+$0xC050];
	v34 =	vand.u32 $0xFFFFFF80, v53;
	v51, _, _ =	vpop (xrf1);
	(xrf1) =	vsort.ascd.msk.u32 $0xffff, v27, v27;
	v27 =	vsel vm1, s30, v35;
	s30 =	smov.u32 s29;
	s29 =	smov.u32 s28;
	s28 =	smov.u32 s31  }
0x39b: {  	v35 =	vand.u32 $0xFFFFFF80, v40;
	s31 =	smov.u32 s1;
	v53 =	vand.u32 $0xFFFFFF80, v37;
	(xrf1) =	vsort.ascd.msk.u32 $0xffff, v31, v31;
	v31, _, _ =	vpop (xrf1);
	v40 =	vadd.s32 v46, v27  }
0x39c: {  	v27 =	vxor.u32 $0xFFFFFFFF, v51;
	v46 =	vxor.u32 v16, v53;
	(xrf1) =	vsort.ascd.msk.u32 $0xffff, v52, v52;
	v37, _, _ =	vpop (xrf1);
	v51 =	vxor.u32 $0xFFFFFFFF, v31  }
0x39d: {  	v44 =	vand.u32 $0xFFFFFF80, v44;
	(xrf1) =	vsort.ascd.msk.u32 $0xffff, v42, v42;
	v42, _, _ =	vpop (xrf1);
	v5 =	vsel vm0, v5, v51;
	[tilespmem:v3+s14+$0x0] =	vst.idx.msk $0x1ff, v18  }
0x39e: {  	v51 =	vor.u32 v13, v49;
	v49 =	vxor.u32 v14, v34;
	(xrf1) =	vsort.ascd.msk.u32 $0xffff, v50, v50;
	v50 =	vxor.u32 $0xFFFFFFFF, v37;
	v31, _, _ =	vpop (xrf1)  }
0x39f: {  	v27 =	vsel vm0, v27, v38;
	v37 =	vand.u32 $0xFFFFFF80, v43;
	(xrf1) =	vsort.ascd.msk.u32 $0xffff, v51, v51;
	v34, _, _ =	vpop (xrf1);
	[tilespmem:s22+$0x14090] =	vst v17;
	s22 =	smov.u32 s24;
	s24 =	smov.u32 s25;
	s25 =	smov.u32 s26  }
.Ltmp5:
0x3a0: {  	s26 =	smov.u32 s9;
	v37 =	vxor.u32 v14, v37;
	(xrf1) =	vsort.ascd.msk.u32 $0xffff, v4, v4;
	v3, _, _ =	vpop (xrf1);
	v4 =	vxor.u32 $0xFFFFFFFF, v31;
	[tilespmem:v40+s14+$0x0] =	vst.idx.msk $0x1ff, v18;
	(pc) =	sbr.rel @p1 .LBB2_9-.Ltmp5, $4  }
0x3a1: {  	v38 =	vor.u32 v0, v44;
	v31 =	vor.u32 v11, v45;
	(xrf1) =	vsort.ascd.msk.u32 $0xffff, v49, v49;
	v3 =	vxor.u32 $0xFFFFFFFF, v3;
	v40, _, _ =	vpop (xrf1)  }
0x3a2: {  	v47 =	vxor.u32 $0xFFFFFFFF, v47;
	(xrf1) =	vsort.ascd.msk.u32 $0xffff, v46, v46;
	v46 =	vsel vm0, v41, v50;
	v40 =	vxor.u32 $0xFFFFFFFF, v40;
	v41, _, _ =	vpop (xrf1)  }
0x3a3: {  	v45, _, _ =	vpop (xrf1);
	v44 =	vsel vm0, v41, v4;
	v4 =	vsel vm0, v40, v48;
	[tilespmem:s22+$0x14030] =	vst v17;
	(xrf1) =	vsort.ascd.msk.u32 $0xffff, v5, v5  }
0x3a4: {  	s5 =	sadd.s32 $0x400, s5;
	s12 =	smov.u32 s10;
	v43 =	vsel vm0, v3, v39;
	v40 =	vsel vm0, v36, v47;
	v41, _, _ =	vpop (xrf1);
	(xrf1) =	vsort.ascd.msk.u32 $0xffff, v4, v4;
	[tilespmem:s22+$0x14020] =	vst v17  }
0x3a5: {  	v3, _, _ =	vpop (xrf1);
	(xrf1) =	vsort.ascd.msk.u32 $0xffff, v46, v46  }
0x3a6: {  	(xrf1) =	vsort.ascd.msk.u32 $0xffff, v33, v33;
	v4, _, _ =	vpop (xrf1)  }
0x3a7: {  	(xrf1) =	vsort.ascd.msk.u32 $0xffff, v29, v29;
	v5, _, _ =	vpop (xrf1);
	v4 =	vsel vm0, v4, v30  }
0x3a8: {  	v56, _, _ =	vpop (xrf1);
	(xrf1) =	vsort.ascd.msk.u32 $0xffff, v4, v4;
	v4 =	vxor.u32 $0xFFFFFFFF, v28  }
0x3a9: {  	v28, _, _ =	vpop (xrf1);
	(xrf1) =	vsort.ascd.msk.u32 $0xffff, v44, v44;
	v4 =	vsel vm0, v4, v56  }
0x3aa: {  	(xrf1) =	vsort.ascd.msk.u32 $0xffff, v32, v32;
	v57, _, _ =	vpop (xrf1)  }
0x3ab: {  	v30, _, _ =	vpop (xrf1);
	(xrf1) =	vsort.ascd.msk.u32 $0xffff, v4, v4  }
0x3ac: {  	(xrf1) =	vsort.ascd.msk.u32 $0xffff, v37, v37;
	v4, _, _ =	vpop (xrf1)  }
0x3ad: {  	v58 =	vxor.u32 $0xFFFFFFFF, v45;
	(xrf1) =	vsort.ascd.msk.u32 $0xffff, v38, v38;
	v59, _, _ =	vpop (xrf1)  }
0x3ae: {  	v35 =	vor.u32 v11, v35;
	v25 =	vsel vm0, v58, v25;
	v32, _, _ =	vpop (xrf1);
	(xrf1) =	vsort.ascd.msk.u32 $0xffff, v43, v43  }
0x3af: {  	v36, _, _ =	vpop (xrf1);
	(xrf1) =	vsort.ascd.msk.u32 $0xffff, v25, v25  }
0x3b0: {  	v26 =	vsel vm0, v42, v26;
	(xrf1) =	vsort.ascd.msk.u32 $0xffff, v35, v35;
	v60, _, _ =	vpop (xrf1)  }
0x3b1: {  	(xrf1) =	vsort.ascd.msk.u32 $0xffff, v40, v40;
	v35, _, _ =	vpop (xrf1)  }
0x3b2: {  	v34 =	vxor.u32 $0xFFFFFFFF, v34;
	v61, _, _ =	vpop (xrf1)  }
0x3b3: {  	v5 =	vsel vm0, v5, v34;
	(xrf1) =	vsort.ascd.msk.u32 $0xffff, v26, v26;
	v26, _, _ =	vpop (xrf1)  }
0x3b4: {  	v23 =	vxor.u32 $0xFFFFFFFF, v23;
	(xrf1) =	vsort.ascd.msk.u32 $0xffff, v31, v31;
	v31, _, _ =	vpop (xrf1)  }
0x3b5: {  	v23 =	vsel vm0, v24, v23;
	v62, _, _ =	vpop (xrf1);
	(xrf1) =	vsort.ascd.msk.u32 $0xffff, v5, v5  }
0x3b6: {  	v5, _, _ =	vpop (xrf1);
	(xrf1) =	vsort.ascd.msk.u32 $0xffff, v23, v23  }
0x3b7: {  	v63, _, _ =	vpop (xrf1);
	(xrf1) =	vsort.ascd.msk.u32 $0xffff, v27, v27  }
0x3b8: {  	v24, _, _ =	vpop (xrf1)  }
0x3b9: {  	v48, _, _ =	vpop (xrf1)  }
0x3ba: {  	v49, _, _ =	vpop (xrf1)  }
0x3bb: {  	v39, _, _ =	vpop (xrf1)  }
0x3bc: {  	v50, _, _ =	vpop (xrf1)  }
0x3bd: {  	v51, _, _ =	vpop (xrf1)  }
0x3be: {  	v52, _, _ =	vpop (xrf1)  }
0x3bf: {  	v27 =	vxor.u32 $0xFFFFFFFF, v48;
	v53, _, _ =	vpop (xrf1)  }
0x3c0: {  	v23 =	vsel vm0, v63, v27;
	v54 =	vxor.u32 $0xFFFFFFFF, v53  }
0x3c1: {  	v55 =	vxor.u32 $0xFFFFFFFF, v49;
	(xrf1) =	vsort.ascd.msk.u32 $0xffff, v23, v23;
	v56, _, _ =	vpop (xrf1);
	v27 =	vsel vm0, v54, v62  }
0x3c2: {  	v29 =	vxor.u32 $0xFFFFFFFF, v57;
	v33 =	vsel vm0, v59, v55;
	v57, _, _ =	vpop (xrf1);
	(xrf1) =	vsort.ascd.msk.u32 $0xffff, v27, v27  }
0x3c3: {  	v25 =	vsel vm0, v29, v60;
	v58 =	vxor.u32 $0xFFFFFFFF, v61;
	(xrf1) =	vsort.ascd.msk.u32 $0xffff, v33, v33;
	v59, _, _ =	vpop (xrf1)  }
0x3c4: {  	v60 =	vxor.u32 $0xFFFFFFFF, v50;
	(xrf1) =	vsort.ascd.msk.u32 $0xffff, v25, v25;
	v61, _, _ =	vpop (xrf1);
	v27 =	vsel vm0, v59, v58  }
0x3c5: {  	v26 =	vxor.u32 $0xFFFFFFFF, v26;
	v23 =	vsel vm0, v56, v60;
	v62, _, _ =	vpop (xrf1);
	(xrf1) =	vsort.ascd.msk.u32 $0xffff, v27, v27  }
0x3c6: {  	v63 =	vxor.u32 $0xFFFFFFFF, v52;
	v26 =	vsel vm0, v26, v62;
	(xrf1) =	vsort.ascd.msk.u32 $0xffff, v23, v23  }
0x3c7: {  	v37 =	vxor.u32 $0xFFFFFFFF, v57;
	v33 =	vsel vm0, v63, v32;
	(xrf1) =	vsort.ascd.msk.u32 $0xffff, v26, v26  }
0x3c8: {  	v38 =	vxor.u32 $0xFFFFFFFF, v36;
	v4 =	vsel vm0, v37, v4;
	(xrf1) =	vsort.ascd.msk.u32 $0xffff, v33, v33  }
0x3c9: {  	v40 =	vxor.u32 $0xFFFFFFFF, v28;
	v26 =	vsel vm0, v30, v38;
	(xrf1) =	vsort.ascd.msk.u32 $0xffff, v4, v4  }
0x3ca: {  	v42 =	vxor.u32 $0xFFFFFFFF, v51;
	v4 =	vsel vm0, v39, v40;
	(xrf1) =	vsort.ascd.msk.u32 $0xffff, v26, v26  }
0x3cb: {  	v23 =	vsel vm0, v61, v42;
	(xrf1) =	vsort.ascd.msk.u32 $0xffff, v4, v4;
	v4 =	vxor.u32 $0xFFFFFFFF, v41  }
0x3cc: {  	v24 =	vxor.u32 $0xFFFFFFFF, v24;
	v3 =	vsel vm0, v3, v4;
	(xrf1) =	vsort.ascd.msk.u32 $0xffff, v23, v23  }
0x3cd: {  	v4 =	vsel vm0, v24, v31;
	(xrf1) =	vsort.ascd.msk.u32 $0xffff, v3, v3  }
0x3ce: {  	(xrf1) =	vsort.ascd.msk.u32 $0xffff, v4, v4  }
0x3cf: {  	v3, _, _ =	vpop (xrf1)  }
0x3d0: {  	v4, _, _ =	vpop (xrf1)  }
0x3d1: {  	v43, _, _ =	vpop (xrf1)  }
0x3d2: {  	v44, _, _ =	vpop (xrf1)  }
0x3d3: {  	v45, _, _ =	vpop (xrf1)  }
0x3d4: {  	v46, _, _ =	vpop (xrf1)  }
0x3d5: {  	v47, _, _ =	vpop (xrf1)  }
0x3d6: {  	v48, _, _ =	vpop (xrf1)  }
0x3d7: {  	v49, _, _ =	vpop (xrf1)  }
0x3d8: {  	v27 =	vxor.u32 $0xFFFFFFFF, v47;
	v50, _, _ =	vpop (xrf1)  }
0x3d9: {  	v26 =	vsel vm0, v46, v27;
	v51 =	vxor.u32 $0xFFFFFFFF, v50;
	v52, _, _ =	vpop (xrf1)  }
0x3da: {  	v4 =	vxor.u32 $0xFFFFFFFF, v4;
	(xrf1) =	vsort.ascd.msk.u32 $0xffff, v26, v26;
	v24 =	vsel vm0, v51, v44;
	v53, _, _ =	vpop (xrf1)  }
0x3db: {  	v54 =	vxor.u32 $0xFFFFFFFF, v48;
	(xrf1) =	vsort.ascd.msk.u32 $0xffff, v24, v24;
	v55, _, _ =	vpop (xrf1);
	v4 =	vsel vm0, v53, v4  }
0x3dc: {  	v23 =	vxor.u32 $0xFFFFFFFF, v43;
	v56 =	vsel vm0, v52, v54;
	v57, _, _ =	vpop (xrf1);
	(xrf1) =	vsort.ascd.msk.u32 $0xffff, v4, v4  }
0x3dd: {  	v23 =	vsel vm0, v23, v57;
	(xrf1) =	vsort.ascd.msk.u32 $0xffff, v56, v56  }
0x3de: {  	v5 =	vand.u32 $0x7F, v5;
	(xrf1) =	vsort.ascd.msk.u32 $0xffff, v23, v23  }
0x3df: {  	v21 =	vshll.u32 v21, $0x7;
	v5 =	vsel vm1, s30, v5  }
0x3e0: {  	[tilespmem:s22+$0x14010] =	vst v17;
	v5 =	vadd.s32 v21, v5  }
0x3e1: {  	[tilespmem:s22+$0x140C0] =	vst v17;
	v58 =	vand.u32 $0x7F, v35;
	v60 =	vxor.u32 $0xFFFFFFFF, v49;
	v4 =	vmov s23  }
0x3e2: {  	[tilespmem:s22+$0x140B0] =	vst v17;
	v59 =	vsel vm1, s23, v58;
	v4 =	vshll.u32 v4, $0x7;
	v23 =	vsel vm0, v55, v60  }
0x3e3: {  	[tilespmem:s22+$0x140A0] =	vst v17;
	v4 =	vadd.s32 v4, v59;
	(xrf1) =	vsort.ascd.msk.u32 $0xffff, v23, v23  }
0x3e4: {  	[tilespmem:s22+$0x14070] =	vst v17  }
0x3e5: {  	[tilespmem:s22+$0x14060] =	vst v17  }
0x3e6: {  	[tilespmem:s22+$0x14090] =	vst v17  }
0x3e7: {  	[tilespmem:v5+s14+$0x0] =	vst.idx.msk $0x1ff, v18  }
0x3e8: {  	v3 =	vand.u32 $0x7F, v3;
	[tilespmem:v4+s14+$0x0] =	vst.idx.msk $0x1ff, v18;
	v4 =	vmov s6;
	v5, _, _ =	vpop (xrf1)  }
0x3e9: {  	[tilespmem:s24+$0x14030] =	vst v17;
	v20 =	vshll.u32 v20, $0x7;
	v3 =	vsel vm1, s6, v3;
	v4 =	vshll.u32 v4, $0x7;
	v61, _, _ =	vpop (xrf1)  }
0x3ea: {  	[tilespmem:s24+$0x14020] =	vst v17;
	v3 =	vadd.s32 v4, v3;
	v4 =	vand.u32 $0x7F, v45;
	v62, _, _ =	vpop (xrf1)  }
0x3eb: {  	[tilespmem:s24+$0x14010] =	vst v17;
	v4 =	vsel vm1, s29, v4;
	v63, _, _ =	vpop (xrf1)  }
0x3ec: {  	[tilespmem:s24+$0x140C0] =	vst v17;
	v4 =	vadd.s32 v20, v4;
	v20, _, _ =	vpop (xrf1)  }
0x3ed: {  	[tilespmem:s24+$0x140B0] =	vst v17;
	v20 =	vxor.u32 $0xFFFFFFFF, v20  }
0x3ee: {  	[tilespmem:s24+$0x140A0] =	vst v17;
	v20 =	vsel vm0, v63, v20  }
0x3ef: {  	[tilespmem:s24+$0x14070] =	vst v17  }
0x3f0: {  	[tilespmem:s24+$0x14060] =	vst v17  }
0x3f1: {  	[tilespmem:v3+s14+$0x0] =	vst.idx.msk $0x1ff, v18;
	v3 =	vxor.u32 $0xFFFFFFFF, v61;
	(xrf1) =	vsort.ascd.msk.u32 $0xffff, v20, v20;
	v20, _, _ =	vpop (xrf1)  }
0x3f2: {  	[tilespmem:s24+$0x14090] =	vst v17;
	v3 =	vsel vm0, v20, v3  }
0x3f3: {  	[tilespmem:s25+$0x14030] =	vst v17;
	(xrf1) =	vsort.ascd.msk.u32 $0xffff, v3, v3  }
0x3f4: {  	[tilespmem:s25+$0x14020] =	vst v17  }
0x3f5: {  	[tilespmem:s25+$0x14010] =	vst v17  }
0x3f6: {  	[tilespmem:s25+$0x140C0] =	vst v17  }
0x3f7: {  	[tilespmem:v4+s14+$0x0] =	vst.idx.msk $0x1ff, v18;
	v4 =	vand.u32 $0x7F, v5;
	v3 =	vmov s2  }
0x3f8: {  	[tilespmem:s25+$0x140B0] =	vst v17;
	v4 =	vsel vm1, s2, v4;
	v3 =	vshll.u32 v3, $0x7  }
0x3f9: {  	[tilespmem:s25+$0x140A0] =	vst v17;
	v3 =	vadd.s32 v3, v4;
	v4 =	vand.u32 $0x7F, v62  }
0x3fa: {  	[tilespmem:s25+$0x14070] =	vst v17;
	v5 =	vshll.u32 v19, $0x7;
	v4 =	vsel vm1, s28, v4  }
0x3fb: {  	[tilespmem:s25+$0x14060] =	vst v17;
	v4 =	vadd.s32 v5, v4  }
0x3fc: {  	[tilespmem:s25+$0x14090] =	vst v17  }
0x3fd: {  	[tilespmem:s26+$0x14030] =	vst v17  }
0x3fe: {  	[tilespmem:s26+$0x14020] =	vst v17  }
0x3ff: {  	[tilespmem:v3+s14+$0x0] =	vst.idx.msk $0x1ff, v18;
	v3, _, _ =	vpop (xrf1)  }
0x400: {  	[tilespmem:v4+s14+$0x0] =	vst.idx.msk $0x1ff, v18;
	v4 =	vmov s0;
	v3 =	vand.u32 $0x7F, v3  }
0x401: {  	[tilespmem:s26+$0x14010] =	vst v17;
	v4 =	vshll.u32 v4, $0x7;
	v3 =	vsel vm1, s0, v3;
	v5, _, _ =	vpop (xrf1)  }
0x402: {  	[tilespmem:s26+$0x140C0] =	vst v17;
	v3 =	vadd.s32 v4, v3;
	v4 =	vand.u32 $0x7F, v5  }
0x403: {  	[tilespmem:s26+$0x140B0] =	vst v17;
	v5 =	vshll.u32 v22, $0x7;
	v4 =	vsel vm1, s31, v4  }
0x404: {  	[tilespmem:s26+$0x140A0] =	vst v17;
	v4 =	vadd.s32 v5, v4  }
0x405: {  	[tilespmem:s26+$0x14070] =	vst v17  }
.Ltmp6:
0x406: {  	[tilespmem:s26+$0x14060] =	vst v17;
	(pc) =	sbr.rel @p0 .LBB2_12-.Ltmp6, $4  }
0x407: {  	[tilespmem:s26+$0x14090] =	vst v17;
	s31 =	sadd.s32 $0x1800, s21  }
0x408: {  	s0 =	sand.u32 $0x1FFFF800, s31;
	[tilespmem:v3+s14+$0x0] =	vst.idx.msk $0x1ff, v18  }
0x409: {  	s0 =	sadd.s32 s3, s0;
	[tilespmem:v4+s14+$0x0] =	vst.idx.msk $0x1ff, v18  }
0x40a: {  	[hbm4b:s0+s4] =	stream.linear.scatter [tilespmem:s14], [sflag:$0x4], $0x4000, $0x38;
	[tilespmem:$0x18000] =	vst v63  }
0x40b: {  	s0 =	rddreg [dreg:$0x6]  }
.Ltmp7:
0x40c: {  	s0 =	sadd.s32 s20, s0;
	(pc) =	sbr.rel .LBB2_2-.Ltmp7, $4  }
0x40d: {  	s0 =	sshll.u32 s0, $0xC  }
0x40e: {  	s1 =	rddreg [dreg:$0x0];
	s0 =	sand.u32 $0x1FFFF000, s0  }
0x40f: {  	s19 =	sadd.s32 $0x1, s19;
	s0 =	sadd.s32 s1, s0  }
0x410: {  	v4 =	vmov v6;
	v5 =	vmov v7;
	[tilespmem:s11], [sflag:$0x2] =	stream.linear.gather [hbm4b:s0+s4], $0x8000, $0x38;
	[tilespmem:$0x18000] =	vst v63  }
.LBB2_13:
0x411: {  	_ =	sfence.sel $0x180000  }
0x412: {  	[bflag:$0x0] =	sbarrier.arrive $0xFFFF  }
0x413: {  	_ =	strace $0x90000047  }
0x414: {  	s0 =	stileid.u32;
	[bflag:$0x2] =	sbarrier.arrive $0xFFFF  }
0x415: {  	p0 =	sne.s32 s0, $0x0;
	s0 =	rddreg [dreg:$0x2]  }
0x416: {  	s0 =	sadd.s32 @!p0 $0x100000, s0  }
0x417: {  	[sflag:s0] =	ssyncadd.tile.s32 @!p0 $0x1;
	_ =	shalt  }
.Lfunc_end2:
_tile_overlayer_lowered:
.L_overlay_start_2:
0x418: {  	(tag) =	ssettag $0x2  }
0x419: {  	s0 =	rddreg [dreg:$0x0];
	s2 =	stileid.u32  }
0x41a: {  	s1 =	rddreg [dreg:$0x1];
	p0 =	sne.s32 s2, $0x0  }
0x41b: {  	s3 =	rddreg [dreg:$0x2];
	[bflag:$0x3] =	sbarrier.arrive $0xFFFF;
	s2 =	simm.s32 @!p0 $0x1C05  }
0x41c: {  	[timem:s3], [sflag:s2] =	dma.local @!p0 [hbm:s0], s1  }
0x41d: {  	s0 =	simm.s32 @!p0 $0x5  }
0x41e: {  	_ =	swait.ge @!p0 [sflag:s0], s1  }
0x41f: {  	s1 =	ssub.s32 @!p0 $0x0, s1;
	[sflag:s0] =	ssyncset.done @!p0 $0x0  }
0x420: {  	[sflag:s0] =	ssyncadd.s32 @!p0 s1  }
0x421: {  	[bflag:$0x3] =	sbarrier.arrive $0xFFFF  }
0x422: {  	_ =	shalt  }

</sc_bundles>
